<compile_context>
chip_gen: v7x
topology: tpu7x:2x2x1
jax: 0.10.2.dev20260603
libtpu: 0.0.44.dev20260713+nightly
codegen_flags: <defaults>
</compile_context>

<pallas_src>
import functools

import jax
import jax.numpy as jnp
from jax import lax
from jax.experimental import pallas as pl
from jax.experimental.pallas import tpu as pltpu
from jax.experimental.pallas import tpu_sc as plsc

N = 10000
E = 320000
D_IN = 256
H1 = 128
H2 = 64

NC = 2
NS = 16
NW = NC * NS
EC = 128
ROWS_PER_W = 80
E_ROWS_PAD = ROWS_PER_W * NW
E_PAD = E_ROWS_PAD * EC
N_PAD = 10240
N_SUB = N_PAD // NS
GRP = 8


R0 = 128
R1 = 32
PAIR_SHIFT = 14
PAIR_BASE = 1 << PAIR_SHIFT
G0 = R0 // GRP
G1 = R1 // GRP
assert R0 % GRP == 0 and R1 % GRP == 0
assert (R0 + R1) * NS == E_ROWS_PAD


def _seg_sum_body(table, pair2d, zrows, agg_out,
                  pair_v, src_v, dst_v, rows_v, agg_sh, sem_a, sem_b):
    c = lax.axis_index("c")
    s = lax.axis_index("s")

    for t in range(N_SUB // EC):
        pltpu.sync_copy(zrows, agg_sh.at[pl.ds(s * N_SUB + t * EC, EC)])
    plsc.subcore_barrier()

    my_groups = jnp.where(c == 0, G0, G1)
    base = jnp.where(c == 0, s * R0, NS * R0 + s * R1)

    def group(g, carry):
        @pl.when(g < my_groups)
        def _():
            pltpu.sync_copy(pair2d.at[pl.ds(base + g * GRP, GRP)], pair_v)

            def unpack(t, c2):
                j = t // (EC // 16)
                k = (t % (EC // 16)) * 16
                v = pair_v[j, pl.ds(k, 16)]
                src_v[j, pl.ds(k, 16)] = jnp.bitwise_and(v, PAIR_BASE - 1)
                dst_v[j, pl.ds(k, 16)] = lax.shift_right_logical(v,
                                                                 PAIR_SHIFT)
                return c2

            lax.fori_loop(0, GRP * (EC // 16), unpack, 0)

            sems = (sem_a, sem_b)
            pending = pltpu.async_copy(table.at[src_v.at[0]], rows_v.at[0],
                                       sems[0])
            for j in range(GRP):
                pending.wait()
                if j + 1 < GRP:
                    pending = pltpu.async_copy(table.at[src_v.at[j + 1]],
                                               rows_v.at[(j + 1) % 2],
                                               sems[(j + 1) % 2])
                pltpu.sync_copy(rows_v.at[j % 2], agg_sh.at[dst_v.at[j]],
                                add=True)

        return carry

    lax.fori_loop(0, G0, group, 0)
    plsc.subcore_barrier()

    pltpu.sync_copy(agg_sh.at[pl.ds(s * N_SUB, N_SUB)],
                    agg_out.at[c, pl.ds(s * N_SUB, N_SUB)])


def _deg_body(dst2d, ones_hbm, zrows, deg_out,
              dst_v, ones_v, deg_sh):
    c = lax.axis_index("c")
    s = lax.axis_index("s")
    w = s * NC + c
    base = w * (E_ROWS_PAD // NW)

    for t in range(N_SUB // EC):
        pltpu.sync_copy(zrows, deg_sh.at[pl.ds(s * N_SUB + t * EC, EC)])
    pltpu.sync_copy(ones_hbm, ones_v)
    plsc.subcore_barrier()

    def group(g, carry):
        pltpu.sync_copy(dst2d.at[pl.ds(base + g * GRP, GRP)], dst_v)

        def body(j, c2):
            pltpu.sync_copy(ones_v, deg_sh.at[dst_v.at[j]], add=True)
            return c2

        return lax.fori_loop(0, GRP, body, carry)

    lax.fori_loop(0, (E_ROWS_PAD // NW) // GRP, group, 0)
    plsc.subcore_barrier()

    pltpu.sync_copy(deg_sh.at[pl.ds(s * N_SUB, N_SUB)],
                    deg_out.at[c, pl.ds(s * N_SUB, N_SUB)])


@functools.cache
def _sc_kernels(d):
    mesh = plsc.VectorSubcoreMesh(core_axis_name="c", subcore_axis_name="s",
                                  num_cores=NC, num_subcores=NS)
    return pl.kernel(
        _seg_sum_body,
        out_type=jax.ShapeDtypeStruct((NC, N_PAD, d), jnp.float32),
        mesh=mesh,
        scratch_types=[
            pltpu.VMEM((GRP, EC), jnp.int32),
            pltpu.VMEM((GRP, EC), jnp.int32),
            pltpu.VMEM((GRP, EC), jnp.int32),
            pltpu.VMEM((2, EC, d), jnp.float32),
            pltpu.VMEM_SHARED((N_PAD, d), jnp.float32),
            pltpu.SemaphoreType.DMA,
            pltpu.SemaphoreType.DMA,
        ],
    )


def _seg_sum(table, pair2d, zrows):
    return _sc_kernels(table.shape[1])(table, pair2d, zrows)


@functools.cache
def _deg_kernel():
    mesh = plsc.VectorSubcoreMesh(core_axis_name="c", subcore_axis_name="s",
                                  num_cores=NC, num_subcores=NS)
    return pl.kernel(
        _deg_body,
        out_type=jax.ShapeDtypeStruct((NC, N_PAD, H1), jnp.float32),
        mesh=mesh,
        scratch_types=[
            pltpu.VMEM((GRP, EC), jnp.int32),
            pltpu.VMEM((EC, H1), jnp.float32),
            pltpu.VMEM_SHARED((N_PAD, H1), jnp.float32),
        ],
    )



_BM = 1000


def _proj_body(x_ref, ws_ref, wn_ref, b_ref, xs_ref, xn_ref):
    xv = x_ref[...]
    xs_ref[...] = jnp.dot(xv, ws_ref[...],
                          preferred_element_type=jnp.float32) + b_ref[...]
    xn_ref[...] = jnp.dot(xv, wn_ref[...], preferred_element_type=jnp.float32)


def _tc_proj(x, w_self, w_neigh, b):
    return pl.pallas_call(
        _proj_body,
        grid=(N // _BM,),
        in_specs=[
            pl.BlockSpec((_BM, D_IN), lambda i: (i, 0)),
            pl.BlockSpec((D_IN, H1), lambda i: (0, 0)),
            pl.BlockSpec((D_IN, H1), lambda i: (0, 0)),
            pl.BlockSpec((1, H1), lambda i: (0, 0)),
        ],
        out_specs=[
            pl.BlockSpec((_BM, H1), lambda i: (i, 0)),
            pl.BlockSpec((_BM, H1), lambda i: (i, 0)),
        ],
        out_shape=[
            jax.ShapeDtypeStruct((N, H1), jnp.float32),
            jax.ShapeDtypeStruct((N, H1), jnp.float32),
        ],
    )(x, w_self, w_neigh, b.reshape(1, H1))


def _h_body(xs_ref, agg_ref, deg_ref, w2_ref, b2_ref, w3_ref, b3_ref,
            h_ref, hs2_ref, hs3_ref):
    a = agg_ref[0] + agg_ref[1]
    d = deg_ref[0, :, 0:1] + deg_ref[1, :, 0:1]
    recip = 1.0 / jnp.maximum(d, 1.0)
    h = jnp.maximum(xs_ref[...] + a * recip, 0.0)
    h_ref[...] = h
    hs2_ref[...] = jnp.dot(h, w2_ref[...],
                           preferred_element_type=jnp.float32) + b2_ref[...]
    hs3_ref[...] = jnp.dot(h, w3_ref[...],
                           preferred_element_type=jnp.float32) + b3_ref[...]


def _tc_h(xs, agg, deg, w2s, b2, w3s, b3):
    return pl.pallas_call(
        _h_body,
        grid=(N // _BM,),
        in_specs=[
            pl.BlockSpec((_BM, H1), lambda i: (i, 0)),
            pl.BlockSpec((NC, _BM, H1), lambda i: (0, i, 0)),
            pl.BlockSpec((NC, _BM, H1), lambda i: (0, i, 0)),
            pl.BlockSpec((H1, H2), lambda i: (0, 0)),
            pl.BlockSpec((1, H2), lambda i: (0, 0)),
            pl.BlockSpec((H1, H2), lambda i: (0, 0)),
            pl.BlockSpec((1, H2), lambda i: (0, 0)),
        ],
        out_specs=[
            pl.BlockSpec((_BM, H1), lambda i: (i, 0)),
            pl.BlockSpec((_BM, H2), lambda i: (i, 0)),
            pl.BlockSpec((_BM, H2), lambda i: (i, 0)),
        ],
        out_shape=[
            jax.ShapeDtypeStruct((N, H1), jnp.float32),
            jax.ShapeDtypeStruct((N, H2), jnp.float32),
            jax.ShapeDtypeStruct((N, H2), jnp.float32),
        ],
    )(xs, agg, deg, w2s, b2.reshape(1, H2), w3s, b3.reshape(1, H2))


def _z_body(hs2_ref, hs3_ref, agg_ref, deg_ref, w2n_ref, w3n_ref, eps_ref,
            z_ref):
    a = agg_ref[0] + agg_ref[1]
    d = deg_ref[0, :, 0:1] + deg_ref[1, :, 0:1]
    recip = 1.0 / jnp.maximum(d, 1.0)
    hn = a * recip
    h_mean = hs2_ref[...] + jnp.dot(hn, w2n_ref[...],
                                    preferred_element_type=jnp.float32)
    h_log_std = hs3_ref[...] + jnp.dot(hn, w3n_ref[...],
                                       preferred_element_type=jnp.float32)
    z_ref[...] = h_mean + jnp.exp(h_log_std) * eps_ref[...]


def _tc_z(hs2, hs3, agg, deg, w2n, w3n, eps):
    return pl.pallas_call(
        _z_body,
        grid=(N // _BM,),
        in_specs=[
            pl.BlockSpec((_BM, H2), lambda i: (i, 0)),
            pl.BlockSpec((_BM, H2), lambda i: (i, 0)),
            pl.BlockSpec((NC, _BM, H1), lambda i: (0, i, 0)),
            pl.BlockSpec((NC, _BM, H1), lambda i: (0, i, 0)),
            pl.BlockSpec((H1, H2), lambda i: (0, 0)),
            pl.BlockSpec((H1, H2), lambda i: (0, 0)),
            pl.BlockSpec((_BM, H2), lambda i: (i, 0)),
        ],
        out_specs=pl.BlockSpec((_BM, H2), lambda i: (i, 0)),
        out_shape=jax.ShapeDtypeStruct((N, H2), jnp.float32),
    )(hs2, hs3, agg, deg, w2n, w3n, eps)


_BDM = 512
_BDN = 2048


def _dec_body(zi_ref, zj_ref, out_ref):
    r = lax.dot_general(zi_ref[...], zj_ref[...],
                        (((1,), (1,)), ((), ())),
                        preferred_element_type=jnp.float32)
    out_ref[...] = jax.nn.sigmoid(r)


def _tc_decoder(z):
    return pl.pallas_call(
        _dec_body,
        grid=(-(-N // _BDM), -(-N // _BDN)),
        in_specs=[
            pl.BlockSpec((_BDM, H2), lambda i, j: (i, 0)),
            pl.BlockSpec((_BDN, H2), lambda i, j: (j, 0)),
        ],
        out_specs=pl.BlockSpec((_BDM, _BDN), lambda i, j: (i, j)),
        out_shape=jax.ShapeDtypeStruct((N, N), jnp.float32),
        compiler_params=pltpu.CompilerParams(
            dimension_semantics=("parallel", "parallel")),
    )(z, z)


def kernel(x, edge_index, W1_self, W1_neigh, b1, W2_self, W2_neigh, b2,
           W3_self, W3_neigh, b3):
    src = edge_index[0].astype(jnp.int32)
    dst = edge_index[1].astype(jnp.int32)
    pad = E_PAD - E
    pair2d = jnp.concatenate(
        [dst * PAIR_BASE + src,
         jnp.full((pad,), N * PAIR_BASE, jnp.int32)]).reshape(E_ROWS_PAD, EC)
    dst2d = jnp.concatenate(
        [dst, jnp.full((pad,), N, jnp.int32)]).reshape(E_ROWS_PAD, EC)
    zrows = jnp.zeros((EC, H1), jnp.float32)
    ones = jnp.ones((EC, H1), jnp.float32)
    zdeg = jnp.zeros((EC, H1), jnp.float32)

    xs, xn = _tc_proj(x, W1_self, W1_neigh, b1)
    deg = _deg_kernel()(dst2d, ones, zdeg)
    agg1 = _seg_sum(xn, pair2d, zrows)
    h, hs2, hs3 = _tc_h(xs, agg1, deg, W2_self, b2, W3_self, b3)
    agg2 = _seg_sum(h, pair2d, zrows)
    eps = jax.random.normal(jax.random.key(42), (N, H2), dtype=jnp.float32)
    z = _tc_z(hs2, hs3, agg2, deg, W2_neigh, W3_neigh, eps)
    return _tc_decoder(z)

# --- scband reference (transcript-rebuilt; emitter-appended) ---
"""Pipeline reference for scband-variational-graph-auto-encoder-80333068305042 (READ-ONLY COPY).

The authoritative reference and input builder live on the scoring server;
editing this copy changes nothing except your own understanding.
"""

import jax, jax.numpy as jnp
import numpy as np

N = 10000
E = 320000
D_IN = 256
H1 = 128
H2 = 64


def setup_inputs(seed: int = 0) -> dict:
    key = jax.random.key(seed)
    ks = jax.random.split(key, 12)
    x = jax.random.normal(ks[0], (N, D_IN), dtype=jnp.float32)
    edge_index = jax.random.randint(ks[1], (2, E), 0, N)
    s1 = 1.0 / np.sqrt(D_IN)
    s2 = 1.0 / np.sqrt(H1)
    W1_self = jax.random.normal(ks[2], (D_IN, H1), dtype=jnp.float32) * s1
    W1_neigh = jax.random.normal(ks[3], (D_IN, H1), dtype=jnp.float32) * s1
    b1 = jnp.zeros((H1,), dtype=jnp.float32)
    W2_self = jax.random.normal(ks[4], (H1, H2), dtype=jnp.float32) * s2
    W2_neigh = jax.random.normal(ks[5], (H1, H2), dtype=jnp.float32) * s2
    b2 = jnp.zeros((H2,), dtype=jnp.float32)
    W3_self = jax.random.normal(ks[6], (H1, H2), dtype=jnp.float32) * s2
    W3_neigh = jax.random.normal(ks[7], (H1, H2), dtype=jnp.float32) * s2
    b3 = jnp.zeros((H2,), dtype=jnp.float32)
    return {
        "x": x,
        "edge_index": edge_index,
        "W1_self": W1_self, "W1_neigh": W1_neigh, "b1": b1,
        "W2_self": W2_self, "W2_neigh": W2_neigh, "b2": b2,
        "W3_self": W3_self, "W3_neigh": W3_neigh, "b3": b3,
    }


def _sage_mean(h, edge_index, W_self, W_neigh, b):
    # DGL SAGEConv with aggregator_type='mean':
    # h_neigh = mean of src features over incoming edges at dst
    # out = h @ W_self + h_neigh @ W_neigh + b
    n = h.shape[0]
    src = edge_index[0]
    dst = edge_index[1]
    msg = jnp.take(h, src, axis=0)
    summed = jax.ops.segment_sum(msg, dst, num_segments=n)
    deg = jax.ops.segment_sum(jnp.ones((msg.shape[0],), dtype=h.dtype), dst, num_segments=n)
    h_neigh = summed / jnp.clip(deg, 1.0)[:, None]
    return h @ W_self + h_neigh @ W_neigh + b


def reference(x, edge_index, W1_self, W1_neigh, b1, W2_self, W2_neigh, b2, W3_self, W3_neigh, b3):
    h = jax.nn.relu(_sage_mean(x, edge_index, W1_self, W1_neigh, b1))
    h_mean = _sage_mean(h, edge_index, W2_self, W2_neigh, b2)
    h_log_std = _sage_mean(h, edge_index, W3_self, W3_neigh, b3)
    eps = jax.random.normal(jax.random.key(42), h_mean.shape, dtype=h_mean.dtype)
    z = h_mean + jnp.exp(h_log_std) * eps
    reconstruction = z @ z.T
    return jax.nn.sigmoid(reconstruction)

if __name__ == "__main__":
    import jax
    _d = setup_inputs()
    print(jax.jit(kernel)(*tuple(_d.values())))

</pallas_src>

<mosaic_0001>
#map = affine_map<(d0, d1) -> (0, 0)>
#map1 = affine_map<(d0, d1) -> (0, 0, 0)>
module attributes {stable_mosaic.version = 14 : i64} {
  func.func @_seg_sum_body(%arg0: i32, %arg1: i32, %arg2: memref<10000x128xf32, #tpu.memory_space<hbm>>, %arg3: memref<2560x128xi32, #tpu.memory_space<hbm>>, %arg4: memref<128x128xf32, #tpu.memory_space<hbm>>, %arg5: memref<2x10240x128xf32, #tpu.memory_space<hbm>>, %arg6: memref<8x128xi32, #tpu.memory_space<vmem>>, %arg7: memref<8x128xi32, #tpu.memory_space<vmem>>, %arg8: memref<8x128xi32, #tpu.memory_space<vmem>>, %arg9: memref<2x128x128xf32, #tpu.memory_space<vmem>>, %arg10: memref<10240x128xf32, #tpu.memory_space<vmem_shared>>, %arg11: memref<!tpu.dma_semaphore, #tpu.memory_space<semaphore_mem>>, %arg12: memref<!tpu.dma_semaphore, #tpu.memory_space<semaphore_mem>>) attributes {dimension_semantics = [#tpu.dimension_semantics<core_parallel>, #tpu.dimension_semantics<subcore_parallel>], iteration_bounds = array<i64: 2, 16>, scalar_prefetch = 0 : i64, scratch_operands = 7 : i64, tpu.core_type = #tpu.core_type<sc_vector_subcore>, window_params = [{transform_indices = #map}, {transform_indices = #map}, {transform_indices = #map}, {transform_indices = #map1}]} {
    %mul3A = arith.constant 640 : i32
    %mul3A_0 = arith.muli %arg1, %mul3A : i32
    %add3A = arith.constant 0 : i32
    %add3A_1 = arith.addi %mul3A_0, %add3A : i32
    "tpu.region"() ({
      %run_scoped3A = tpu.sem_alloc : memref<!tpu.dma_semaphore, #tpu.memory_space<semaphore_mem>>
      %dma_start3A = arith.constant 0 : i32
      %dma_start3A_39 = tpu.memref_slice %arg10[%add3A_1, %dma_start3A] : memref<10240x128xf32, #tpu.memory_space<vmem_shared>> -> memref<128x128xf32, #tpu.memory_space<vmem_shared>>
      tpu.enqueue_dma source(%arg4 : memref<128x128xf32, #tpu.memory_space<hbm>>) target(%dma_start3A_39 : memref<128x128xf32, #tpu.memory_space<vmem_shared>>) target_semaphore(%run_scoped3A : memref<!tpu.dma_semaphore, #tpu.memory_space<semaphore_mem>>)
      %dma_wait3A = arith.constant 0 : i32
      %dma_wait3A_40 = tpu.memref_slice %arg10[%add3A_1, %dma_wait3A] : memref<10240x128xf32, #tpu.memory_space<vmem_shared>> -> memref<128x128xf32, #tpu.memory_space<vmem_shared>>
      tpu.wait_dma2 semaphore(%run_scoped3A : memref<!tpu.dma_semaphore, #tpu.memory_space<semaphore_mem>>) src(%arg4 : memref<128x128xf32, #tpu.memory_space<hbm>>) dst(%dma_wait3A_40 : memref<128x128xf32, #tpu.memory_space<vmem_shared>>)
      tpu.yield
    }) : () -> ()
    %mul3A_2 = arith.constant 640 : i32
    %mul3A_3 = arith.muli %arg1, %mul3A_2 : i32
    %add3A_4 = arith.constant 128 : i32
    %add3A_5 = arith.addi %mul3A_3, %add3A_4 : i32
    "tpu.region"() ({
      %run_scoped3A = tpu.sem_alloc : memref<!tpu.dma_semaphore, #tpu.memory_space<semaphore_mem>>
      %dma_start3A = arith.constant 0 : i32
      %dma_start3A_39 = tpu.memref_slice %arg10[%add3A_5, %dma_start3A] : memref<10240x128xf32, #tpu.memory_space<vmem_shared>> -> memref<128x128xf32, #tpu.memory_space<vmem_shared>>
      tpu.enqueue_dma source(%arg4 : memref<128x128xf32, #tpu.memory_space<hbm>>) target(%dma_start3A_39 : memref<128x128xf32, #tpu.memory_space<vmem_shared>>) target_semaphore(%run_scoped3A : memref<!tpu.dma_semaphore, #tpu.memory_space<semaphore_mem>>)
      %dma_wait3A = arith.constant 0 : i32
      %dma_wait3A_40 = tpu.memref_slice %arg10[%add3A_5, %dma_wait3A] : memref<10240x128xf32, #tpu.memory_space<vmem_shared>> -> memref<128x128xf32, #tpu.memory_space<vmem_shared>>
      tpu.wait_dma2 semaphore(%run_scoped3A : memref<!tpu.dma_semaphore, #tpu.memory_space<semaphore_mem>>) src(%arg4 : memref<128x128xf32, #tpu.memory_space<hbm>>) dst(%dma_wait3A_40 : memref<128x128xf32, #tpu.memory_space<vmem_shared>>)
      tpu.yield
    }) : () -> ()
    %mul3A_6 = arith.constant 640 : i32
    %mul3A_7 = arith.muli %arg1, %mul3A_6 : i32
    %add3A_8 = arith.constant 256 : i32
    %add3A_9 = arith.addi %mul3A_7, %add3A_8 : i32
    "tpu.region"() ({
      %run_scoped3A = tpu.sem_alloc : memref<!tpu.dma_semaphore, #tpu.memory_space<semaphore_mem>>
      %dma_start3A = arith.constant 0 : i32
      %dma_start3A_39 = tpu.memref_slice %arg10[%add3A_9, %dma_start3A] : memref<10240x128xf32, #tpu.memory_space<vmem_shared>> -> memref<128x128xf32, #tpu.memory_space<vmem_shared>>
      tpu.enqueue_dma source(%arg4 : memref<128x128xf32, #tpu.memory_space<hbm>>) target(%dma_start3A_39 : memref<128x128xf32, #tpu.memory_space<vmem_shared>>) target_semaphore(%run_scoped3A : memref<!tpu.dma_semaphore, #tpu.memory_space<semaphore_mem>>)
      %dma_wait3A = arith.constant 0 : i32
      %dma_wait3A_40 = tpu.memref_slice %arg10[%add3A_9, %dma_wait3A] : memref<10240x128xf32, #tpu.memory_space<vmem_shared>> -> memref<128x128xf32, #tpu.memory_space<vmem_shared>>
      tpu.wait_dma2 semaphore(%run_scoped3A : memref<!tpu.dma_semaphore, #tpu.memory_space<semaphore_mem>>) src(%arg4 : memref<128x128xf32, #tpu.memory_space<hbm>>) dst(%dma_wait3A_40 : memref<128x128xf32, #tpu.memory_space<vmem_shared>>)
      tpu.yield
    }) : () -> ()
    %mul3A_10 = arith.constant 640 : i32
    %mul3A_11 = arith.muli %arg1, %mul3A_10 : i32
    %add3A_12 = arith.constant 384 : i32
    %add3A_13 = arith.addi %mul3A_11, %add3A_12 : i32
    "tpu.region"() ({
      %run_scoped3A = tpu.sem_alloc : memref<!tpu.dma_semaphore, #tpu.memory_space<semaphore_mem>>
      %dma_start3A = arith.constant 0 : i32
      %dma_start3A_39 = tpu.memref_slice %arg10[%add3A_13, %dma_start3A] : memref<10240x128xf32, #tpu.memory_space<vmem_shared>> -> memref<128x128xf32, #tpu.memory_space<vmem_shared>>
      tpu.enqueue_dma source(%arg4 : memref<128x128xf32, #tpu.memory_space<hbm>>) target(%dma_start3A_39 : memref<128x128xf32, #tpu.memory_space<vmem_shared>>) target_semaphore(%run_scoped3A : memref<!tpu.dma_semaphore, #tpu.memory_space<semaphore_mem>>)
      %dma_wait3A = arith.constant 0 : i32
      %dma_wait3A_40 = tpu.memref_slice %arg10[%add3A_13, %dma_wait3A] : memref<10240x128xf32, #tpu.memory_space<vmem_shared>> -> memref<128x128xf32, #tpu.memory_space<vmem_shared>>
      tpu.wait_dma2 semaphore(%run_scoped3A : memref<!tpu.dma_semaphore, #tpu.memory_space<semaphore_mem>>) src(%arg4 : memref<128x128xf32, #tpu.memory_space<hbm>>) dst(%dma_wait3A_40 : memref<128x128xf32, #tpu.memory_space<vmem_shared>>)
      tpu.yield
    }) : () -> ()
    %mul3A_14 = arith.constant 640 : i32
    %mul3A_15 = arith.muli %arg1, %mul3A_14 : i32
    %add3A_16 = arith.constant 512 : i32
    %add3A_17 = arith.addi %mul3A_15, %add3A_16 : i32
    "tpu.region"() ({
      %run_scoped3A = tpu.sem_alloc : memref<!tpu.dma_semaphore, #tpu.memory_space<semaphore_mem>>
      %dma_start3A = arith.constant 0 : i32
      %dma_start3A_39 = tpu.memref_slice %arg10[%add3A_17, %dma_start3A] : memref<10240x128xf32, #tpu.memory_space<vmem_shared>> -> memref<128x128xf32, #tpu.memory_space<vmem_shared>>
      tpu.enqueue_dma source(%arg4 : memref<128x128xf32, #tpu.memory_space<hbm>>) target(%dma_start3A_39 : memref<128x128xf32, #tpu.memory_space<vmem_shared>>) target_semaphore(%run_scoped3A : memref<!tpu.dma_semaphore, #tpu.memory_space<semaphore_mem>>)
      %dma_wait3A = arith.constant 0 : i32
      %dma_wait3A_40 = tpu.memref_slice %arg10[%add3A_17, %dma_wait3A] : memref<10240x128xf32, #tpu.memory_space<vmem_shared>> -> memref<128x128xf32, #tpu.memory_space<vmem_shared>>
      tpu.wait_dma2 semaphore(%run_scoped3A : memref<!tpu.dma_semaphore, #tpu.memory_space<semaphore_mem>>) src(%arg4 : memref<128x128xf32, #tpu.memory_space<hbm>>) dst(%dma_wait3A_40 : memref<128x128xf32, #tpu.memory_space<vmem_shared>>)
      tpu.yield
    }) : () -> ()
    %barrier3A = arith.constant 0 : index
    tpu.barrier barrier_id(%barrier3A)
    %eq3A = arith.constant 0 : i32
    %eq3A_18 = arith.cmpi eq, %arg0, %eq3A : i32
    %jit3A = arith.constant 16 : i32
    %jit3A_19 = arith.constant 4 : i32
    %select_n3A = arith.select %eq3A_18, %jit3A, %jit3A_19 : i32
    %eq3A_20 = arith.constant 0 : i32
    %eq3A_21 = arith.cmpi eq, %arg0, %eq3A_20 : i32
    %mul3A_22 = arith.constant 128 : i32
    %mul3A_23 = arith.muli %arg1, %mul3A_22 : i32
    %mul3A_24 = arith.constant 32 : i32
    %mul3A_25 = arith.muli %arg1, %mul3A_24 : i32
    %add3A_26 = arith.constant 2048 : i32
    %add3A_27 = arith.addi %add3A_26, %mul3A_25 : i32
    %select_n3A_28 = arith.select %eq3A_21, %mul3A_23, %add3A_27 : i32
    %scan3A = arith.constant 0 : i32
    %scan3A_29 = arith.constant 0 : i32
    %scan3A_30 = arith.constant 16 : i32
    %scan3A_31 = arith.addi %scan3A_29, %scan3A_30 : i32
    %scan3A_32 = arith.constant 1 : i32
    scf.for %scan3A_39 = %scan3A_29 to %scan3A_31 step %scan3A_32  : i32 {
      %lt3A = arith.cmpi slt, %scan3A_39, %select_n3A : i32
      %convert_element_type3A = arith.extui %lt3A : i1 to i32
      %cond3A = arith.constant 0 : i32
      %cond3A_40 = arith.cmpi ne, %convert_element_type3A, %cond3A : i32
      scf.if %cond3A_40 {
        %mul3A_41 = arith.constant 8 : i32
        %mul3A_42 = arith.muli %scan3A_39, %mul3A_41 : i32
        %add3A_43 = arith.addi %select_n3A_28, %mul3A_42 : i32
        "tpu.region"() ({
          %run_scoped3A_255 = tpu.sem_alloc : memref<!tpu.dma_semaphore, #tpu.memory_space<semaphore_mem>>
          %dma_start3A_256 = arith.constant 0 : i32
          %dma_start3A_257 = tpu.memref_slice %arg3[%add3A_43, %dma_start3A_256] : memref<2560x128xi32, #tpu.memory_space<hbm>> -> memref<8x128xi32, #tpu.memory_space<hbm>>
          %dma_start3A_258 = arith.constant 0 : i32
          %dma_start3A_259 = tpu.memref_slice %arg3[%add3A_43, %dma_start3A_258] : memref<2560x128xi32, #tpu.memory_space<hbm>> -> memref<8x128xi32, #tpu.memory_space<hbm>>
          tpu.enqueue_dma source(%dma_start3A_259 : memref<8x128xi32, #tpu.memory_space<hbm>>) target(%arg6 : memref<8x128xi32, #tpu.memory_space<vmem>>) target_semaphore(%run_scoped3A_255 : memref<!tpu.dma_semaphore, #tpu.memory_space<semaphore_mem>>)
          %dma_wait3A_260 = arith.constant 0 : i32
          %dma_wait3A_261 = tpu.memref_slice %arg3[%add3A_43, %dma_wait3A_260] : memref<2560x128xi32, #tpu.memory_space<hbm>> -> memref<8x128xi32, #tpu.memory_space<hbm>>
          %dma_wait3A_262 = arith.constant 0 : i32
          %dma_wait3A_263 = tpu.memref_slice %arg3[%add3A_43, %dma_wait3A_262] : memref<2560x128xi32, #tpu.memory_space<hbm>> -> memref<8x128xi32, #tpu.memory_space<hbm>>
          tpu.wait_dma2 semaphore(%run_scoped3A_255 : memref<!tpu.dma_semaphore, #tpu.memory_space<semaphore_mem>>) src(%dma_wait3A_263 : memref<8x128xi32, #tpu.memory_space<hbm>>) dst(%arg6 : memref<8x128xi32, #tpu.memory_space<vmem>>)
          tpu.yield
        }) : () -> ()
        %scan3A_44 = arith.constant 0 : i32
        %scan3A_45 = arith.constant 0 : i32
        %scan3A_46 = arith.constant 64 : i32
        %scan3A_47 = arith.addi %scan3A_45, %scan3A_46 : i32
        %scan3A_48 = arith.constant 1 : i32
        scf.for %scan3A_255 = %scan3A_45 to %scan3A_47 step %scan3A_48  : i32 {
          %jit3A_256 = arith.constant 8 : i32
          %div3A = arith.divsi %scan3A_255, %jit3A_256 : i32
          %sign3A = arith.constant 0 : i32
          %sign3A_257 = arith.cmpi sgt, %scan3A_255, %sign3A : i32
          %sign3A_258 = arith.extui %sign3A_257 : i1 to i32
          %sign3A_259 = arith.constant 0 : i32
          %sign3A_260 = arith.cmpi slt, %scan3A_255, %sign3A_259 : i32
          %sign3A_261 = arith.extui %sign3A_260 : i1 to i32
          %sign3A_262 = arith.subi %sign3A_258, %sign3A_261 : i32
          %sign3A_263 = arith.constant 0 : i32
          %sign3A_264 = arith.cmpi sgt, %jit3A_256, %sign3A_263 : i32
          %sign3A_265 = arith.extui %sign3A_264 : i1 to i32
          %sign3A_266 = arith.constant 0 : i32
          %sign3A_267 = arith.cmpi slt, %jit3A_256, %sign3A_266 : i32
          %sign3A_268 = arith.extui %sign3A_267 : i1 to i32
          %sign3A_269 = arith.subi %sign3A_265, %sign3A_268 : i32
          %ne3A = arith.cmpi ne, %sign3A_262, %sign3A_269 : i32
          %rem3A = arith.remsi %scan3A_255, %jit3A_256 : i32
          %ne3A_270 = arith.constant 0 : i32
          %ne3A_271 = arith.cmpi ne, %rem3A, %ne3A_270 : i32
          %and3A = arith.andi %ne3A, %ne3A_271 : i1
          %sub3A = arith.constant 1 : i32
          %sub3A_272 = arith.subi %div3A, %sub3A : i32
          %select_n3A_273 = arith.select %and3A, %sub3A_272, %div3A : i32
          %jit3A_274 = arith.constant 8 : i32
          %eq3A_275 = arith.constant 0 : i32
          %eq3A_276 = arith.cmpi eq, %jit3A_274, %eq3A_275 : i32
          %jit3A_277 = arith.constant 1 : i32
          %select_n3A_278 = arith.select %eq3A_276, %jit3A_277, %jit3A_274 : i32
          %rem3A_279 = arith.remsi %scan3A_255, %select_n3A_278 : i32
          %ne3A_280 = arith.constant 0 : i32
          %ne3A_281 = arith.cmpi ne, %rem3A_279, %ne3A_280 : i32
          %lt3A_282 = arith.constant 0 : i32
          %lt3A_283 = arith.cmpi slt, %rem3A_279, %lt3A_282 : i32
          %lt3A_284 = arith.constant 0 : i32
          %lt3A_285 = arith.cmpi slt, %select_n3A_278, %lt3A_284 : i32
          %ne3A_286 = arith.xori %lt3A_283, %lt3A_285 : i1
          %and3A_287 = arith.andi %ne3A_286, %ne3A_281 : i1
          %add3A_288 = arith.addi %rem3A_279, %select_n3A_278 : i32
          %select_n3A_289 = arith.select %and3A_287, %add3A_288, %rem3A_279 : i32
          %mul3A_290 = arith.constant 16 : i32
          %mul3A_291 = arith.muli %select_n3A_289, %mul3A_290 : i32
          %get3A = arith.index_cast %select_n3A_273 : i32 to index
          %get3A_292 = arith.index_cast %mul3A_291 : i32 to index
          %get3A_293 = tpu.vector_load %arg6[%get3A, %get3A_292] {strides = array<i32>} : memref<8x128xi32, #tpu.memory_space<vmem>>, vector<1x16xi32>,
          %get3A_294 = vector.shape_cast %get3A_293 : vector<1x16xi32> to vector<16xi32>
          %and3A_295 = arith.constant 16383 : i32
          %and3A_296 = vector.broadcast %and3A_295 : i32 to vector<16xi32>
          %and3A_297 = arith.andi %get3A_294, %and3A_296 : vector<16xi32>
          %swap3A = arith.index_cast %select_n3A_273 : i32 to index
          %swap3A_298 = arith.index_cast %mul3A_291 : i32 to index
          %swap3A_299 = tpu.vector_load %arg7[%swap3A, %swap3A_298] {strides = array<i32>} : memref<8x128xi32, #tpu.memory_space<vmem>>, vector<1x16xi32>,
          %swap3A_300 = vector.shape_cast %swap3A_299 : vector<1x16xi32> to vector<16xi32>
          %swap3A_301 = vector.shape_cast %and3A_297 : vector<16xi32> to vector<1x16xi32>
          tpu.vector_store %arg7[%swap3A, %swap3A_298], %swap3A_301 {strides = array<i32>} : memref<8x128xi32, #tpu.memory_space<vmem>>, vector<1x16xi32>,
          %shift_right_logical3A = arith.constant 14 : i32
          %shift_right_logical3A_302 = vector.broadcast %shift_right_logical3A : i32 to vector<16xi32>
          %shift_right_logical3A_303 = arith.shrui %get3A_294, %shift_right_logical3A_302 : vector<16xi32>
          %swap3A_304 = arith.index_cast %select_n3A_273 : i32 to index
          %swap3A_305 = arith.index_cast %mul3A_291 : i32 to index
          %swap3A_306 = tpu.vector_load %arg8[%swap3A_304, %swap3A_305] {strides = array<i32>} : memref<8x128xi32, #tpu.memory_space<vmem>>, vector<1x16xi32>,
          %swap3A_307 = vector.shape_cast %swap3A_306 : vector<1x16xi32> to vector<16xi32>
          %swap3A_308 = vector.shape_cast %shift_right_logical3A_303 : vector<16xi32> to vector<1x16xi32>
          tpu.vector_store %arg8[%swap3A_304, %swap3A_305], %swap3A_308 {strides = array<i32>} : memref<8x128xi32, #tpu.memory_space<vmem>>, vector<1x16xi32>,
        }
        %scan3A_49 = arith.constant 64 : i32
        %dma_start3A = arith.constant 0 : i32
        %dma_start3A_50 = arith.constant 0 : i32
        %dma_start3A_51 = arith.constant 0 : i32
        %dma_start3A_52 = arith.constant 0 : i32
        %dma_start3A_53 = tpu.memref_slice %arg9[%dma_start3A_50, %dma_start3A_51, %dma_start3A_52] : memref<2x128x128xf32, #tpu.memory_space<vmem>> -> memref<1x128x128xf32, #tpu.memory_space<vmem>>
        %dma_start3A_54 = tpu.memref_squeeze %dma_start3A_53 : memref<1x128x128xf32, #tpu.memory_space<vmem>> -> memref<128x128xf32, #tpu.memory_space<vmem>>
        %dma_start3A_55 = arith.constant 0 : i32
        %dma_start3A_56 = tpu.memref_slice %arg7[%dma_start3A, %dma_start3A_55] : memref<8x128xi32, #tpu.memory_space<vmem>> -> memref<1x128xi32, #tpu.memory_space<vmem>>
        %dma_start3A_57 = tpu.memref_squeeze %dma_start3A_56 : memref<1x128xi32, #tpu.memory_space<vmem>> -> memref<128xi32, #tpu.memory_space<vmem>>
        %dma_start3A_58 = arith.constant 0 : i32
        %dma_start3A_59 = arith.constant 0 : i32
        %dma_start3A_60 = tpu.memref_slice %arg2[%dma_start3A_58, %dma_start3A_59] : memref<10000x128xf32, #tpu.memory_space<hbm>> -> memref<10000x128xf32, #tpu.memory_space<hbm>>
        tpu.enqueue_indirect_dma source(%dma_start3A_60 : memref<10000x128xf32, #tpu.memory_space<hbm>>) target(%dma_start3A_54 : memref<128x128xf32, #tpu.memory_space<vmem>>) offsets(%dma_start3A_57 : memref<128xi32, #tpu.memory_space<vmem>>) semaphore(%arg11 : memref<!tpu.dma_semaphore, #tpu.memory_space<semaphore_mem>>)
        %dma_wait3A = arith.constant 0 : i32
        %dma_wait3A_61 = arith.constant 0 : i32
        %dma_wait3A_62 = arith.constant 0 : i32
        %dma_wait3A_63 = arith.constant 0 : i32
        %dma_wait3A_64 = tpu.memref_slice %arg9[%dma_wait3A_61, %dma_wait3A_62, %dma_wait3A_63] : memref<2x128x128xf32, #tpu.memory_space<vmem>> -> memref<1x128x128xf32, #tpu.memory_space<vmem>>
        %dma_wait3A_65 = tpu.memref_squeeze %dma_wait3A_64 : memref<1x128x128xf32, #tpu.memory_space<vmem>> -> memref<128x128xf32, #tpu.memory_space<vmem>>
        %dma_wait3A_66 = arith.constant 0 : i32
        %dma_wait3A_67 = tpu.memref_slice %arg7[%dma_wait3A, %dma_wait3A_66] : memref<8x128xi32, #tpu.memory_space<vmem>> -> memref<1x128xi32, #tpu.memory_space<vmem>>
        %dma_wait3A_68 = tpu.memref_squeeze %dma_wait3A_67 : memref<1x128xi32, #tpu.memory_space<vmem>> -> memref<128xi32, #tpu.memory_space<vmem>>
        %dma_wait3A_69 = arith.constant 0 : i32
        %dma_wait3A_70 = arith.constant 0 : i32
        %dma_wait3A_71 = tpu.memref_slice %arg2[%dma_wait3A_69, %dma_wait3A_70] : memref<10000x128xf32, #tpu.memory_space<hbm>> -> memref<10000x128xf32, #tpu.memory_space<hbm>>
        tpu.wait_indirect_dma semaphore(%arg11 : memref<!tpu.dma_semaphore, #tpu.memory_space<semaphore_mem>>) src(%dma_wait3A_71 : memref<10000x128xf32, #tpu.memory_space<hbm>>) dst(%dma_wait3A_65 : memref<128x128xf32, #tpu.memory_space<vmem>>)
        %dma_start3A_72 = arith.constant 1 : i32
        %dma_start3A_73 = arith.constant 1 : i32
        %dma_start3A_74 = arith.constant 0 : i32
        %dma_start3A_75 = arith.constant 0 : i32
        %dma_start3A_76 = tpu.memref_slice %arg9[%dma_start3A_73, %dma_start3A_74, %dma_start3A_75] : memref<2x128x128xf32, #tpu.memory_space<vmem>> -> memref<1x128x128xf32, #tpu.memory_space<vmem>>
        %dma_start3A_77 = tpu.memref_squeeze %dma_start3A_76 : memref<1x128x128xf32, #tpu.memory_space<vmem>> -> memref<128x128xf32, #tpu.memory_space<vmem>>
        %dma_start3A_78 = arith.constant 0 : i32
        %dma_start3A_79 = tpu.memref_slice %arg7[%dma_start3A_72, %dma_start3A_78] : memref<8x128xi32, #tpu.memory_space<vmem>> -> memref<1x128xi32, #tpu.memory_space<vmem>>
        %dma_start3A_80 = tpu.memref_squeeze %dma_start3A_79 : memref<1x128xi32, #tpu.memory_space<vmem>> -> memref<128xi32, #tpu.memory_space<vmem>>
        %dma_start3A_81 = arith.constant 0 : i32
        %dma_start3A_82 = arith.constant 0 : i32
        %dma_start3A_83 = tpu.memref_slice %arg2[%dma_start3A_81, %dma_start3A_82] : memref<10000x128xf32, #tpu.memory_space<hbm>> -> memref<10000x128xf32, #tpu.memory_space<hbm>>
        tpu.enqueue_indirect_dma source(%dma_start3A_83 : memref<10000x128xf32, #tpu.memory_space<hbm>>) target(%dma_start3A_77 : memref<128x128xf32, #tpu.memory_space<vmem>>) offsets(%dma_start3A_80 : memref<128xi32, #tpu.memory_space<vmem>>) semaphore(%arg12 : memref<!tpu.dma_semaphore, #tpu.memory_space<semaphore_mem>>)
        %run_scoped3A = arith.constant 0 : i32
        %run_scoped3A_84 = arith.constant 0 : i32
        "tpu.region"() ({
          %run_scoped3A_255 = tpu.sem_alloc : memref<!tpu.dma_semaphore, #tpu.memory_space<semaphore_mem>>
          %dma_start3A_256 = arith.constant 0 : i32
          %dma_start3A_257 = arith.constant 0 : i32
          %dma_start3A_258 = tpu.memref_slice %arg9[%run_scoped3A, %dma_start3A_256, %dma_start3A_257] : memref<2x128x128xf32, #tpu.memory_space<vmem>> -> memref<1x128x128xf32, #tpu.memory_space<vmem>>
          %dma_start3A_259 = tpu.memref_squeeze %dma_start3A_258 : memref<1x128x128xf32, #tpu.memory_space<vmem>> -> memref<128x128xf32, #tpu.memory_space<vmem>>
          %dma_start3A_260 = arith.constant 0 : i32
          %dma_start3A_261 = tpu.memref_slice %arg8[%run_scoped3A_84, %dma_start3A_260] : memref<8x128xi32, #tpu.memory_space<vmem>> -> memref<1x128xi32, #tpu.memory_space<vmem>>
          %dma_start3A_262 = tpu.memref_squeeze %dma_start3A_261 : memref<1x128xi32, #tpu.memory_space<vmem>> -> memref<128xi32, #tpu.memory_space<vmem>>
          %dma_start3A_263 = arith.constant 0 : i32
          %dma_start3A_264 = arith.constant 0 : i32
          %dma_start3A_265 = tpu.memref_slice %arg10[%dma_start3A_263, %dma_start3A_264] : memref<10240x128xf32, #tpu.memory_space<vmem_shared>> -> memref<10240x128xf32, #tpu.memory_space<vmem_shared>>
          tpu.enqueue_indirect_dma source(%dma_start3A_259 : memref<128x128xf32, #tpu.memory_space<vmem>>) target(%dma_start3A_265 : memref<10240x128xf32, #tpu.memory_space<vmem_shared>>) offsets(%dma_start3A_262 : memref<128xi32, #tpu.memory_space<vmem>>) semaphore(%run_scoped3A_255 : memref<!tpu.dma_semaphore, #tpu.memory_space<semaphore_mem>>) {add = true}
          %dma_wait3A_266 = arith.constant 0 : i32
          %dma_wait3A_267 = arith.constant 0 : i32
          %dma_wait3A_268 = tpu.memref_slice %arg9[%run_scoped3A, %dma_wait3A_266, %dma_wait3A_267] : memref<2x128x128xf32, #tpu.memory_space<vmem>> -> memref<1x128x128xf32, #tpu.memory_space<vmem>>
          %dma_wait3A_269 = tpu.memref_squeeze %dma_wait3A_268 : memref<1x128x128xf32, #tpu.memory_space<vmem>> -> memref<128x128xf32, #tpu.memory_space<vmem>>
          %dma_wait3A_270 = arith.constant 0 : i32
          %dma_wait3A_271 = tpu.memref_slice %arg8[%run_scoped3A_84, %dma_wait3A_270] : memref<8x128xi32, #tpu.memory_space<vmem>> -> memref<1x128xi32, #tpu.memory_space<vmem>>
          %dma_wait3A_272 = tpu.memref_squeeze %dma_wait3A_271 : memref<1x128xi32, #tpu.memory_space<vmem>> -> memref<128xi32, #tpu.memory_space<vmem>>
          %dma_wait3A_273 = arith.constant 0 : i32
          %dma_wait3A_274 = arith.constant 0 : i32
          %dma_wait3A_275 = tpu.memref_slice %arg10[%dma_wait3A_273, %dma_wait3A_274] : memref<10240x128xf32, #tpu.memory_space<vmem_shared>> -> memref<10240x128xf32, #tpu.memory_space<vmem_shared>>
          tpu.wait_indirect_dma semaphore(%run_scoped3A_255 : memref<!tpu.dma_semaphore, #tpu.memory_space<semaphore_mem>>) src(%dma_wait3A_269 : memref<128x128xf32, #tpu.memory_space<vmem>>) dst(%dma_wait3A_275 : memref<10240x128xf32, #tpu.memory_space<vmem_shared>>)
          tpu.yield
        }) : () -> ()
        %dma_wait3A_85 = arith.constant 1 : i32
        %dma_wait3A_86 = arith.constant 1 : i32
        %dma_wait3A_87 = arith.constant 0 : i32
        %dma_wait3A_88 = arith.constant 0 : i32
        %dma_wait3A_89 = tpu.memref_slice %arg9[%dma_wait3A_86, %dma_wait3A_87, %dma_wait3A_88] : memref<2x128x128xf32, #tpu.memory_space<vmem>> -> memref<1x128x128xf32, #tpu.memory_space<vmem>>
        %dma_wait3A_90 = tpu.memref_squeeze %dma_wait3A_89 : memref<1x128x128xf32, #tpu.memory_space<vmem>> -> memref<128x128xf32, #tpu.memory_space<vmem>>
        %dma_wait3A_91 = arith.constant 0 : i32
        %dma_wait3A_92 = tpu.memref_slice %arg7[%dma_wait3A_85, %dma_wait3A_91] : memref<8x128xi32, #tpu.memory_space<vmem>> -> memref<1x128xi32, #tpu.memory_space<vmem>>
        %dma_wait3A_93 = tpu.memref_squeeze %dma_wait3A_92 : memref<1x128xi32, #tpu.memory_space<vmem>> -> memref<128xi32, #tpu.memory_space<vmem>>
        %dma_wait3A_94 = arith.constant 0 : i32
        %dma_wait3A_95 = arith.constant 0 : i32
        %dma_wait3A_96 = tpu.memref_slice %arg2[%dma_wait3A_94, %dma_wait3A_95] : memref<10000x128xf32, #tpu.memory_space<hbm>> -> memref<10000x128xf32, #tpu.memory_space<hbm>>
        tpu.wait_indirect_dma semaphore(%arg12 : memref<!tpu.dma_semaphore, #tpu.memory_space<semaphore_mem>>) src(%dma_wait3A_96 : memref<10000x128xf32, #tpu.memory_space<hbm>>) dst(%dma_wait3A_90 : memref<128x128xf32, #tpu.memory_space<vmem>>)
        %dma_start3A_97 = arith.constant 2 : i32
        %dma_start3A_98 = arith.constant 0 : i32
        %dma_start3A_99 = arith.constant 0 : i32
        %dma_start3A_100 = arith.constant 0 : i32
        %dma_start3A_101 = tpu.memref_slice %arg9[%dma_start3A_98, %dma_start3A_99, %dma_start3A_100] : memref<2x128x128xf32, #tpu.memory_space<vmem>> -> memref<1x128x128xf32, #tpu.memory_space<vmem>>
        %dma_start3A_102 = tpu.memref_squeeze %dma_start3A_101 : memref<1x128x128xf32, #tpu.memory_space<vmem>> -> memref<128x128xf32, #tpu.memory_space<vmem>>
        %dma_start3A_103 = arith.constant 0 : i32
        %dma_start3A_104 = tpu.memref_slice %arg7[%dma_start3A_97, %dma_start3A_103] : memref<8x128xi32, #tpu.memory_space<vmem>> -> memref<1x128xi32, #tpu.memory_space<vmem>>
        %dma_start3A_105 = tpu.memref_squeeze %dma_start3A_104 : memref<1x128xi32, #tpu.memory_space<vmem>> -> memref<128xi32, #tpu.memory_space<vmem>>
        %dma_start3A_106 = arith.constant 0 : i32
        %dma_start3A_107 = arith.constant 0 : i32
        %dma_start3A_108 = tpu.memref_slice %arg2[%dma_start3A_106, %dma_start3A_107] : memref<10000x128xf32, #tpu.memory_space<hbm>> -> memref<10000x128xf32, #tpu.memory_space<hbm>>
        tpu.enqueue_indirect_dma source(%dma_start3A_108 : memref<10000x128xf32, #tpu.memory_space<hbm>>) target(%dma_start3A_102 : memref<128x128xf32, #tpu.memory_space<vmem>>) offsets(%dma_start3A_105 : memref<128xi32, #tpu.memory_space<vmem>>) semaphore(%arg11 : memref<!tpu.dma_semaphore, #tpu.memory_space<semaphore_mem>>)
        %run_scoped3A_109 = arith.constant 1 : i32
        %run_scoped3A_110 = arith.constant 1 : i32
        "tpu.region"() ({
          %run_scoped3A_255 = tpu.sem_alloc : memref<!tpu.dma_semaphore, #tpu.memory_space<semaphore_mem>>
          %dma_start3A_256 = arith.constant 0 : i32
          %dma_start3A_257 = arith.constant 0 : i32
          %dma_start3A_258 = tpu.memref_slice %arg9[%run_scoped3A_109, %dma_start3A_256, %dma_start3A_257] : memref<2x128x128xf32, #tpu.memory_space<vmem>> -> memref<1x128x128xf32, #tpu.memory_space<vmem>>
          %dma_start3A_259 = tpu.memref_squeeze %dma_start3A_258 : memref<1x128x128xf32, #tpu.memory_space<vmem>> -> memref<128x128xf32, #tpu.memory_space<vmem>>
          %dma_start3A_260 = arith.constant 0 : i32
          %dma_start3A_261 = tpu.memref_slice %arg8[%run_scoped3A_110, %dma_start3A_260] : memref<8x128xi32, #tpu.memory_space<vmem>> -> memref<1x128xi32, #tpu.memory_space<vmem>>
          %dma_start3A_262 = tpu.memref_squeeze %dma_start3A_261 : memref<1x128xi32, #tpu.memory_space<vmem>> -> memref<128xi32, #tpu.memory_space<vmem>>
          %dma_start3A_263 = arith.constant 0 : i32
          %dma_start3A_264 = arith.constant 0 : i32
          %dma_start3A_265 = tpu.memref_slice %arg10[%dma_start3A_263, %dma_start3A_264] : memref<10240x128xf32, #tpu.memory_space<vmem_shared>> -> memref<10240x128xf32, #tpu.memory_space<vmem_shared>>
          tpu.enqueue_indirect_dma source(%dma_start3A_259 : memref<128x128xf32, #tpu.memory_space<vmem>>) target(%dma_start3A_265 : memref<10240x128xf32, #tpu.memory_space<vmem_shared>>) offsets(%dma_start3A_262 : memref<128xi32, #tpu.memory_space<vmem>>) semaphore(%run_scoped3A_255 : memref<!tpu.dma_semaphore, #tpu.memory_space<semaphore_mem>>) {add = true}
          %dma_wait3A_266 = arith.constant 0 : i32
          %dma_wait3A_267 = arith.constant 0 : i32
          %dma_wait3A_268 = tpu.memref_slice %arg9[%run_scoped3A_109, %dma_wait3A_266, %dma_wait3A_267] : memref<2x128x128xf32, #tpu.memory_space<vmem>> -> memref<1x128x128xf32, #tpu.memory_space<vmem>>
          %dma_wait3A_269 = tpu.memref_squeeze %dma_wait3A_268 : memref<1x128x128xf32, #tpu.memory_space<vmem>> -> memref<128x128xf32, #tpu.memory_space<vmem>>
          %dma_wait3A_270 = arith.constant 0 : i32
          %dma_wait3A_271 = tpu.memref_slice %arg8[%run_scoped3A_110, %dma_wait3A_270] : memref<8x128xi32, #tpu.memory_space<vmem>> -> memref<1x128xi32, #tpu.memory_space<vmem>>
          %dma_wait3A_272 = tpu.memref_squeeze %dma_wait3A_271 : memref<1x128xi32, #tpu.memory_space<vmem>> -> memref<128xi32, #tpu.memory_space<vmem>>
          %dma_wait3A_273 = arith.constant 0 : i32
          %dma_wait3A_274 = arith.constant 0 : i32
          %dma_wait3A_275 = tpu.memref_slice %arg10[%dma_wait3A_273, %dma_wait3A_274] : memref<10240x128xf32, #tpu.memory_space<vmem_shared>> -> memref<10240x128xf32, #tpu.memory_space<vmem_shared>>
          tpu.wait_indirect_dma semaphore(%run_scoped3A_255 : memref<!tpu.dma_semaphore, #tpu.memory_space<semaphore_mem>>) src(%dma_wait3A_269 : memref<128x128xf32, #tpu.memory_space<vmem>>) dst(%dma_wait3A_275 : memref<10240x128xf32, #tpu.memory_space<vmem_shared>>)
          tpu.yield
        }) : () -> ()
        %dma_wait3A_111 = arith.constant 2 : i32
        %dma_wait3A_112 = arith.constant 0 : i32
        %dma_wait3A_113 = arith.constant 0 : i32
        %dma_wait3A_114 = arith.constant 0 : i32
        %dma_wait3A_115 = tpu.memref_slice %arg9[%dma_wait3A_112, %dma_wait3A_113, %dma_wait3A_114] : memref<2x128x128xf32, #tpu.memory_space<vmem>> -> memref<1x128x128xf32, #tpu.memory_space<vmem>>
        %dma_wait3A_116 = tpu.memref_squeeze %dma_wait3A_115 : memref<1x128x128xf32, #tpu.memory_space<vmem>> -> memref<128x128xf32, #tpu.memory_space<vmem>>
        %dma_wait3A_117 = arith.constant 0 : i32
        %dma_wait3A_118 = tpu.memref_slice %arg7[%dma_wait3A_111, %dma_wait3A_117] : memref<8x128xi32, #tpu.memory_space<vmem>> -> memref<1x128xi32, #tpu.memory_space<vmem>>
        %dma_wait3A_119 = tpu.memref_squeeze %dma_wait3A_118 : memref<1x128xi32, #tpu.memory_space<vmem>> -> memref<128xi32, #tpu.memory_space<vmem>>
        %dma_wait3A_120 = arith.constant 0 : i32
        %dma_wait3A_121 = arith.constant 0 : i32
        %dma_wait3A_122 = tpu.memref_slice %arg2[%dma_wait3A_120, %dma_wait3A_121] : memref<10000x128xf32, #tpu.memory_space<hbm>> -> memref<10000x128xf32, #tpu.memory_space<hbm>>
        tpu.wait_indirect_dma semaphore(%arg11 : memref<!tpu.dma_semaphore, #tpu.memory_space<semaphore_mem>>) src(%dma_wait3A_122 : memref<10000x128xf32, #tpu.memory_space<hbm>>) dst(%dma_wait3A_116 : memref<128x128xf32, #tpu.memory_space<vmem>>)
        %dma_start3A_123 = arith.constant 3 : i32
        %dma_start3A_124 = arith.constant 1 : i32
        %dma_start3A_125 = arith.constant 0 : i32
        %dma_start3A_126 = arith.constant 0 : i32
        %dma_start3A_127 = tpu.memref_slice %arg9[%dma_start3A_124, %dma_start3A_125, %dma_start3A_126] : memref<2x128x128xf32, #tpu.memory_space<vmem>> -> memref<1x128x128xf32, #tpu.memory_space<vmem>>
        %dma_start3A_128 = tpu.memref_squeeze %dma_start3A_127 : memref<1x128x128xf32, #tpu.memory_space<vmem>> -> memref<128x128xf32, #tpu.memory_space<vmem>>
        %dma_start3A_129 = arith.constant 0 : i32
        %dma_start3A_130 = tpu.memref_slice %arg7[%dma_start3A_123, %dma_start3A_129] : memref<8x128xi32, #tpu.memory_space<vmem>> -> memref<1x128xi32, #tpu.memory_space<vmem>>
        %dma_start3A_131 = tpu.memref_squeeze %dma_start3A_130 : memref<1x128xi32, #tpu.memory_space<vmem>> -> memref<128xi32, #tpu.memory_space<vmem>>
        %dma_start3A_132 = arith.constant 0 : i32
        %dma_start3A_133 = arith.constant 0 : i32
        %dma_start3A_134 = tpu.memref_slice %arg2[%dma_start3A_132, %dma_start3A_133] : memref<10000x128xf32, #tpu.memory_space<hbm>> -> memref<10000x128xf32, #tpu.memory_space<hbm>>
        tpu.enqueue_indirect_dma source(%dma_start3A_134 : memref<10000x128xf32, #tpu.memory_space<hbm>>) target(%dma_start3A_128 : memref<128x128xf32, #tpu.memory_space<vmem>>) offsets(%dma_start3A_131 : memref<128xi32, #tpu.memory_space<vmem>>) semaphore(%arg12 : memref<!tpu.dma_semaphore, #tpu.memory_space<semaphore_mem>>)
        %run_scoped3A_135 = arith.constant 0 : i32
        %run_scoped3A_136 = arith.constant 2 : i32
        "tpu.region"() ({
          %run_scoped3A_255 = tpu.sem_alloc : memref<!tpu.dma_semaphore, #tpu.memory_space<semaphore_mem>>
          %dma_start3A_256 = arith.constant 0 : i32
          %dma_start3A_257 = arith.constant 0 : i32
          %dma_start3A_258 = tpu.memref_slice %arg9[%run_scoped3A_135, %dma_start3A_256, %dma_start3A_257] : memref<2x128x128xf32, #tpu.memory_space<vmem>> -> memref<1x128x128xf32, #tpu.memory_space<vmem>>
          %dma_start3A_259 = tpu.memref_squeeze %dma_start3A_258 : memref<1x128x128xf32, #tpu.memory_space<vmem>> -> memref<128x128xf32, #tpu.memory_space<vmem>>
          %dma_start3A_260 = arith.constant 0 : i32
          %dma_start3A_261 = tpu.memref_slice %arg8[%run_scoped3A_136, %dma_start3A_260] : memref<8x128xi32, #tpu.memory_space<vmem>> -> memref<1x128xi32, #tpu.memory_space<vmem>>
          %dma_start3A_262 = tpu.memref_squeeze %dma_start3A_261 : memref<1x128xi32, #tpu.memory_space<vmem>> -> memref<128xi32, #tpu.memory_space<vmem>>
          %dma_start3A_263 = arith.constant 0 : i32
          %dma_start3A_264 = arith.constant 0 : i32
          %dma_start3A_265 = tpu.memref_slice %arg10[%dma_start3A_263, %dma_start3A_264] : memref<10240x128xf32, #tpu.memory_space<vmem_shared>> -> memref<10240x128xf32, #tpu.memory_space<vmem_shared>>
          tpu.enqueue_indirect_dma source(%dma_start3A_259 : memref<128x128xf32, #tpu.memory_space<vmem>>) target(%dma_start3A_265 : memref<10240x128xf32, #tpu.memory_space<vmem_shared>>) offsets(%dma_start3A_262 : memref<128xi32, #tpu.memory_space<vmem>>) semaphore(%run_scoped3A_255 : memref<!tpu.dma_semaphore, #tpu.memory_space<semaphore_mem>>) {add = true}
          %dma_wait3A_266 = arith.constant 0 : i32
          %dma_wait3A_267 = arith.constant 0 : i32
          %dma_wait3A_268 = tpu.memref_slice %arg9[%run_scoped3A_135, %dma_wait3A_266, %dma_wait3A_267] : memref<2x128x128xf32, #tpu.memory_space<vmem>> -> memref<1x128x128xf32, #tpu.memory_space<vmem>>
          %dma_wait3A_269 = tpu.memref_squeeze %dma_wait3A_268 : memref<1x128x128xf32, #tpu.memory_space<vmem>> -> memref<128x128xf32, #tpu.memory_space<vmem>>
          %dma_wait3A_270 = arith.constant 0 : i32
          %dma_wait3A_271 = tpu.memref_slice %arg8[%run_scoped3A_136, %dma_wait3A_270] : memref<8x128xi32, #tpu.memory_space<vmem>> -> memref<1x128xi32, #tpu.memory_space<vmem>>
          %dma_wait3A_272 = tpu.memref_squeeze %dma_wait3A_271 : memref<1x128xi32, #tpu.memory_space<vmem>> -> memref<128xi32, #tpu.memory_space<vmem>>
          %dma_wait3A_273 = arith.constant 0 : i32
          %dma_wait3A_274 = arith.constant 0 : i32
          %dma_wait3A_275 = tpu.memref_slice %arg10[%dma_wait3A_273, %dma_wait3A_274] : memref<10240x128xf32, #tpu.memory_space<vmem_shared>> -> memref<10240x128xf32, #tpu.memory_space<vmem_shared>>
          tpu.wait_indirect_dma semaphore(%run_scoped3A_255 : memref<!tpu.dma_semaphore, #tpu.memory_space<semaphore_mem>>) src(%dma_wait3A_269 : memref<128x128xf32, #tpu.memory_space<vmem>>) dst(%dma_wait3A_275 : memref<10240x128xf32, #tpu.memory_space<vmem_shared>>)
          tpu.yield
        }) : () -> ()
        %dma_wait3A_137 = arith.constant 3 : i32
        %dma_wait3A_138 = arith.constant 1 : i32
        %dma_wait3A_139 = arith.constant 0 : i32
        %dma_wait3A_140 = arith.constant 0 : i32
        %dma_wait3A_141 = tpu.memref_slice %arg9[%dma_wait3A_138, %dma_wait3A_139, %dma_wait3A_140] : memref<2x128x128xf32, #tpu.memory_space<vmem>> -> memref<1x128x128xf32, #tpu.memory_space<vmem>>
        %dma_wait3A_142 = tpu.memref_squeeze %dma_wait3A_141 : memref<1x128x128xf32, #tpu.memory_space<vmem>> -> memref<128x128xf32, #tpu.memory_space<vmem>>
        %dma_wait3A_143 = arith.constant 0 : i32
        %dma_wait3A_144 = tpu.memref_slice %arg7[%dma_wait3A_137, %dma_wait3A_143] : memref<8x128xi32, #tpu.memory_space<vmem>> -> memref<1x128xi32, #tpu.memory_space<vmem>>
        %dma_wait3A_145 = tpu.memref_squeeze %dma_wait3A_144 : memref<1x128xi32, #tpu.memory_space<vmem>> -> memref<128xi32, #tpu.memory_space<vmem>>
        %dma_wait3A_146 = arith.constant 0 : i32
        %dma_wait3A_147 = arith.constant 0 : i32
        %dma_wait3A_148 = tpu.memref_slice %arg2[%dma_wait3A_146, %dma_wait3A_147] : memref<10000x128xf32, #tpu.memory_space<hbm>> -> memref<10000x128xf32, #tpu.memory_space<hbm>>
        tpu.wait_indirect_dma semaphore(%arg12 : memref<!tpu.dma_semaphore, #tpu.memory_space<semaphore_mem>>) src(%dma_wait3A_148 : memref<10000x128xf32, #tpu.memory_space<hbm>>) dst(%dma_wait3A_142 : memref<128x128xf32, #tpu.memory_space<vmem>>)
        %dma_start3A_149 = arith.constant 4 : i32
        %dma_start3A_150 = arith.constant 0 : i32
        %dma_start3A_151 = arith.constant 0 : i32
        %dma_start3A_152 = arith.constant 0 : i32
        %dma_start3A_153 = tpu.memref_slice %arg9[%dma_start3A_150, %dma_start3A_151, %dma_start3A_152] : memref<2x128x128xf32, #tpu.memory_space<vmem>> -> memref<1x128x128xf32, #tpu.memory_space<vmem>>
        %dma_start3A_154 = tpu.memref_squeeze %dma_start3A_153 : memref<1x128x128xf32, #tpu.memory_space<vmem>> -> memref<128x128xf32, #tpu.memory_space<vmem>>
        %dma_start3A_155 = arith.constant 0 : i32
        %dma_start3A_156 = tpu.memref_slice %arg7[%dma_start3A_149, %dma_start3A_155] : memref<8x128xi32, #tpu.memory_space<vmem>> -> memref<1x128xi32, #tpu.memory_space<vmem>>
        %dma_start3A_157 = tpu.memref_squeeze %dma_start3A_156 : memref<1x128xi32, #tpu.memory_space<vmem>> -> memref<128xi32, #tpu.memory_space<vmem>>
        %dma_start3A_158 = arith.constant 0 : i32
        %dma_start3A_159 = arith.constant 0 : i32
        %dma_start3A_160 = tpu.memref_slice %arg2[%dma_start3A_158, %dma_start3A_159] : memref<10000x128xf32, #tpu.memory_space<hbm>> -> memref<10000x128xf32, #tpu.memory_space<hbm>>
        tpu.enqueue_indirect_dma source(%dma_start3A_160 : memref<10000x128xf32, #tpu.memory_space<hbm>>) target(%dma_start3A_154 : memref<128x128xf32, #tpu.memory_space<vmem>>) offsets(%dma_start3A_157 : memref<128xi32, #tpu.memory_space<vmem>>) semaphore(%arg11 : memref<!tpu.dma_semaphore, #tpu.memory_space<semaphore_mem>>)
        %run_scoped3A_161 = arith.constant 1 : i32
        %run_scoped3A_162 = arith.constant 3 : i32
        "tpu.region"() ({
          %run_scoped3A_255 = tpu.sem_alloc : memref<!tpu.dma_semaphore, #tpu.memory_space<semaphore_mem>>
          %dma_start3A_256 = arith.constant 0 : i32
          %dma_start3A_257 = arith.constant 0 : i32
          %dma_start3A_258 = tpu.memref_slice %arg9[%run_scoped3A_161, %dma_start3A_256, %dma_start3A_257] : memref<2x128x128xf32, #tpu.memory_space<vmem>> -> memref<1x128x128xf32, #tpu.memory_space<vmem>>
          %dma_start3A_259 = tpu.memref_squeeze %dma_start3A_258 : memref<1x128x128xf32, #tpu.memory_space<vmem>> -> memref<128x128xf32, #tpu.memory_space<vmem>>
          %dma_start3A_260 = arith.constant 0 : i32
          %dma_start3A_261 = tpu.memref_slice %arg8[%run_scoped3A_162, %dma_start3A_260] : memref<8x128xi32, #tpu.memory_space<vmem>> -> memref<1x128xi32, #tpu.memory_space<vmem>>
          %dma_start3A_262 = tpu.memref_squeeze %dma_start3A_261 : memref<1x128xi32, #tpu.memory_space<vmem>> -> memref<128xi32, #tpu.memory_space<vmem>>
          %dma_start3A_263 = arith.constant 0 : i32
          %dma_start3A_264 = arith.constant 0 : i32
          %dma_start3A_265 = tpu.memref_slice %arg10[%dma_start3A_263, %dma_start3A_264] : memref<10240x128xf32, #tpu.memory_space<vmem_shared>> -> memref<10240x128xf32, #tpu.memory_space<vmem_shared>>
          tpu.enqueue_indirect_dma source(%dma_start3A_259 : memref<128x128xf32, #tpu.memory_space<vmem>>) target(%dma_start3A_265 : memref<10240x128xf32, #tpu.memory_space<vmem_shared>>) offsets(%dma_start3A_262 : memref<128xi32, #tpu.memory_space<vmem>>) semaphore(%run_scoped3A_255 : memref<!tpu.dma_semaphore, #tpu.memory_space<semaphore_mem>>) {add = true}
          %dma_wait3A_266 = arith.constant 0 : i32
          %dma_wait3A_267 = arith.constant 0 : i32
          %dma_wait3A_268 = tpu.memref_slice %arg9[%run_scoped3A_161, %dma_wait3A_266, %dma_wait3A_267] : memref<2x128x128xf32, #tpu.memory_space<vmem>> -> memref<1x128x128xf32, #tpu.memory_space<vmem>>
          %dma_wait3A_269 = tpu.memref_squeeze %dma_wait3A_268 : memref<1x128x128xf32, #tpu.memory_space<vmem>> -> memref<128x128xf32, #tpu.memory_space<vmem>>
          %dma_wait3A_270 = arith.constant 0 : i32
          %dma_wait3A_271 = tpu.memref_slice %arg8[%run_scoped3A_162, %dma_wait3A_270] : memref<8x128xi32, #tpu.memory_space<vmem>> -> memref<1x128xi32, #tpu.memory_space<vmem>>
          %dma_wait3A_272 = tpu.memref_squeeze %dma_wait3A_271 : memref<1x128xi32, #tpu.memory_space<vmem>> -> memref<128xi32, #tpu.memory_space<vmem>>
          %dma_wait3A_273 = arith.constant 0 : i32
          %dma_wait3A_274 = arith.constant 0 : i32
          %dma_wait3A_275 = tpu.memref_slice %arg10[%dma_wait3A_273, %dma_wait3A_274] : memref<10240x128xf32, #tpu.memory_space<vmem_shared>> -> memref<10240x128xf32, #tpu.memory_space<vmem_shared>>
          tpu.wait_indirect_dma semaphore(%run_scoped3A_255 : memref<!tpu.dma_semaphore, #tpu.memory_space<semaphore_mem>>) src(%dma_wait3A_269 : memref<128x128xf32, #tpu.memory_space<vmem>>) dst(%dma_wait3A_275 : memref<10240x128xf32, #tpu.memory_space<vmem_shared>>)
          tpu.yield
        }) : () -> ()
        %dma_wait3A_163 = arith.constant 4 : i32
        %dma_wait3A_164 = arith.constant 0 : i32
        %dma_wait3A_165 = arith.constant 0 : i32
        %dma_wait3A_166 = arith.constant 0 : i32
        %dma_wait3A_167 = tpu.memref_slice %arg9[%dma_wait3A_164, %dma_wait3A_165, %dma_wait3A_166] : memref<2x128x128xf32, #tpu.memory_space<vmem>> -> memref<1x128x128xf32, #tpu.memory_space<vmem>>
        %dma_wait3A_168 = tpu.memref_squeeze %dma_wait3A_167 : memref<1x128x128xf32, #tpu.memory_space<vmem>> -> memref<128x128xf32, #tpu.memory_space<vmem>>
        %dma_wait3A_169 = arith.constant 0 : i32
        %dma_wait3A_170 = tpu.memref_slice %arg7[%dma_wait3A_163, %dma_wait3A_169] : memref<8x128xi32, #tpu.memory_space<vmem>> -> memref<1x128xi32, #tpu.memory_space<vmem>>
        %dma_wait3A_171 = tpu.memref_squeeze %dma_wait3A_170 : memref<1x128xi32, #tpu.memory_space<vmem>> -> memref<128xi32, #tpu.memory_space<vmem>>
        %dma_wait3A_172 = arith.constant 0 : i32
        %dma_wait3A_173 = arith.constant 0 : i32
        %dma_wait3A_174 = tpu.memref_slice %arg2[%dma_wait3A_172, %dma_wait3A_173] : memref<10000x128xf32, #tpu.memory_space<hbm>> -> memref<10000x128xf32, #tpu.memory_space<hbm>>
        tpu.wait_indirect_dma semaphore(%arg11 : memref<!tpu.dma_semaphore, #tpu.memory_space<semaphore_mem>>) src(%dma_wait3A_174 : memref<10000x128xf32, #tpu.memory_space<hbm>>) dst(%dma_wait3A_168 : memref<128x128xf32, #tpu.memory_space<vmem>>)
        %dma_start3A_175 = arith.constant 5 : i32
        %dma_start3A_176 = arith.constant 1 : i32
        %dma_start3A_177 = arith.constant 0 : i32
        %dma_start3A_178 = arith.constant 0 : i32
        %dma_start3A_179 = tpu.memref_slice %arg9[%dma_start3A_176, %dma_start3A_177, %dma_start3A_178] : memref<2x128x128xf32, #tpu.memory_space<vmem>> -> memref<1x128x128xf32, #tpu.memory_space<vmem>>
        %dma_start3A_180 = tpu.memref_squeeze %dma_start3A_179 : memref<1x128x128xf32, #tpu.memory_space<vmem>> -> memref<128x128xf32, #tpu.memory_space<vmem>>
        %dma_start3A_181 = arith.constant 0 : i32
        %dma_start3A_182 = tpu.memref_slice %arg7[%dma_start3A_175, %dma_start3A_181] : memref<8x128xi32, #tpu.memory_space<vmem>> -> memref<1x128xi32, #tpu.memory_space<vmem>>
        %dma_start3A_183 = tpu.memref_squeeze %dma_start3A_182 : memref<1x128xi32, #tpu.memory_space<vmem>> -> memref<128xi32, #tpu.memory_space<vmem>>
        %dma_start3A_184 = arith.constant 0 : i32
        %dma_start3A_185 = arith.constant 0 : i32
        %dma_start3A_186 = tpu.memref_slice %arg2[%dma_start3A_184, %dma_start3A_185] : memref<10000x128xf32, #tpu.memory_space<hbm>> -> memref<10000x128xf32, #tpu.memory_space<hbm>>
        tpu.enqueue_indirect_dma source(%dma_start3A_186 : memref<10000x128xf32, #tpu.memory_space<hbm>>) target(%dma_start3A_180 : memref<128x128xf32, #tpu.memory_space<vmem>>) offsets(%dma_start3A_183 : memref<128xi32, #tpu.memory_space<vmem>>) semaphore(%arg12 : memref<!tpu.dma_semaphore, #tpu.memory_space<semaphore_mem>>)
        %run_scoped3A_187 = arith.constant 0 : i32
        %run_scoped3A_188 = arith.constant 4 : i32
        "tpu.region"() ({
          %run_scoped3A_255 = tpu.sem_alloc : memref<!tpu.dma_semaphore, #tpu.memory_space<semaphore_mem>>
          %dma_start3A_256 = arith.constant 0 : i32
          %dma_start3A_257 = arith.constant 0 : i32
          %dma_start3A_258 = tpu.memref_slice %arg9[%run_scoped3A_187, %dma_start3A_256, %dma_start3A_257] : memref<2x128x128xf32, #tpu.memory_space<vmem>> -> memref<1x128x128xf32, #tpu.memory_space<vmem>>
          %dma_start3A_259 = tpu.memref_squeeze %dma_start3A_258 : memref<1x128x128xf32, #tpu.memory_space<vmem>> -> memref<128x128xf32, #tpu.memory_space<vmem>>
          %dma_start3A_260 = arith.constant 0 : i32
          %dma_start3A_261 = tpu.memref_slice %arg8[%run_scoped3A_188, %dma_start3A_260] : memref<8x128xi32, #tpu.memory_space<vmem>> -> memref<1x128xi32, #tpu.memory_space<vmem>>
          %dma_start3A_262 = tpu.memref_squeeze %dma_start3A_261 : memref<1x128xi32, #tpu.memory_space<vmem>> -> memref<128xi32, #tpu.memory_space<vmem>>
          %dma_start3A_263 = arith.constant 0 : i32
          %dma_start3A_264 = arith.constant 0 : i32
          %dma_start3A_265 = tpu.memref_slice %arg10[%dma_start3A_263, %dma_start3A_264] : memref<10240x128xf32, #tpu.memory_space<vmem_shared>> -> memref<10240x128xf32, #tpu.memory_space<vmem_shared>>
          tpu.enqueue_indirect_dma source(%dma_start3A_259 : memref<128x128xf32, #tpu.memory_space<vmem>>) target(%dma_start3A_265 : memref<10240x128xf32, #tpu.memory_space<vmem_shared>>) offsets(%dma_start3A_262 : memref<128xi32, #tpu.memory_space<vmem>>) semaphore(%run_scoped3A_255 : memref<!tpu.dma_semaphore, #tpu.memory_space<semaphore_mem>>) {add = true}
          %dma_wait3A_266 = arith.constant 0 : i32
          %dma_wait3A_267 = arith.constant 0 : i32
          %dma_wait3A_268 = tpu.memref_slice %arg9[%run_scoped3A_187, %dma_wait3A_266, %dma_wait3A_267] : memref<2x128x128xf32, #tpu.memory_space<vmem>> -> memref<1x128x128xf32, #tpu.memory_space<vmem>>
          %dma_wait3A_269 = tpu.memref_squeeze %dma_wait3A_268 : memref<1x128x128xf32, #tpu.memory_space<vmem>> -> memref<128x128xf32, #tpu.memory_space<vmem>>
          %dma_wait3A_270 = arith.constant 0 : i32
          %dma_wait3A_271 = tpu.memref_slice %arg8[%run_scoped3A_188, %dma_wait3A_270] : memref<8x128xi32, #tpu.memory_space<vmem>> -> memref<1x128xi32, #tpu.memory_space<vmem>>
          %dma_wait3A_272 = tpu.memref_squeeze %dma_wait3A_271 : memref<1x128xi32, #tpu.memory_space<vmem>> -> memref<128xi32, #tpu.memory_space<vmem>>
          %dma_wait3A_273 = arith.constant 0 : i32
          %dma_wait3A_274 = arith.constant 0 : i32
          %dma_wait3A_275 = tpu.memref_slice %arg10[%dma_wait3A_273, %dma_wait3A_274] : memref<10240x128xf32, #tpu.memory_space<vmem_shared>> -> memref<10240x128xf32, #tpu.memory_space<vmem_shared>>
          tpu.wait_indirect_dma semaphore(%run_scoped3A_255 : memref<!tpu.dma_semaphore, #tpu.memory_space<semaphore_mem>>) src(%dma_wait3A_269 : memref<128x128xf32, #tpu.memory_space<vmem>>) dst(%dma_wait3A_275 : memref<10240x128xf32, #tpu.memory_space<vmem_shared>>)
          tpu.yield
        }) : () -> ()
        %dma_wait3A_189 = arith.constant 5 : i32
        %dma_wait3A_190 = arith.constant 1 : i32
        %dma_wait3A_191 = arith.constant 0 : i32
        %dma_wait3A_192 = arith.constant 0 : i32
        %dma_wait3A_193 = tpu.memref_slice %arg9[%dma_wait3A_190, %dma_wait3A_191, %dma_wait3A_192] : memref<2x128x128xf32, #tpu.memory_space<vmem>> -> memref<1x128x128xf32, #tpu.memory_space<vmem>>
        %dma_wait3A_194 = tpu.memref_squeeze %dma_wait3A_193 : memref<1x128x128xf32, #tpu.memory_space<vmem>> -> memref<128x128xf32, #tpu.memory_space<vmem>>
        %dma_wait3A_195 = arith.constant 0 : i32
        %dma_wait3A_196 = tpu.memref_slice %arg7[%dma_wait3A_189, %dma_wait3A_195] : memref<8x128xi32, #tpu.memory_space<vmem>> -> memref<1x128xi32, #tpu.memory_space<vmem>>
        %dma_wait3A_197 = tpu.memref_squeeze %dma_wait3A_196 : memref<1x128xi32, #tpu.memory_space<vmem>> -> memref<128xi32, #tpu.memory_space<vmem>>
        %dma_wait3A_198 = arith.constant 0 : i32
        %dma_wait3A_199 = arith.constant 0 : i32
        %dma_wait3A_200 = tpu.memref_slice %arg2[%dma_wait3A_198, %dma_wait3A_199] : memref<10000x128xf32, #tpu.memory_space<hbm>> -> memref<10000x128xf32, #tpu.memory_space<hbm>>
        tpu.wait_indirect_dma semaphore(%arg12 : memref<!tpu.dma_semaphore, #tpu.memory_space<semaphore_mem>>) src(%dma_wait3A_200 : memref<10000x128xf32, #tpu.memory_space<hbm>>) dst(%dma_wait3A_194 : memref<128x128xf32, #tpu.memory_space<vmem>>)
        %dma_start3A_201 = arith.constant 6 : i32
        %dma_start3A_202 = arith.constant 0 : i32
        %dma_start3A_203 = arith.constant 0 : i32
        %dma_start3A_204 = arith.constant 0 : i32
        %dma_start3A_205 = tpu.memref_slice %arg9[%dma_start3A_202, %dma_start3A_203, %dma_start3A_204] : memref<2x128x128xf32, #tpu.memory_space<vmem>> -> memref<1x128x128xf32, #tpu.memory_space<vmem>>
        %dma_start3A_206 = tpu.memref_squeeze %dma_start3A_205 : memref<1x128x128xf32, #tpu.memory_space<vmem>> -> memref<128x128xf32, #tpu.memory_space<vmem>>
        %dma_start3A_207 = arith.constant 0 : i32
        %dma_start3A_208 = tpu.memref_slice %arg7[%dma_start3A_201, %dma_start3A_207] : memref<8x128xi32, #tpu.memory_space<vmem>> -> memref<1x128xi32, #tpu.memory_space<vmem>>
        %dma_start3A_209 = tpu.memref_squeeze %dma_start3A_208 : memref<1x128xi32, #tpu.memory_space<vmem>> -> memref<128xi32, #tpu.memory_space<vmem>>
        %dma_start3A_210 = arith.constant 0 : i32
        %dma_start3A_211 = arith.constant 0 : i32
        %dma_start3A_212 = tpu.memref_slice %arg2[%dma_start3A_210, %dma_start3A_211] : memref<10000x128xf32, #tpu.memory_space<hbm>> -> memref<10000x128xf32, #tpu.memory_space<hbm>>
        tpu.enqueue_indirect_dma source(%dma_start3A_212 : memref<10000x128xf32, #tpu.memory_space<hbm>>) target(%dma_start3A_206 : memref<128x128xf32, #tpu.memory_space<vmem>>) offsets(%dma_start3A_209 : memref<128xi32, #tpu.memory_space<vmem>>) semaphore(%arg11 : memref<!tpu.dma_semaphore, #tpu.memory_space<semaphore_mem>>)
        %run_scoped3A_213 = arith.constant 1 : i32
        %run_scoped3A_214 = arith.constant 5 : i32
        "tpu.region"() ({
          %run_scoped3A_255 = tpu.sem_alloc : memref<!tpu.dma_semaphore, #tpu.memory_space<semaphore_mem>>
          %dma_start3A_256 = arith.constant 0 : i32
          %dma_start3A_257 = arith.constant 0 : i32
          %dma_start3A_258 = tpu.memref_slice %arg9[%run_scoped3A_213, %dma_start3A_256, %dma_start3A_257] : memref<2x128x128xf32, #tpu.memory_space<vmem>> -> memref<1x128x128xf32, #tpu.memory_space<vmem>>
          %dma_start3A_259 = tpu.memref_squeeze %dma_start3A_258 : memref<1x128x128xf32, #tpu.memory_space<vmem>> -> memref<128x128xf32, #tpu.memory_space<vmem>>
          %dma_start3A_260 = arith.constant 0 : i32
          %dma_start3A_261 = tpu.memref_slice %arg8[%run_scoped3A_214, %dma_start3A_260] : memref<8x128xi32, #tpu.memory_space<vmem>> -> memref<1x128xi32, #tpu.memory_space<vmem>>
          %dma_start3A_262 = tpu.memref_squeeze %dma_start3A_261 : memref<1x128xi32, #tpu.memory_space<vmem>> -> memref<128xi32, #tpu.memory_space<vmem>>
          %dma_start3A_263 = arith.constant 0 : i32
          %dma_start3A_264 = arith.constant 0 : i32
          %dma_start3A_265 = tpu.memref_slice %arg10[%dma_start3A_263, %dma_start3A_264] : memref<10240x128xf32, #tpu.memory_space<vmem_shared>> -> memref<10240x128xf32, #tpu.memory_space<vmem_shared>>
          tpu.enqueue_indirect_dma source(%dma_start3A_259 : memref<128x128xf32, #tpu.memory_space<vmem>>) target(%dma_start3A_265 : memref<10240x128xf32, #tpu.memory_space<vmem_shared>>) offsets(%dma_start3A_262 : memref<128xi32, #tpu.memory_space<vmem>>) semaphore(%run_scoped3A_255 : memref<!tpu.dma_semaphore, #tpu.memory_space<semaphore_mem>>) {add = true}
          %dma_wait3A_266 = arith.constant 0 : i32
          %dma_wait3A_267 = arith.constant 0 : i32
          %dma_wait3A_268 = tpu.memref_slice %arg9[%run_scoped3A_213, %dma_wait3A_266, %dma_wait3A_267] : memref<2x128x128xf32, #tpu.memory_space<vmem>> -> memref<1x128x128xf32, #tpu.memory_space<vmem>>
          %dma_wait3A_269 = tpu.memref_squeeze %dma_wait3A_268 : memref<1x128x128xf32, #tpu.memory_space<vmem>> -> memref<128x128xf32, #tpu.memory_space<vmem>>
          %dma_wait3A_270 = arith.constant 0 : i32
          %dma_wait3A_271 = tpu.memref_slice %arg8[%run_scoped3A_214, %dma_wait3A_270] : memref<8x128xi32, #tpu.memory_space<vmem>> -> memref<1x128xi32, #tpu.memory_space<vmem>>
          %dma_wait3A_272 = tpu.memref_squeeze %dma_wait3A_271 : memref<1x128xi32, #tpu.memory_space<vmem>> -> memref<128xi32, #tpu.memory_space<vmem>>
          %dma_wait3A_273 = arith.constant 0 : i32
          %dma_wait3A_274 = arith.constant 0 : i32
          %dma_wait3A_275 = tpu.memref_slice %arg10[%dma_wait3A_273, %dma_wait3A_274] : memref<10240x128xf32, #tpu.memory_space<vmem_shared>> -> memref<10240x128xf32, #tpu.memory_space<vmem_shared>>
          tpu.wait_indirect_dma semaphore(%run_scoped3A_255 : memref<!tpu.dma_semaphore, #tpu.memory_space<semaphore_mem>>) src(%dma_wait3A_269 : memref<128x128xf32, #tpu.memory_space<vmem>>) dst(%dma_wait3A_275 : memref<10240x128xf32, #tpu.memory_space<vmem_shared>>)
          tpu.yield
        }) : () -> ()
        %dma_wait3A_215 = arith.constant 6 : i32
        %dma_wait3A_216 = arith.constant 0 : i32
        %dma_wait3A_217 = arith.constant 0 : i32
        %dma_wait3A_218 = arith.constant 0 : i32
        %dma_wait3A_219 = tpu.memref_slice %arg9[%dma_wait3A_216, %dma_wait3A_217, %dma_wait3A_218] : memref<2x128x128xf32, #tpu.memory_space<vmem>> -> memref<1x128x128xf32, #tpu.memory_space<vmem>>
        %dma_wait3A_220 = tpu.memref_squeeze %dma_wait3A_219 : memref<1x128x128xf32, #tpu.memory_space<vmem>> -> memref<128x128xf32, #tpu.memory_space<vmem>>
        %dma_wait3A_221 = arith.constant 0 : i32
        %dma_wait3A_222 = tpu.memref_slice %arg7[%dma_wait3A_215, %dma_wait3A_221] : memref<8x128xi32, #tpu.memory_space<vmem>> -> memref<1x128xi32, #tpu.memory_space<vmem>>
        %dma_wait3A_223 = tpu.memref_squeeze %dma_wait3A_222 : memref<1x128xi32, #tpu.memory_space<vmem>> -> memref<128xi32, #tpu.memory_space<vmem>>
        %dma_wait3A_224 = arith.constant 0 : i32
        %dma_wait3A_225 = arith.constant 0 : i32
        %dma_wait3A_226 = tpu.memref_slice %arg2[%dma_wait3A_224, %dma_wait3A_225] : memref<10000x128xf32, #tpu.memory_space<hbm>> -> memref<10000x128xf32, #tpu.memory_space<hbm>>
        tpu.wait_indirect_dma semaphore(%arg11 : memref<!tpu.dma_semaphore, #tpu.memory_space<semaphore_mem>>) src(%dma_wait3A_226 : memref<10000x128xf32, #tpu.memory_space<hbm>>) dst(%dma_wait3A_220 : memref<128x128xf32, #tpu.memory_space<vmem>>)
        %dma_start3A_227 = arith.constant 7 : i32
        %dma_start3A_228 = arith.constant 1 : i32
        %dma_start3A_229 = arith.constant 0 : i32
        %dma_start3A_230 = arith.constant 0 : i32
        %dma_start3A_231 = tpu.memref_slice %arg9[%dma_start3A_228, %dma_start3A_229, %dma_start3A_230] : memref<2x128x128xf32, #tpu.memory_space<vmem>> -> memref<1x128x128xf32, #tpu.memory_space<vmem>>
        %dma_start3A_232 = tpu.memref_squeeze %dma_start3A_231 : memref<1x128x128xf32, #tpu.memory_space<vmem>> -> memref<128x128xf32, #tpu.memory_space<vmem>>
        %dma_start3A_233 = arith.constant 0 : i32
        %dma_start3A_234 = tpu.memref_slice %arg7[%dma_start3A_227, %dma_start3A_233] : memref<8x128xi32, #tpu.memory_space<vmem>> -> memref<1x128xi32, #tpu.memory_space<vmem>>
        %dma_start3A_235 = tpu.memref_squeeze %dma_start3A_234 : memref<1x128xi32, #tpu.memory_space<vmem>> -> memref<128xi32, #tpu.memory_space<vmem>>
        %dma_start3A_236 = arith.constant 0 : i32
        %dma_start3A_237 = arith.constant 0 : i32
        %dma_start3A_238 = tpu.memref_slice %arg2[%dma_start3A_236, %dma_start3A_237] : memref<10000x128xf32, #tpu.memory_space<hbm>> -> memref<10000x128xf32, #tpu.memory_space<hbm>>
        tpu.enqueue_indirect_dma source(%dma_start3A_238 : memref<10000x128xf32, #tpu.memory_space<hbm>>) target(%dma_start3A_232 : memref<128x128xf32, #tpu.memory_space<vmem>>) offsets(%dma_start3A_235 : memref<128xi32, #tpu.memory_space<vmem>>) semaphore(%arg12 : memref<!tpu.dma_semaphore, #tpu.memory_space<semaphore_mem>>)
        %run_scoped3A_239 = arith.constant 0 : i32
        %run_scoped3A_240 = arith.constant 6 : i32
        "tpu.region"() ({
          %run_scoped3A_255 = tpu.sem_alloc : memref<!tpu.dma_semaphore, #tpu.memory_space<semaphore_mem>>
          %dma_start3A_256 = arith.constant 0 : i32
          %dma_start3A_257 = arith.constant 0 : i32
          %dma_start3A_258 = tpu.memref_slice %arg9[%run_scoped3A_239, %dma_start3A_256, %dma_start3A_257] : memref<2x128x128xf32, #tpu.memory_space<vmem>> -> memref<1x128x128xf32, #tpu.memory_space<vmem>>
          %dma_start3A_259 = tpu.memref_squeeze %dma_start3A_258 : memref<1x128x128xf32, #tpu.memory_space<vmem>> -> memref<128x128xf32, #tpu.memory_space<vmem>>
          %dma_start3A_260 = arith.constant 0 : i32
          %dma_start3A_261 = tpu.memref_slice %arg8[%run_scoped3A_240, %dma_start3A_260] : memref<8x128xi32, #tpu.memory_space<vmem>> -> memref<1x128xi32, #tpu.memory_space<vmem>>
          %dma_start3A_262 = tpu.memref_squeeze %dma_start3A_261 : memref<1x128xi32, #tpu.memory_space<vmem>> -> memref<128xi32, #tpu.memory_space<vmem>>
          %dma_start3A_263 = arith.constant 0 : i32
          %dma_start3A_264 = arith.constant 0 : i32
          %dma_start3A_265 = tpu.memref_slice %arg10[%dma_start3A_263, %dma_start3A_264] : memref<10240x128xf32, #tpu.memory_space<vmem_shared>> -> memref<10240x128xf32, #tpu.memory_space<vmem_shared>>
          tpu.enqueue_indirect_dma source(%dma_start3A_259 : memref<128x128xf32, #tpu.memory_space<vmem>>) target(%dma_start3A_265 : memref<10240x128xf32, #tpu.memory_space<vmem_shared>>) offsets(%dma_start3A_262 : memref<128xi32, #tpu.memory_space<vmem>>) semaphore(%run_scoped3A_255 : memref<!tpu.dma_semaphore, #tpu.memory_space<semaphore_mem>>) {add = true}
          %dma_wait3A_266 = arith.constant 0 : i32
          %dma_wait3A_267 = arith.constant 0 : i32
          %dma_wait3A_268 = tpu.memref_slice %arg9[%run_scoped3A_239, %dma_wait3A_266, %dma_wait3A_267] : memref<2x128x128xf32, #tpu.memory_space<vmem>> -> memref<1x128x128xf32, #tpu.memory_space<vmem>>
          %dma_wait3A_269 = tpu.memref_squeeze %dma_wait3A_268 : memref<1x128x128xf32, #tpu.memory_space<vmem>> -> memref<128x128xf32, #tpu.memory_space<vmem>>
          %dma_wait3A_270 = arith.constant 0 : i32
          %dma_wait3A_271 = tpu.memref_slice %arg8[%run_scoped3A_240, %dma_wait3A_270] : memref<8x128xi32, #tpu.memory_space<vmem>> -> memref<1x128xi32, #tpu.memory_space<vmem>>
          %dma_wait3A_272 = tpu.memref_squeeze %dma_wait3A_271 : memref<1x128xi32, #tpu.memory_space<vmem>> -> memref<128xi32, #tpu.memory_space<vmem>>
          %dma_wait3A_273 = arith.constant 0 : i32
          %dma_wait3A_274 = arith.constant 0 : i32
          %dma_wait3A_275 = tpu.memref_slice %arg10[%dma_wait3A_273, %dma_wait3A_274] : memref<10240x128xf32, #tpu.memory_space<vmem_shared>> -> memref<10240x128xf32, #tpu.memory_space<vmem_shared>>
          tpu.wait_indirect_dma semaphore(%run_scoped3A_255 : memref<!tpu.dma_semaphore, #tpu.memory_space<semaphore_mem>>) src(%dma_wait3A_269 : memref<128x128xf32, #tpu.memory_space<vmem>>) dst(%dma_wait3A_275 : memref<10240x128xf32, #tpu.memory_space<vmem_shared>>)
          tpu.yield
        }) : () -> ()
        %dma_wait3A_241 = arith.constant 7 : i32
        %dma_wait3A_242 = arith.constant 1 : i32
        %dma_wait3A_243 = arith.constant 0 : i32
        %dma_wait3A_244 = arith.constant 0 : i32
        %dma_wait3A_245 = tpu.memref_slice %arg9[%dma_wait3A_242, %dma_wait3A_243, %dma_wait3A_244] : memref<2x128x128xf32, #tpu.memory_space<vmem>> -> memref<1x128x128xf32, #tpu.memory_space<vmem>>
        %dma_wait3A_246 = tpu.memref_squeeze %dma_wait3A_245 : memref<1x128x128xf32, #tpu.memory_space<vmem>> -> memref<128x128xf32, #tpu.memory_space<vmem>>
        %dma_wait3A_247 = arith.constant 0 : i32
        %dma_wait3A_248 = tpu.memref_slice %arg7[%dma_wait3A_241, %dma_wait3A_247] : memref<8x128xi32, #tpu.memory_space<vmem>> -> memref<1x128xi32, #tpu.memory_space<vmem>>
        %dma_wait3A_249 = tpu.memref_squeeze %dma_wait3A_248 : memref<1x128xi32, #tpu.memory_space<vmem>> -> memref<128xi32, #tpu.memory_space<vmem>>
        %dma_wait3A_250 = arith.constant 0 : i32
        %dma_wait3A_251 = arith.constant 0 : i32
        %dma_wait3A_252 = tpu.memref_slice %arg2[%dma_wait3A_250, %dma_wait3A_251] : memref<10000x128xf32, #tpu.memory_space<hbm>> -> memref<10000x128xf32, #tpu.memory_space<hbm>>
        tpu.wait_indirect_dma semaphore(%arg12 : memref<!tpu.dma_semaphore, #tpu.memory_space<semaphore_mem>>) src(%dma_wait3A_252 : memref<10000x128xf32, #tpu.memory_space<hbm>>) dst(%dma_wait3A_246 : memref<128x128xf32, #tpu.memory_space<vmem>>)
        %run_scoped3A_253 = arith.constant 1 : i32
        %run_scoped3A_254 = arith.constant 7 : i32
        "tpu.region"() ({
          %run_scoped3A_255 = tpu.sem_alloc : memref<!tpu.dma_semaphore, #tpu.memory_space<semaphore_mem>>
          %dma_start3A_256 = arith.constant 0 : i32
          %dma_start3A_257 = arith.constant 0 : i32
          %dma_start3A_258 = tpu.memref_slice %arg9[%run_scoped3A_253, %dma_start3A_256, %dma_start3A_257] : memref<2x128x128xf32, #tpu.memory_space<vmem>> -> memref<1x128x128xf32, #tpu.memory_space<vmem>>
          %dma_start3A_259 = tpu.memref_squeeze %dma_start3A_258 : memref<1x128x128xf32, #tpu.memory_space<vmem>> -> memref<128x128xf32, #tpu.memory_space<vmem>>
          %dma_start3A_260 = arith.constant 0 : i32
          %dma_start3A_261 = tpu.memref_slice %arg8[%run_scoped3A_254, %dma_start3A_260] : memref<8x128xi32, #tpu.memory_space<vmem>> -> memref<1x128xi32, #tpu.memory_space<vmem>>
          %dma_start3A_262 = tpu.memref_squeeze %dma_start3A_261 : memref<1x128xi32, #tpu.memory_space<vmem>> -> memref<128xi32, #tpu.memory_space<vmem>>
          %dma_start3A_263 = arith.constant 0 : i32
          %dma_start3A_264 = arith.constant 0 : i32
          %dma_start3A_265 = tpu.memref_slice %arg10[%dma_start3A_263, %dma_start3A_264] : memref<10240x128xf32, #tpu.memory_space<vmem_shared>> -> memref<10240x128xf32, #tpu.memory_space<vmem_shared>>
          tpu.enqueue_indirect_dma source(%dma_start3A_259 : memref<128x128xf32, #tpu.memory_space<vmem>>) target(%dma_start3A_265 : memref<10240x128xf32, #tpu.memory_space<vmem_shared>>) offsets(%dma_start3A_262 : memref<128xi32, #tpu.memory_space<vmem>>) semaphore(%run_scoped3A_255 : memref<!tpu.dma_semaphore, #tpu.memory_space<semaphore_mem>>) {add = true}
          %dma_wait3A_266 = arith.constant 0 : i32
          %dma_wait3A_267 = arith.constant 0 : i32
          %dma_wait3A_268 = tpu.memref_slice %arg9[%run_scoped3A_253, %dma_wait3A_266, %dma_wait3A_267] : memref<2x128x128xf32, #tpu.memory_space<vmem>> -> memref<1x128x128xf32, #tpu.memory_space<vmem>>
          %dma_wait3A_269 = tpu.memref_squeeze %dma_wait3A_268 : memref<1x128x128xf32, #tpu.memory_space<vmem>> -> memref<128x128xf32, #tpu.memory_space<vmem>>
          %dma_wait3A_270 = arith.constant 0 : i32
          %dma_wait3A_271 = tpu.memref_slice %arg8[%run_scoped3A_254, %dma_wait3A_270] : memref<8x128xi32, #tpu.memory_space<vmem>> -> memref<1x128xi32, #tpu.memory_space<vmem>>
          %dma_wait3A_272 = tpu.memref_squeeze %dma_wait3A_271 : memref<1x128xi32, #tpu.memory_space<vmem>> -> memref<128xi32, #tpu.memory_space<vmem>>
          %dma_wait3A_273 = arith.constant 0 : i32
          %dma_wait3A_274 = arith.constant 0 : i32
          %dma_wait3A_275 = tpu.memref_slice %arg10[%dma_wait3A_273, %dma_wait3A_274] : memref<10240x128xf32, #tpu.memory_space<vmem_shared>> -> memref<10240x128xf32, #tpu.memory_space<vmem_shared>>
          tpu.wait_indirect_dma semaphore(%run_scoped3A_255 : memref<!tpu.dma_semaphore, #tpu.memory_space<semaphore_mem>>) src(%dma_wait3A_269 : memref<128x128xf32, #tpu.memory_space<vmem>>) dst(%dma_wait3A_275 : memref<10240x128xf32, #tpu.memory_space<vmem_shared>>)
          tpu.yield
        }) : () -> ()
      } else {
      }
    }
    %scan3A_33 = arith.constant 16 : i32
    %barrier3A_34 = arith.constant 0 : index
    tpu.barrier barrier_id(%barrier3A_34)
    %mul3A_35 = arith.constant 640 : i32
    %mul3A_36 = arith.muli %arg1, %mul3A_35 : i32
    %mul3A_37 = arith.constant 640 : i32
    %mul3A_38 = arith.muli %arg1, %mul3A_37 : i32
    "tpu.region"() ({
      %run_scoped3A = tpu.sem_alloc : memref<!tpu.dma_semaphore, #tpu.memory_space<semaphore_mem>>
      %dma_start3A = arith.constant 0 : i32
      %dma_start3A_39 = tpu.memref_slice %arg5[%arg0, %mul3A_38, %dma_start3A] : memref<2x10240x128xf32, #tpu.memory_space<hbm>> -> memref<1x640x128xf32, #tpu.memory_space<hbm>>
      %dma_start3A_40 = tpu.memref_squeeze %dma_start3A_39 : memref<1x640x128xf32, #tpu.memory_space<hbm>> -> memref<640x128xf32, #tpu.memory_space<hbm>>
      %dma_start3A_41 = arith.constant 0 : i32
      %dma_start3A_42 = tpu.memref_slice %arg10[%mul3A_36, %dma_start3A_41] : memref<10240x128xf32, #tpu.memory_space<vmem_shared>> -> memref<640x128xf32, #tpu.memory_space<vmem_shared>>
      tpu.enqueue_dma source(%dma_start3A_42 : memref<640x128xf32, #tpu.memory_space<vmem_shared>>) target(%dma_start3A_40 : memref<640x128xf32, #tpu.memory_space<hbm>>) target_semaphore(%run_scoped3A : memref<!tpu.dma_semaphore, #tpu.memory_space<semaphore_mem>>)
      %dma_wait3A = arith.constant 0 : i32
      %dma_wait3A_43 = tpu.memref_slice %arg5[%arg0, %mul3A_38, %dma_wait3A] : memref<2x10240x128xf32, #tpu.memory_space<hbm>> -> memref<1x640x128xf32, #tpu.memory_space<hbm>>
      %dma_wait3A_44 = tpu.memref_squeeze %dma_wait3A_43 : memref<1x640x128xf32, #tpu.memory_space<hbm>> -> memref<640x128xf32, #tpu.memory_space<hbm>>
      %dma_wait3A_45 = arith.constant 0 : i32
      %dma_wait3A_46 = tpu.memref_slice %arg10[%mul3A_36, %dma_wait3A_45] : memref<10240x128xf32, #tpu.memory_space<vmem_shared>> -> memref<640x128xf32, #tpu.memory_space<vmem_shared>>
      tpu.wait_dma2 semaphore(%run_scoped3A : memref<!tpu.dma_semaphore, #tpu.memory_space<semaphore_mem>>) src(%dma_wait3A_46 : memref<640x128xf32, #tpu.memory_space<vmem_shared>>) dst(%dma_wait3A_44 : memref<640x128xf32, #tpu.memory_space<hbm>>)
      tpu.yield
    }) : () -> ()
    return
  }
}

#map = affine_map<(d0, d1) -> (0, 0)>
#map1 = affine_map<(d0, d1) -> (0, 0, 0)>
module attributes {stable_mosaic.version = 14 : i64} {
  func.func @_seg_sum_body(%arg0: i32, %arg1: i32, %arg2: memref<10000x128xf32, #tpu.memory_space<hbm>>, %arg3: memref<2560x128xi32, #tpu.memory_space<hbm>>, %arg4: memref<128x128xf32, #tpu.memory_space<hbm>>, %arg5: memref<2x10240x128xf32, #tpu.memory_space<hbm>>, %arg6: memref<8x128xi32, #tpu.memory_space<vmem>>, %arg7: memref<8x128xi32, #tpu.memory_space<vmem>>, %arg8: memref<8x128xi32, #tpu.memory_space<vmem>>, %arg9: memref<2x128x128xf32, #tpu.memory_space<vmem>>, %arg10: memref<10240x128xf32, #tpu.memory_space<vmem_shared>>, %arg11: memref<!tpu.dma_semaphore, #tpu.memory_space<semaphore_mem>>, %arg12: memref<!tpu.dma_semaphore, #tpu.memory_space<semaphore_mem>>) attributes {dimension_semantics = [#tpu.dimension_semantics<core_parallel>, #tpu.dimension_semantics<subcore_parallel>], iteration_bounds = array<i64: 2, 16>, scalar_prefetch = 0 : i64, scratch_operands = 7 : i64, tpu.core_type = #tpu.core_type<sc_vector_subcore>, window_params = [{transform_indices = #map}, {transform_indices = #map}, {transform_indices = #map}, {transform_indices = #map1}]} {
    %mul3A = arith.constant 640 : i32
    %mul3A_0 = arith.muli %arg1, %mul3A : i32
    %add3A = arith.constant 0 : i32
    %add3A_1 = arith.addi %mul3A_0, %add3A : i32
    "tpu.region"() ({
      %run_scoped3A = tpu.sem_alloc : memref<!tpu.dma_semaphore, #tpu.memory_space<semaphore_mem>>
      %dma_start3A = arith.constant 0 : i32
      %dma_start3A_39 = tpu.memref_slice %arg10[%add3A_1, %dma_start3A] : memref<10240x128xf32, #tpu.memory_space<vmem_shared>> -> memref<128x128xf32, #tpu.memory_space<vmem_shared>>
      tpu.enqueue_dma source(%arg4 : memref<128x128xf32, #tpu.memory_space<hbm>>) target(%dma_start3A_39 : memref<128x128xf32, #tpu.memory_space<vmem_shared>>) target_semaphore(%run_scoped3A : memref<!tpu.dma_semaphore, #tpu.memory_space<semaphore_mem>>)
      %dma_wait3A = arith.constant 0 : i32
      %dma_wait3A_40 = tpu.memref_slice %arg10[%add3A_1, %dma_wait3A] : memref<10240x128xf32, #tpu.memory_space<vmem_shared>> -> memref<128x128xf32, #tpu.memory_space<vmem_shared>>
      tpu.wait_dma2 semaphore(%run_scoped3A : memref<!tpu.dma_semaphore, #tpu.memory_space<semaphore_mem>>) src(%arg4 : memref<128x128xf32, #tpu.memory_space<hbm>>) dst(%dma_wait3A_40 : memref<128x128xf32, #tpu.memory_space<vmem_shared>>)
      tpu.yield
    }) : () -> ()
    %mul3A_2 = arith.constant 640 : i32
    %mul3A_3 = arith.muli %arg1, %mul3A_2 : i32
    %add3A_4 = arith.constant 128 : i32
    %add3A_5 = arith.addi %mul3A_3, %add3A_4 : i32
    "tpu.region"() ({
      %run_scoped3A = tpu.sem_alloc : memref<!tpu.dma_semaphore, #tpu.memory_space<semaphore_mem>>
      %dma_start3A = arith.constant 0 : i32
      %dma_start3A_39 = tpu.memref_slice %arg10[%add3A_5, %dma_start3A] : memref<10240x128xf32, #tpu.memory_space<vmem_shared>> -> memref<128x128xf32, #tpu.memory_space<vmem_shared>>
      tpu.enqueue_dma source(%arg4 : memref<128x128xf32, #tpu.memory_space<hbm>>) target(%dma_start3A_39 : memref<128x128xf32, #tpu.memory_space<vmem_shared>>) target_semaphore(%run_scoped3A : memref<!tpu.dma_semaphore, #tpu.memory_space<semaphore_mem>>)
      %dma_wait3A = arith.constant 0 : i32
      %dma_wait3A_40 = tpu.memref_slice %arg10[%add3A_5, %dma_wait3A] : memref<10240x128xf32, #tpu.memory_space<vmem_shared>> -> memref<128x128xf32, #tpu.memory_space<vmem_shared>>
      tpu.wait_dma2 semaphore(%run_scoped3A : memref<!tpu.dma_semaphore, #tpu.memory_space<semaphore_mem>>) src(%arg4 : memref<128x128xf32, #tpu.memory_space<hbm>>) dst(%dma_wait3A_40 : memref<128x128xf32, #tpu.memory_space<vmem_shared>>)
      tpu.yield
    }) : () -> ()
    %mul3A_6 = arith.constant 640 : i32
    %mul3A_7 = arith.muli %arg1, %mul3A_6 : i32
    %add3A_8 = arith.constant 256 : i32
    %add3A_9 = arith.addi %mul3A_7, %add3A_8 : i32
    "tpu.region"() ({
      %run_scoped3A = tpu.sem_alloc : memref<!tpu.dma_semaphore, #tpu.memory_space<semaphore_mem>>
      %dma_start3A = arith.constant 0 : i32
      %dma_start3A_39 = tpu.memref_slice %arg10[%add3A_9, %dma_start3A] : memref<10240x128xf32, #tpu.memory_space<vmem_shared>> -> memref<128x128xf32, #tpu.memory_space<vmem_shared>>
      tpu.enqueue_dma source(%arg4 : memref<128x128xf32, #tpu.memory_space<hbm>>) target(%dma_start3A_39 : memref<128x128xf32, #tpu.memory_space<vmem_shared>>) target_semaphore(%run_scoped3A : memref<!tpu.dma_semaphore, #tpu.memory_space<semaphore_mem>>)
      %dma_wait3A = arith.constant 0 : i32
      %dma_wait3A_40 = tpu.memref_slice %arg10[%add3A_9, %dma_wait3A] : memref<10240x128xf32, #tpu.memory_space<vmem_shared>> -> memref<128x128xf32, #tpu.memory_space<vmem_shared>>
      tpu.wait_dma2 semaphore(%run_scoped3A : memref<!tpu.dma_semaphore, #tpu.memory_space<semaphore_mem>>) src(%arg4 : memref<128x128xf32, #tpu.memory_space<hbm>>) dst(%dma_wait3A_40 : memref<128x128xf32, #tpu.memory_space<vmem_shared>>)
      tpu.yield
    }) : () -> ()
    %mul3A_10 = arith.constant 640 : i32
    %mul3A_11 = arith.muli %arg1, %mul3A_10 : i32
    %add3A_12 = arith.constant 384 : i32
    %add3A_13 = arith.addi %mul3A_11, %add3A_12 : i32
    "tpu.region"() ({
      %run_scoped3A = tpu.sem_alloc : memref<!tpu.dma_semaphore, #tpu.memory_space<semaphore_mem>>
      %dma_start3A = arith.constant 0 : i32
      %dma_start3A_39 = tpu.memref_slice %arg10[%add3A_13, %dma_start3A] : memref<10240x128xf32, #tpu.memory_space<vmem_shared>> -> memref<128x128xf32, #tpu.memory_space<vmem_shared>>
      tpu.enqueue_dma source(%arg4 : memref<128x128xf32, #tpu.memory_space<hbm>>) target(%dma_start3A_39 : memref<128x128xf32, #tpu.memory_space<vmem_shared>>) target_semaphore(%run_scoped3A : memref<!tpu.dma_semaphore, #tpu.memory_space<semaphore_mem>>)
      %dma_wait3A = arith.constant 0 : i32
      %dma_wait3A_40 = tpu.memref_slice %arg10[%add3A_13, %dma_wait3A] : memref<10240x128xf32, #tpu.memory_space<vmem_shared>> -> memref<128x128xf32, #tpu.memory_space<vmem_shared>>
      tpu.wait_dma2 semaphore(%run_scoped3A : memref<!tpu.dma_semaphore, #tpu.memory_space<semaphore_mem>>) src(%arg4 : memref<128x128xf32, #tpu.memory_space<hbm>>) dst(%dma_wait3A_40 : memref<128x128xf32, #tpu.memory_space<vmem_shared>>)
      tpu.yield
    }) : () -> ()
    %mul3A_14 = arith.constant 640 : i32
    %mul3A_15 = arith.muli %arg1, %mul3A_14 : i32
    %add3A_16 = arith.constant 512 : i32
    %add3A_17 = arith.addi %mul3A_15, %add3A_16 : i32
    "tpu.region"() ({
      %run_scoped3A = tpu.sem_alloc : memref<!tpu.dma_semaphore, #tpu.memory_space<semaphore_mem>>
      %dma_start3A = arith.constant 0 : i32
      %dma_start3A_39 = tpu.memref_slice %arg10[%add3A_17, %dma_start3A] : memref<10240x128xf32, #tpu.memory_space<vmem_shared>> -> memref<128x128xf32, #tpu.memory_space<vmem_shared>>
      tpu.enqueue_dma source(%arg4 : memref<128x128xf32, #tpu.memory_space<hbm>>) target(%dma_start3A_39 : memref<128x128xf32, #tpu.memory_space<vmem_shared>>) target_semaphore(%run_scoped3A : memref<!tpu.dma_semaphore, #tpu.memory_space<semaphore_mem>>)
      %dma_wait3A = arith.constant 0 : i32
      %dma_wait3A_40 = tpu.memref_slice %arg10[%add3A_17, %dma_wait3A] : memref<10240x128xf32, #tpu.memory_space<vmem_shared>> -> memref<128x128xf32, #tpu.memory_space<vmem_shared>>
      tpu.wait_dma2 semaphore(%run_scoped3A : memref<!tpu.dma_semaphore, #tpu.memory_space<semaphore_mem>>) src(%arg4 : memref<128x128xf32, #tpu.memory_space<hbm>>) dst(%dma_wait3A_40 : memref<128x128xf32, #tpu.memory_space<vmem_shared>>)
      tpu.yield
    }) : () -> ()
    %barrier3A = arith.constant 0 : index
    tpu.barrier barrier_id(%barrier3A)
    %eq3A = arith.constant 0 : i32
    %eq3A_18 = arith.cmpi eq, %arg0, %eq3A : i32
    %jit3A = arith.constant 16 : i32
    %jit3A_19 = arith.constant 4 : i32
    %select_n3A = arith.select %eq3A_18, %jit3A, %jit3A_19 : i32
    %eq3A_20 = arith.constant 0 : i32
    %eq3A_21 = arith.cmpi eq, %arg0, %eq3A_20 : i32
    %mul3A_22 = arith.constant 128 : i32
    %mul3A_23 = arith.muli %arg1, %mul3A_22 : i32
    %mul3A_24 = arith.constant 32 : i32
    %mul3A_25 = arith.muli %arg1, %mul3A_24 : i32
    %add3A_26 = arith.constant 2048 : i32
    %add3A_27 = arith.addi %add3A_26, %mul3A_25 : i32
    %select_n3A_28 = arith.select %eq3A_21, %mul3A_23, %add3A_27 : i32
    %scan3A = arith.constant 0 : i32
    %scan3A_29 = arith.constant 0 : i32
    %scan3A_30 = arith.constant 16 : i32
    %scan3A_31 = arith.addi %scan3A_29, %scan3A_30 : i32
    %scan3A_32 = arith.constant 1 : i32
    scf.for %scan3A_39 = %scan3A_29 to %scan3A_31 step %scan3A_32  : i32 {
      %lt3A = arith.cmpi slt, %scan3A_39, %select_n3A : i32
      %convert_element_type3A = arith.extui %lt3A : i1 to i32
      %cond3A = arith.constant 0 : i32
      %cond3A_40 = arith.cmpi ne, %convert_element_type3A, %cond3A : i32
      scf.if %cond3A_40 {
        %mul3A_41 = arith.constant 8 : i32
        %mul3A_42 = arith.muli %scan3A_39, %mul3A_41 : i32
        %add3A_43 = arith.addi %select_n3A_28, %mul3A_42 : i32
        "tpu.region"() ({
          %run_scoped3A_255 = tpu.sem_alloc : memref<!tpu.dma_semaphore, #tpu.memory_space<semaphore_mem>>
          %dma_start3A_256 = arith.constant 0 : i32
          %dma_start3A_257 = tpu.memref_slice %arg3[%add3A_43, %dma_start3A_256] : memref<2560x128xi32, #tpu.memory_space<hbm>> -> memref<8x128xi32, #tpu.memory_space<hbm>>
          %dma_start3A_258 = arith.constant 0 : i32
          %dma_start3A_259 = tpu.memref_slice %arg3[%add3A_43, %dma_start3A_258] : memref<2560x128xi32, #tpu.memory_space<hbm>> -> memref<8x128xi32, #tpu.memory_space<hbm>>
          tpu.enqueue_dma source(%dma_start3A_259 : memref<8x128xi32, #tpu.memory_space<hbm>>) target(%arg6 : memref<8x128xi32, #tpu.memory_space<vmem>>) target_semaphore(%run_scoped3A_255 : memref<!tpu.dma_semaphore, #tpu.memory_space<semaphore_mem>>)
          %dma_wait3A_260 = arith.constant 0 : i32
          %dma_wait3A_261 = tpu.memref_slice %arg3[%add3A_43, %dma_wait3A_260] : memref<2560x128xi32, #tpu.memory_space<hbm>> -> memref<8x128xi32, #tpu.memory_space<hbm>>
          %dma_wait3A_262 = arith.constant 0 : i32
          %dma_wait3A_263 = tpu.memref_slice %arg3[%add3A_43, %dma_wait3A_262] : memref<2560x128xi32, #tpu.memory_space<hbm>> -> memref<8x128xi32, #tpu.memory_space<hbm>>
          tpu.wait_dma2 semaphore(%run_scoped3A_255 : memref<!tpu.dma_semaphore, #tpu.memory_space<semaphore_mem>>) src(%dma_wait3A_263 : memref<8x128xi32, #tpu.memory_space<hbm>>) dst(%arg6 : memref<8x128xi32, #tpu.memory_space<vmem>>)
          tpu.yield
        }) : () -> ()
        %scan3A_44 = arith.constant 0 : i32
        %scan3A_45 = arith.constant 0 : i32
        %scan3A_46 = arith.constant 64 : i32
        %scan3A_47 = arith.addi %scan3A_45, %scan3A_46 : i32
        %scan3A_48 = arith.constant 1 : i32
        scf.for %scan3A_255 = %scan3A_45 to %scan3A_47 step %scan3A_48  : i32 {
          %jit3A_256 = arith.constant 8 : i32
          %div3A = arith.divsi %scan3A_255, %jit3A_256 : i32
          %sign3A = arith.constant 0 : i32
          %sign3A_257 = arith.cmpi sgt, %scan3A_255, %sign3A : i32
          %sign3A_258 = arith.extui %sign3A_257 : i1 to i32
          %sign3A_259 = arith.constant 0 : i32
          %sign3A_260 = arith.cmpi slt, %scan3A_255, %sign3A_259 : i32
          %sign3A_261 = arith.extui %sign3A_260 : i1 to i32
          %sign3A_262 = arith.subi %sign3A_258, %sign3A_261 : i32
          %sign3A_263 = arith.constant 0 : i32
          %sign3A_264 = arith.cmpi sgt, %jit3A_256, %sign3A_263 : i32
          %sign3A_265 = arith.extui %sign3A_264 : i1 to i32
          %sign3A_266 = arith.constant 0 : i32
          %sign3A_267 = arith.cmpi slt, %jit3A_256, %sign3A_266 : i32
          %sign3A_268 = arith.extui %sign3A_267 : i1 to i32
          %sign3A_269 = arith.subi %sign3A_265, %sign3A_268 : i32
          %ne3A = arith.cmpi ne, %sign3A_262, %sign3A_269 : i32
          %rem3A = arith.remsi %scan3A_255, %jit3A_256 : i32
          %ne3A_270 = arith.constant 0 : i32
          %ne3A_271 = arith.cmpi ne, %rem3A, %ne3A_270 : i32
          %and3A = arith.andi %ne3A, %ne3A_271 : i1
          %sub3A = arith.constant 1 : i32
          %sub3A_272 = arith.subi %div3A, %sub3A : i32
          %select_n3A_273 = arith.select %and3A, %sub3A_272, %div3A : i32
          %jit3A_274 = arith.constant 8 : i32
          %eq3A_275 = arith.constant 0 : i32
          %eq3A_276 = arith.cmpi eq, %jit3A_274, %eq3A_275 : i32
          %jit3A_277 = arith.constant 1 : i32
          %select_n3A_278 = arith.select %eq3A_276, %jit3A_277, %jit3A_274 : i32
          %rem3A_279 = arith.remsi %scan3A_255, %select_n3A_278 : i32
          %ne3A_280 = arith.constant 0 : i32
          %ne3A_281 = arith.cmpi ne, %rem3A_279, %ne3A_280 : i32
          %lt3A_282 = arith.constant 0 : i32
          %lt3A_283 = arith.cmpi slt, %rem3A_279, %lt3A_282 : i32
          %lt3A_284 = arith.constant 0 : i32
          %lt3A_285 = arith.cmpi slt, %select_n3A_278, %lt3A_284 : i32
          %ne3A_286 = arith.xori %lt3A_283, %lt3A_285 : i1
          %and3A_287 = arith.andi %ne3A_286, %ne3A_281 : i1
          %add3A_288 = arith.addi %rem3A_279, %select_n3A_278 : i32
          %select_n3A_289 = arith.select %and3A_287, %add3A_288, %rem3A_279 : i32
          %mul3A_290 = arith.constant 16 : i32
          %mul3A_291 = arith.muli %select_n3A_289, %mul3A_290 : i32
          %get3A = arith.index_cast %select_n3A_273 : i32 to index
          %get3A_292 = arith.index_cast %mul3A_291 : i32 to index
          %get3A_293 = tpu.vector_load %arg6[%get3A, %get3A_292] {strides = array<i32>} : memref<8x128xi32, #tpu.memory_space<vmem>>, vector<1x16xi32>,
          %get3A_294 = vector.shape_cast %get3A_293 : vector<1x16xi32> to vector<16xi32>
          %and3A_295 = arith.constant 16383 : i32
          %and3A_296 = vector.broadcast %and3A_295 : i32 to vector<16xi32>
          %and3A_297 = arith.andi %get3A_294, %and3A_296 : vector<16xi32>
          %swap3A = arith.index_cast %select_n3A_273 : i32 to index
          %swap3A_298 = arith.index_cast %mul3A_291 : i32 to index
          %swap3A_299 = tpu.vector_load %arg7[%swap3A, %swap3A_298] {strides = array<i32>} : memref<8x128xi32, #tpu.memory_space<vmem>>, vector<1x16xi32>,
          %swap3A_300 = vector.shape_cast %swap3A_299 : vector<1x16xi32> to vector<16xi32>
          %swap3A_301 = vector.shape_cast %and3A_297 : vector<16xi32> to vector<1x16xi32>
          tpu.vector_store %arg7[%swap3A, %swap3A_298], %swap3A_301 {strides = array<i32>} : memref<8x128xi32, #tpu.memory_space<vmem>>, vector<1x16xi32>,
          %shift_right_logical3A = arith.constant 14 : i32
          %shift_right_logical3A_302 = vector.broadcast %shift_right_logical3A : i32 to vector<16xi32>
          %shift_right_logical3A_303 = arith.shrui %get3A_294, %shift_right_logical3A_302 : vector<16xi32>
          %swap3A_304 = arith.index_cast %select_n3A_273 : i32 to index
          %swap3A_305 = arith.index_cast %mul3A_291 : i32 to index
          %swap3A_306 = tpu.vector_load %arg8[%swap3A_304, %swap3A_305] {strides = array<i32>} : memref<8x128xi32, #tpu.memory_space<vmem>>, vector<1x16xi32>,
          %swap3A_307 = vector.shape_cast %swap3A_306 : vector<1x16xi32> to vector<16xi32>
          %swap3A_308 = vector.shape_cast %shift_right_logical3A_303 : vector<16xi32> to vector<1x16xi32>
          tpu.vector_store %arg8[%swap3A_304, %swap3A_305], %swap3A_308 {strides = array<i32>} : memref<8x128xi32, #tpu.memory_space<vmem>>, vector<1x16xi32>,
        }
        %scan3A_49 = arith.constant 64 : i32
        %dma_start3A = arith.constant 0 : i32
        %dma_start3A_50 = arith.constant 0 : i32
        %dma_start3A_51 = arith.constant 0 : i32
        %dma_start3A_52 = arith.constant 0 : i32
        %dma_start3A_53 = tpu.memref_slice %arg9[%dma_start3A_50, %dma_start3A_51, %dma_start3A_52] : memref<2x128x128xf32, #tpu.memory_space<vmem>> -> memref<1x128x128xf32, #tpu.memory_space<vmem>>
        %dma_start3A_54 = tpu.memref_squeeze %dma_start3A_53 : memref<1x128x128xf32, #tpu.memory_space<vmem>> -> memref<128x128xf32, #tpu.memory_space<vmem>>
        %dma_start3A_55 = arith.constant 0 : i32
        %dma_start3A_56 = tpu.memref_slice %arg7[%dma_start3A, %dma_start3A_55] : memref<8x128xi32, #tpu.memory_space<vmem>> -> memref<1x128xi32, #tpu.memory_space<vmem>>
        %dma_start3A_57 = tpu.memref_squeeze %dma_start3A_56 : memref<1x128xi32, #tpu.memory_space<vmem>> -> memref<128xi32, #tpu.memory_space<vmem>>
        %dma_start3A_58 = arith.constant 0 : i32
        %dma_start3A_59 = arith.constant 0 : i32
        %dma_start3A_60 = tpu.memref_slice %arg2[%dma_start3A_58, %dma_start3A_59] : memref<10000x128xf32, #tpu.memory_space<hbm>> -> memref<10000x128xf32, #tpu.memory_space<hbm>>
        tpu.enqueue_indirect_dma source(%dma_start3A_60 : memref<10000x128xf32, #tpu.memory_space<hbm>>) target(%dma_start3A_54 : memref<128x128xf32, #tpu.memory_space<vmem>>) offsets(%dma_start3A_57 : memref<128xi32, #tpu.memory_space<vmem>>) semaphore(%arg11 : memref<!tpu.dma_semaphore, #tpu.memory_space<semaphore_mem>>)
        %dma_wait3A = arith.constant 0 : i32
        %dma_wait3A_61 = arith.constant 0 : i32
        %dma_wait3A_62 = arith.constant 0 : i32
        %dma_wait3A_63 = arith.constant 0 : i32
        %dma_wait3A_64 = tpu.memref_slice %arg9[%dma_wait3A_61, %dma_wait3A_62, %dma_wait3A_63] : memref<2x128x128xf32, #tpu.memory_space<vmem>> -> memref<1x128x128xf32, #tpu.memory_space<vmem>>
        %dma_wait3A_65 = tpu.memref_squeeze %dma_wait3A_64 : memref<1x128x128xf32, #tpu.memory_space<vmem>> -> memref<128x128xf32, #tpu.memory_space<vmem>>
        %dma_wait3A_66 = arith.constant 0 : i32
        %dma_wait3A_67 = tpu.memref_slice %arg7[%dma_wait3A, %dma_wait3A_66] : memref<8x128xi32, #tpu.memory_space<vmem>> -> memref<1x128xi32, #tpu.memory_space<vmem>>
        %dma_wait3A_68 = tpu.memref_squeeze %dma_wait3A_67 : memref<1x128xi32, #tpu.memory_space<vmem>> -> memref<128xi32, #tpu.memory_space<vmem>>
        %dma_wait3A_69 = arith.constant 0 : i32
        %dma_wait3A_70 = arith.constant 0 : i32
        %dma_wait3A_71 = tpu.memref_slice %arg2[%dma_wait3A_69, %dma_wait3A_70] : memref<10000x128xf32, #tpu.memory_space<hbm>> -> memref<10000x128xf32, #tpu.memory_space<hbm>>
        tpu.wait_indirect_dma semaphore(%arg11 : memref<!tpu.dma_semaphore, #tpu.memory_space<semaphore_mem>>) src(%dma_wait3A_71 : memref<10000x128xf32, #tpu.memory_space<hbm>>) dst(%dma_wait3A_65 : memref<128x128xf32, #tpu.memory_space<vmem>>)
        %dma_start3A_72 = arith.constant 1 : i32
        %dma_start3A_73 = arith.constant 1 : i32
        %dma_start3A_74 = arith.constant 0 : i32
        %dma_start3A_75 = arith.constant 0 : i32
        %dma_start3A_76 = tpu.memref_slice %arg9[%dma_start3A_73, %dma_start3A_74, %dma_start3A_75] : memref<2x128x128xf32, #tpu.memory_space<vmem>> -> memref<1x128x128xf32, #tpu.memory_space<vmem>>
        %dma_start3A_77 = tpu.memref_squeeze %dma_start3A_76 : memref<1x128x128xf32, #tpu.memory_space<vmem>> -> memref<128x128xf32, #tpu.memory_space<vmem>>
        %dma_start3A_78 = arith.constant 0 : i32
        %dma_start3A_79 = tpu.memref_slice %arg7[%dma_start3A_72, %dma_start3A_78] : memref<8x128xi32, #tpu.memory_space<vmem>> -> memref<1x128xi32, #tpu.memory_space<vmem>>
        %dma_start3A_80 = tpu.memref_squeeze %dma_start3A_79 : memref<1x128xi32, #tpu.memory_space<vmem>> -> memref<128xi32, #tpu.memory_space<vmem>>
        %dma_start3A_81 = arith.constant 0 : i32
        %dma_start3A_82 = arith.constant 0 : i32
        %dma_start3A_83 = tpu.memref_slice %arg2[%dma_start3A_81, %dma_start3A_82] : memref<10000x128xf32, #tpu.memory_space<hbm>> -> memref<10000x128xf32, #tpu.memory_space<hbm>>
        tpu.enqueue_indirect_dma source(%dma_start3A_83 : memref<10000x128xf32, #tpu.memory_space<hbm>>) target(%dma_start3A_77 : memref<128x128xf32, #tpu.memory_space<vmem>>) offsets(%dma_start3A_80 : memref<128xi32, #tpu.memory_space<vmem>>) semaphore(%arg12 : memref<!tpu.dma_semaphore, #tpu.memory_space<semaphore_mem>>)
        %run_scoped3A = arith.constant 0 : i32
        %run_scoped3A_84 = arith.constant 0 : i32
        "tpu.region"() ({
          %run_scoped3A_255 = tpu.sem_alloc : memref<!tpu.dma_semaphore, #tpu.memory_space<semaphore_mem>>
          %dma_start3A_256 = arith.constant 0 : i32
          %dma_start3A_257 = arith.constant 0 : i32
          %dma_start3A_258 = tpu.memref_slice %arg9[%run_scoped3A, %dma_start3A_256, %dma_start3A_257] : memref<2x128x128xf32, #tpu.memory_space<vmem>> -> memref<1x128x128xf32, #tpu.memory_space<vmem>>
          %dma_start3A_259 = tpu.memref_squeeze %dma_start3A_258 : memref<1x128x128xf32, #tpu.memory_space<vmem>> -> memref<128x128xf32, #tpu.memory_space<vmem>>
          %dma_start3A_260 = arith.constant 0 : i32
          %dma_start3A_261 = tpu.memref_slice %arg8[%run_scoped3A_84, %dma_start3A_260] : memref<8x128xi32, #tpu.memory_space<vmem>> -> memref<1x128xi32, #tpu.memory_space<vmem>>
          %dma_start3A_262 = tpu.memref_squeeze %dma_start3A_261 : memref<1x128xi32, #tpu.memory_space<vmem>> -> memref<128xi32, #tpu.memory_space<vmem>>
          %dma_start3A_263 = arith.constant 0 : i32
          %dma_start3A_264 = arith.constant 0 : i32
          %dma_start3A_265 = tpu.memref_slice %arg10[%dma_start3A_263, %dma_start3A_264] : memref<10240x128xf32, #tpu.memory_space<vmem_shared>> -> memref<10240x128xf32, #tpu.memory_space<vmem_shared>>
          tpu.enqueue_indirect_dma source(%dma_start3A_259 : memref<128x128xf32, #tpu.memory_space<vmem>>) target(%dma_start3A_265 : memref<10240x128xf32, #tpu.memory_space<vmem_shared>>) offsets(%dma_start3A_262 : memref<128xi32, #tpu.memory_space<vmem>>) semaphore(%run_scoped3A_255 : memref<!tpu.dma_semaphore, #tpu.memory_space<semaphore_mem>>) {add = true}
          %dma_wait3A_266 = arith.constant 0 : i32
          %dma_wait3A_267 = arith.constant 0 : i32
          %dma_wait3A_268 = tpu.memref_slice %arg9[%run_scoped3A, %dma_wait3A_266, %dma_wait3A_267] : memref<2x128x128xf32, #tpu.memory_space<vmem>> -> memref<1x128x128xf32, #tpu.memory_space<vmem>>
          %dma_wait3A_269 = tpu.memref_squeeze %dma_wait3A_268 : memref<1x128x128xf32, #tpu.memory_space<vmem>> -> memref<128x128xf32, #tpu.memory_space<vmem>>
          %dma_wait3A_270 = arith.constant 0 : i32
          %dma_wait3A_271 = tpu.memref_slice %arg8[%run_scoped3A_84, %dma_wait3A_270] : memref<8x128xi32, #tpu.memory_space<vmem>> -> memref<1x128xi32, #tpu.memory_space<vmem>>
          %dma_wait3A_272 = tpu.memref_squeeze %dma_wait3A_271 : memref<1x128xi32, #tpu.memory_space<vmem>> -> memref<128xi32, #tpu.memory_space<vmem>>
          %dma_wait3A_273 = arith.constant 0 : i32
          %dma_wait3A_274 = arith.constant 0 : i32
          %dma_wait3A_275 = tpu.memref_slice %arg10[%dma_wait3A_273, %dma_wait3A_274] : memref<10240x128xf32, #tpu.memory_space<vmem_shared>> -> memref<10240x128xf32, #tpu.memory_space<vmem_shared>>
          tpu.wait_indirect_dma semaphore(%run_scoped3A_255 : memref<!tpu.dma_semaphore, #tpu.memory_space<semaphore_mem>>) src(%dma_wait3A_269 : memref<128x128xf32, #tpu.memory_space<vmem>>) dst(%dma_wait3A_275 : memref<10240x128xf32, #tpu.memory_space<vmem_shared>>)
          tpu.yield
        }) : () -> ()
        %dma_wait3A_85 = arith.constant 1 : i32
        %dma_wait3A_86 = arith.constant 1 : i32
        %dma_wait3A_87 = arith.constant 0 : i32
        %dma_wait3A_88 = arith.constant 0 : i32
        %dma_wait3A_89 = tpu.memref_slice %arg9[%dma_wait3A_86, %dma_wait3A_87, %dma_wait3A_88] : memref<2x128x128xf32, #tpu.memory_space<vmem>> -> memref<1x128x128xf32, #tpu.memory_space<vmem>>
        %dma_wait3A_90 = tpu.memref_squeeze %dma_wait3A_89 : memref<1x128x128xf32, #tpu.memory_space<vmem>> -> memref<128x128xf32, #tpu.memory_space<vmem>>
        %dma_wait3A_91 = arith.constant 0 : i32
        %dma_wait3A_92 = tpu.memref_slice %arg7[%dma_wait3A_85, %dma_wait3A_91] : memref<8x128xi32, #tpu.memory_space<vmem>> -> memref<1x128xi32, #tpu.memory_space<vmem>>
        %dma_wait3A_93 = tpu.memref_squeeze %dma_wait3A_92 : memref<1x128xi32, #tpu.memory_space<vmem>> -> memref<128xi32, #tpu.memory_space<vmem>>
        %dma_wait3A_94 = arith.constant 0 : i32
        %dma_wait3A_95 = arith.constant 0 : i32
        %dma_wait3A_96 = tpu.memref_slice %arg2[%dma_wait3A_94, %dma_wait3A_95] : memref<10000x128xf32, #tpu.memory_space<hbm>> -> memref<10000x128xf32, #tpu.memory_space<hbm>>
        tpu.wait_indirect_dma semaphore(%arg12 : memref<!tpu.dma_semaphore, #tpu.memory_space<semaphore_mem>>) src(%dma_wait3A_96 : memref<10000x128xf32, #tpu.memory_space<hbm>>) dst(%dma_wait3A_90 : memref<128x128xf32, #tpu.memory_space<vmem>>)
        %dma_start3A_97 = arith.constant 2 : i32
        %dma_start3A_98 = arith.constant 0 : i32
        %dma_start3A_99 = arith.constant 0 : i32
        %dma_start3A_100 = arith.constant 0 : i32
        %dma_start3A_101 = tpu.memref_slice %arg9[%dma_start3A_98, %dma_start3A_99, %dma_start3A_100] : memref<2x128x128xf32, #tpu.memory_space<vmem>> -> memref<1x128x128xf32, #tpu.memory_space<vmem>>
        %dma_start3A_102 = tpu.memref_squeeze %dma_start3A_101 : memref<1x128x128xf32, #tpu.memory_space<vmem>> -> memref<128x128xf32, #tpu.memory_space<vmem>>
        %dma_start3A_103 = arith.constant 0 : i32
        %dma_start3A_104 = tpu.memref_slice %arg7[%dma_start3A_97, %dma_start3A_103] : memref<8x128xi32, #tpu.memory_space<vmem>> -> memref<1x128xi32, #tpu.memory_space<vmem>>
        %dma_start3A_105 = tpu.memref_squeeze %dma_start3A_104 : memref<1x128xi32, #tpu.memory_space<vmem>> -> memref<128xi32, #tpu.memory_space<vmem>>
        %dma_start3A_106 = arith.constant 0 : i32
        %dma_start3A_107 = arith.constant 0 : i32
        %dma_start3A_108 = tpu.memref_slice %arg2[%dma_start3A_106, %dma_start3A_107] : memref<10000x128xf32, #tpu.memory_space<hbm>> -> memref<10000x128xf32, #tpu.memory_space<hbm>>
        tpu.enqueue_indirect_dma source(%dma_start3A_108 : memref<10000x128xf32, #tpu.memory_space<hbm>>) target(%dma_start3A_102 : memref<128x128xf32, #tpu.memory_space<vmem>>) offsets(%dma_start3A_105 : memref<128xi32, #tpu.memory_space<vmem>>) semaphore(%arg11 : memref<!tpu.dma_semaphore, #tpu.memory_space<semaphore_mem>>)
        %run_scoped3A_109 = arith.constant 1 : i32
        %run_scoped3A_110 = arith.constant 1 : i32
        "tpu.region"() ({
          %run_scoped3A_255 = tpu.sem_alloc : memref<!tpu.dma_semaphore, #tpu.memory_space<semaphore_mem>>
          %dma_start3A_256 = arith.constant 0 : i32
          %dma_start3A_257 = arith.constant 0 : i32
          %dma_start3A_258 = tpu.memref_slice %arg9[%run_scoped3A_109, %dma_start3A_256, %dma_start3A_257] : memref<2x128x128xf32, #tpu.memory_space<vmem>> -> memref<1x128x128xf32, #tpu.memory_space<vmem>>
          %dma_start3A_259 = tpu.memref_squeeze %dma_start3A_258 : memref<1x128x128xf32, #tpu.memory_space<vmem>> -> memref<128x128xf32, #tpu.memory_space<vmem>>
          %dma_start3A_260 = arith.constant 0 : i32
          %dma_start3A_261 = tpu.memref_slice %arg8[%run_scoped3A_110, %dma_start3A_260] : memref<8x128xi32, #tpu.memory_space<vmem>> -> memref<1x128xi32, #tpu.memory_space<vmem>>
          %dma_start3A_262 = tpu.memref_squeeze %dma_start3A_261 : memref<1x128xi32, #tpu.memory_space<vmem>> -> memref<128xi32, #tpu.memory_space<vmem>>
          %dma_start3A_263 = arith.constant 0 : i32
          %dma_start3A_264 = arith.constant 0 : i32
          %dma_start3A_265 = tpu.memref_slice %arg10[%dma_start3A_263, %dma_start3A_264] : memref<10240x128xf32, #tpu.memory_space<vmem_shared>> -> memref<10240x128xf32, #tpu.memory_space<vmem_shared>>
          tpu.enqueue_indirect_dma source(%dma_start3A_259 : memref<128x128xf32, #tpu.memory_space<vmem>>) target(%dma_start3A_265 : memref<10240x128xf32, #tpu.memory_space<vmem_shared>>) offsets(%dma_start3A_262 : memref<128xi32, #tpu.memory_space<vmem>>) semaphore(%run_scoped3A_255 : memref<!tpu.dma_semaphore, #tpu.memory_space<semaphore_mem>>) {add = true}
          %dma_wait3A_266 = arith.constant 0 : i32
          %dma_wait3A_267 = arith.constant 0 : i32
          %dma_wait3A_268 = tpu.memref_slice %arg9[%run_scoped3A_109, %dma_wait3A_266, %dma_wait3A_267] : memref<2x128x128xf32, #tpu.memory_space<vmem>> -> memref<1x128x128xf32, #tpu.memory_space<vmem>>
          %dma_wait3A_269 = tpu.memref_squeeze %dma_wait3A_268 : memref<1x128x128xf32, #tpu.memory_space<vmem>> -> memref<128x128xf32, #tpu.memory_space<vmem>>
          %dma_wait3A_270 = arith.constant 0 : i32
          %dma_wait3A_271 = tpu.memref_slice %arg8[%run_scoped3A_110, %dma_wait3A_270] : memref<8x128xi32, #tpu.memory_space<vmem>> -> memref<1x128xi32, #tpu.memory_space<vmem>>
          %dma_wait3A_272 = tpu.memref_squeeze %dma_wait3A_271 : memref<1x128xi32, #tpu.memory_space<vmem>> -> memref<128xi32, #tpu.memory_space<vmem>>
          %dma_wait3A_273 = arith.constant 0 : i32
          %dma_wait3A_274 = arith.constant 0 : i32
          %dma_wait3A_275 = tpu.memref_slice %arg10[%dma_wait3A_273, %dma_wait3A_274] : memref<10240x128xf32, #tpu.memory_space<vmem_shared>> -> memref<10240x128xf32, #tpu.memory_space<vmem_shared>>
          tpu.wait_indirect_dma semaphore(%run_scoped3A_255 : memref<!tpu.dma_semaphore, #tpu.memory_space<semaphore_mem>>) src(%dma_wait3A_269 : memref<128x128xf32, #tpu.memory_space<vmem>>) dst(%dma_wait3A_275 : memref<10240x128xf32, #tpu.memory_space<vmem_shared>>)
          tpu.yield
        }) : () -> ()
        %dma_wait3A_111 = arith.constant 2 : i32
        %dma_wait3A_112 = arith.constant 0 : i32
        %dma_wait3A_113 = arith.constant 0 : i32
        %dma_wait3A_114 = arith.constant 0 : i32
        %dma_wait3A_115 = tpu.memref_slice %arg9[%dma_wait3A_112, %dma_wait3A_113, %dma_wait3A_114] : memref<2x128x128xf32, #tpu.memory_space<vmem>> -> memref<1x128x128xf32, #tpu.memory_space<vmem>>
        %dma_wait3A_116 = tpu.memref_squeeze %dma_wait3A_115 : memref<1x128x128xf32, #tpu.memory_space<vmem>> -> memref<128x128xf32, #tpu.memory_space<vmem>>
        %dma_wait3A_117 = arith.constant 0 : i32
        %dma_wait3A_118 = tpu.memref_slice %arg7[%dma_wait3A_111, %dma_wait3A_117] : memref<8x128xi32, #tpu.memory_space<vmem>> -> memref<1x128xi32, #tpu.memory_space<vmem>>
        %dma_wait3A_119 = tpu.memref_squeeze %dma_wait3A_118 : memref<1x128xi32, #tpu.memory_space<vmem>> -> memref<128xi32, #tpu.memory_space<vmem>>
        %dma_wait3A_120 = arith.constant 0 : i32
        %dma_wait3A_121 = arith.constant 0 : i32
        %dma_wait3A_122 = tpu.memref_slice %arg2[%dma_wait3A_120, %dma_wait3A_121] : memref<10000x128xf32, #tpu.memory_space<hbm>> -> memref<10000x128xf32, #tpu.memory_space<hbm>>
        tpu.wait_indirect_dma semaphore(%arg11 : memref<!tpu.dma_semaphore, #tpu.memory_space<semaphore_mem>>) src(%dma_wait3A_122 : memref<10000x128xf32, #tpu.memory_space<hbm>>) dst(%dma_wait3A_116 : memref<128x128xf32, #tpu.memory_space<vmem>>)
        %dma_start3A_123 = arith.constant 3 : i32
        %dma_start3A_124 = arith.constant 1 : i32
        %dma_start3A_125 = arith.constant 0 : i32
        %dma_start3A_126 = arith.constant 0 : i32
        %dma_start3A_127 = tpu.memref_slice %arg9[%dma_start3A_124, %dma_start3A_125, %dma_start3A_126] : memref<2x128x128xf32, #tpu.memory_space<vmem>> -> memref<1x128x128xf32, #tpu.memory_space<vmem>>
        %dma_start3A_128 = tpu.memref_squeeze %dma_start3A_127 : memref<1x128x128xf32, #tpu.memory_space<vmem>> -> memref<128x128xf32, #tpu.memory_space<vmem>>
        %dma_start3A_129 = arith.constant 0 : i32
        %dma_start3A_130 = tpu.memref_slice %arg7[%dma_start3A_123, %dma_start3A_129] : memref<8x128xi32, #tpu.memory_space<vmem>> -> memref<1x128xi32, #tpu.memory_space<vmem>>
        %dma_start3A_131 = tpu.memref_squeeze %dma_start3A_130 : memref<1x128xi32, #tpu.memory_space<vmem>> -> memref<128xi32, #tpu.memory_space<vmem>>
        %dma_start3A_132 = arith.constant 0 : i32
        %dma_start3A_133 = arith.constant 0 : i32
        %dma_start3A_134 = tpu.memref_slice %arg2[%dma_start3A_132, %dma_start3A_133] : memref<10000x128xf32, #tpu.memory_space<hbm>> -> memref<10000x128xf32, #tpu.memory_space<hbm>>
        tpu.enqueue_indirect_dma source(%dma_start3A_134 : memref<10000x128xf32, #tpu.memory_space<hbm>>) target(%dma_start3A_128 : memref<128x128xf32, #tpu.memory_space<vmem>>) offsets(%dma_start3A_131 : memref<128xi32, #tpu.memory_space<vmem>>) semaphore(%arg12 : memref<!tpu.dma_semaphore, #tpu.memory_space<semaphore_mem>>)
        %run_scoped3A_135 = arith.constant 0 : i32
        %run_scoped3A_136 = arith.constant 2 : i32
        "tpu.region"() ({
          %run_scoped3A_255 = tpu.sem_alloc : memref<!tpu.dma_semaphore, #tpu.memory_space<semaphore_mem>>
          %dma_start3A_256 = arith.constant 0 : i32
          %dma_start3A_257 = arith.constant 0 : i32
          %dma_start3A_258 = tpu.memref_slice %arg9[%run_scoped3A_135, %dma_start3A_256, %dma_start3A_257] : memref<2x128x128xf32, #tpu.memory_space<vmem>> -> memref<1x128x128xf32, #tpu.memory_space<vmem>>
          %dma_start3A_259 = tpu.memref_squeeze %dma_start3A_258 : memref<1x128x128xf32, #tpu.memory_space<vmem>> -> memref<128x128xf32, #tpu.memory_space<vmem>>
          %dma_start3A_260 = arith.constant 0 : i32
          %dma_start3A_261 = tpu.memref_slice %arg8[%run_scoped3A_136, %dma_start3A_260] : memref<8x128xi32, #tpu.memory_space<vmem>> -> memref<1x128xi32, #tpu.memory_space<vmem>>
          %dma_start3A_262 = tpu.memref_squeeze %dma_start3A_261 : memref<1x128xi32, #tpu.memory_space<vmem>> -> memref<128xi32, #tpu.memory_space<vmem>>
          %dma_start3A_263 = arith.constant 0 : i32
          %dma_start3A_264 = arith.constant 0 : i32
          %dma_start3A_265 = tpu.memref_slice %arg10[%dma_start3A_263, %dma_start3A_264] : memref<10240x128xf32, #tpu.memory_space<vmem_shared>> -> memref<10240x128xf32, #tpu.memory_space<vmem_shared>>
          tpu.enqueue_indirect_dma source(%dma_start3A_259 : memref<128x128xf32, #tpu.memory_space<vmem>>) target(%dma_start3A_265 : memref<10240x128xf32, #tpu.memory_space<vmem_shared>>) offsets(%dma_start3A_262 : memref<128xi32, #tpu.memory_space<vmem>>) semaphore(%run_scoped3A_255 : memref<!tpu.dma_semaphore, #tpu.memory_space<semaphore_mem>>) {add = true}
          %dma_wait3A_266 = arith.constant 0 : i32
          %dma_wait3A_267 = arith.constant 0 : i32
          %dma_wait3A_268 = tpu.memref_slice %arg9[%run_scoped3A_135, %dma_wait3A_266, %dma_wait3A_267] : memref<2x128x128xf32, #tpu.memory_space<vmem>> -> memref<1x128x128xf32, #tpu.memory_space<vmem>>
          %dma_wait3A_269 = tpu.memref_squeeze %dma_wait3A_268 : memref<1x128x128xf32, #tpu.memory_space<vmem>> -> memref<128x128xf32, #tpu.memory_space<vmem>>
          %dma_wait3A_270 = arith.constant 0 : i32
          %dma_wait3A_271 = tpu.memref_slice %arg8[%run_scoped3A_136, %dma_wait3A_270] : memref<8x128xi32, #tpu.memory_space<vmem>> -> memref<1x128xi32, #tpu.memory_space<vmem>>
          %dma_wait3A_272 = tpu.memref_squeeze %dma_wait3A_271 : memref<1x128xi32, #tpu.memory_space<vmem>> -> memref<128xi32, #tpu.memory_space<vmem>>
          %dma_wait3A_273 = arith.constant 0 : i32
          %dma_wait3A_274 = arith.constant 0 : i32
          %dma_wait3A_275 = tpu.memref_slice %arg10[%dma_wait3A_273, %dma_wait3A_274] : memref<10240x128xf32, #tpu.memory_space<vmem_shared>> -> memref<10240x128xf32, #tpu.memory_space<vmem_shared>>
          tpu.wait_indirect_dma semaphore(%run_scoped3A_255 : memref<!tpu.dma_semaphore, #tpu.memory_space<semaphore_mem>>) src(%dma_wait3A_269 : memref<128x128xf32, #tpu.memory_space<vmem>>) dst(%dma_wait3A_275 : memref<10240x128xf32, #tpu.memory_space<vmem_shared>>)
          tpu.yield
        }) : () -> ()
        %dma_wait3A_137 = arith.constant 3 : i32
        %dma_wait3A_138 = arith.constant 1 : i32
        %dma_wait3A_139 = arith.constant 0 : i32
        %dma_wait3A_140 = arith.constant 0 : i32
        %dma_wait3A_141 = tpu.memref_slice %arg9[%dma_wait3A_138, %dma_wait3A_139, %dma_wait3A_140] : memref<2x128x128xf32, #tpu.memory_space<vmem>> -> memref<1x128x128xf32, #tpu.memory_space<vmem>>
        %dma_wait3A_142 = tpu.memref_squeeze %dma_wait3A_141 : memref<1x128x128xf32, #tpu.memory_space<vmem>> -> memref<128x128xf32, #tpu.memory_space<vmem>>
        %dma_wait3A_143 = arith.constant 0 : i32
        %dma_wait3A_144 = tpu.memref_slice %arg7[%dma_wait3A_137, %dma_wait3A_143] : memref<8x128xi32, #tpu.memory_space<vmem>> -> memref<1x128xi32, #tpu.memory_space<vmem>>
        %dma_wait3A_145 = tpu.memref_squeeze %dma_wait3A_144 : memref<1x128xi32, #tpu.memory_space<vmem>> -> memref<128xi32, #tpu.memory_space<vmem>>
        %dma_wait3A_146 = arith.constant 0 : i32
        %dma_wait3A_147 = arith.constant 0 : i32
        %dma_wait3A_148 = tpu.memref_slice %arg2[%dma_wait3A_146, %dma_wait3A_147] : memref<10000x128xf32, #tpu.memory_space<hbm>> -> memref<10000x128xf32, #tpu.memory_space<hbm>>
        tpu.wait_indirect_dma semaphore(%arg12 : memref<!tpu.dma_semaphore, #tpu.memory_space<semaphore_mem>>) src(%dma_wait3A_148 : memref<10000x128xf32, #tpu.memory_space<hbm>>) dst(%dma_wait3A_142 : memref<128x128xf32, #tpu.memory_space<vmem>>)
        %dma_start3A_149 = arith.constant 4 : i32
        %dma_start3A_150 = arith.constant 0 : i32
        %dma_start3A_151 = arith.constant 0 : i32
        %dma_start3A_152 = arith.constant 0 : i32
        %dma_start3A_153 = tpu.memref_slice %arg9[%dma_start3A_150, %dma_start3A_151, %dma_start3A_152] : memref<2x128x128xf32, #tpu.memory_space<vmem>> -> memref<1x128x128xf32, #tpu.memory_space<vmem>>
        %dma_start3A_154 = tpu.memref_squeeze %dma_start3A_153 : memref<1x128x128xf32, #tpu.memory_space<vmem>> -> memref<128x128xf32, #tpu.memory_space<vmem>>
        %dma_start3A_155 = arith.constant 0 : i32
        %dma_start3A_156 = tpu.memref_slice %arg7[%dma_start3A_149, %dma_start3A_155] : memref<8x128xi32, #tpu.memory_space<vmem>> -> memref<1x128xi32, #tpu.memory_space<vmem>>
        %dma_start3A_157 = tpu.memref_squeeze %dma_start3A_156 : memref<1x128xi32, #tpu.memory_space<vmem>> -> memref<128xi32, #tpu.memory_space<vmem>>
        %dma_start3A_158 = arith.constant 0 : i32
        %dma_start3A_159 = arith.constant 0 : i32
        %dma_start3A_160 = tpu.memref_slice %arg2[%dma_start3A_158, %dma_start3A_159] : memref<10000x128xf32, #tpu.memory_space<hbm>> -> memref<10000x128xf32, #tpu.memory_space<hbm>>
        tpu.enqueue_indirect_dma source(%dma_start3A_160 : memref<10000x128xf32, #tpu.memory_space<hbm>>) target(%dma_start3A_154 : memref<128x128xf32, #tpu.memory_space<vmem>>) offsets(%dma_start3A_157 : memref<128xi32, #tpu.memory_space<vmem>>) semaphore(%arg11 : memref<!tpu.dma_semaphore, #tpu.memory_space<semaphore_mem>>)
        %run_scoped3A_161 = arith.constant 1 : i32
        %run_scoped3A_162 = arith.constant 3 : i32
        "tpu.region"() ({
          %run_scoped3A_255 = tpu.sem_alloc : memref<!tpu.dma_semaphore, #tpu.memory_space<semaphore_mem>>
          %dma_start3A_256 = arith.constant 0 : i32
          %dma_start3A_257 = arith.constant 0 : i32
          %dma_start3A_258 = tpu.memref_slice %arg9[%run_scoped3A_161, %dma_start3A_256, %dma_start3A_257] : memref<2x128x128xf32, #tpu.memory_space<vmem>> -> memref<1x128x128xf32, #tpu.memory_space<vmem>>
          %dma_start3A_259 = tpu.memref_squeeze %dma_start3A_258 : memref<1x128x128xf32, #tpu.memory_space<vmem>> -> memref<128x128xf32, #tpu.memory_space<vmem>>
          %dma_start3A_260 = arith.constant 0 : i32
          %dma_start3A_261 = tpu.memref_slice %arg8[%run_scoped3A_162, %dma_start3A_260] : memref<8x128xi32, #tpu.memory_space<vmem>> -> memref<1x128xi32, #tpu.memory_space<vmem>>
          %dma_start3A_262 = tpu.memref_squeeze %dma_start3A_261 : memref<1x128xi32, #tpu.memory_space<vmem>> -> memref<128xi32, #tpu.memory_space<vmem>>
          %dma_start3A_263 = arith.constant 0 : i32
          %dma_start3A_264 = arith.constant 0 : i32
          %dma_start3A_265 = tpu.memref_slice %arg10[%dma_start3A_263, %dma_start3A_264] : memref<10240x128xf32, #tpu.memory_space<vmem_shared>> -> memref<10240x128xf32, #tpu.memory_space<vmem_shared>>
          tpu.enqueue_indirect_dma source(%dma_start3A_259 : memref<128x128xf32, #tpu.memory_space<vmem>>) target(%dma_start3A_265 : memref<10240x128xf32, #tpu.memory_space<vmem_shared>>) offsets(%dma_start3A_262 : memref<128xi32, #tpu.memory_space<vmem>>) semaphore(%run_scoped3A_255 : memref<!tpu.dma_semaphore, #tpu.memory_space<semaphore_mem>>) {add = true}
          %dma_wait3A_266 = arith.constant 0 : i32
          %dma_wait3A_267 = arith.constant 0 : i32
          %dma_wait3A_268 = tpu.memref_slice %arg9[%run_scoped3A_161, %dma_wait3A_266, %dma_wait3A_267] : memref<2x128x128xf32, #tpu.memory_space<vmem>> -> memref<1x128x128xf32, #tpu.memory_space<vmem>>
          %dma_wait3A_269 = tpu.memref_squeeze %dma_wait3A_268 : memref<1x128x128xf32, #tpu.memory_space<vmem>> -> memref<128x128xf32, #tpu.memory_space<vmem>>
          %dma_wait3A_270 = arith.constant 0 : i32
          %dma_wait3A_271 = tpu.memref_slice %arg8[%run_scoped3A_162, %dma_wait3A_270] : memref<8x128xi32, #tpu.memory_space<vmem>> -> memref<1x128xi32, #tpu.memory_space<vmem>>
          %dma_wait3A_272 = tpu.memref_squeeze %dma_wait3A_271 : memref<1x128xi32, #tpu.memory_space<vmem>> -> memref<128xi32, #tpu.memory_space<vmem>>
          %dma_wait3A_273 = arith.constant 0 : i32
          %dma_wait3A_274 = arith.constant 0 : i32
          %dma_wait3A_275 = tpu.memref_slice %arg10[%dma_wait3A_273, %dma_wait3A_274] : memref<10240x128xf32, #tpu.memory_space<vmem_shared>> -> memref<10240x128xf32, #tpu.memory_space<vmem_shared>>
          tpu.wait_indirect_dma semaphore(%run_scoped3A_255 : memref<!tpu.dma_semaphore, #tpu.memory_space<semaphore_mem>>) src(%dma_wait3A_269 : memref<128x128xf32, #tpu.memory_space<vmem>>) dst(%dma_wait3A_275 : memref<10240x128xf32, #tpu.memory_space<vmem_shared>>)
          tpu.yield
        }) : () -> ()
        %dma_wait3A_163 = arith.constant 4 : i32
        %dma_wait3A_164 = arith.constant 0 : i32
        %dma_wait3A_165 = arith.constant 0 : i32
        %dma_wait3A_166 = arith.constant 0 : i32
        %dma_wait3A_167 = tpu.memref_slice %arg9[%dma_wait3A_164, %dma_wait3A_165, %dma_wait3A_166] : memref<2x128x128xf32, #tpu.memory_space<vmem>> -> memref<1x128x128xf32, #tpu.memory_space<vmem>>
        %dma_wait3A_168 = tpu.memref_squeeze %dma_wait3A_167 : memref<1x128x128xf32, #tpu.memory_space<vmem>> -> memref<128x128xf32, #tpu.memory_space<vmem>>
        %dma_wait3A_169 = arith.constant 0 : i32
        %dma_wait3A_170 = tpu.memref_slice %arg7[%dma_wait3A_163, %dma_wait3A_169] : memref<8x128xi32, #tpu.memory_space<vmem>> -> memref<1x128xi32, #tpu.memory_space<vmem>>
        %dma_wait3A_171 = tpu.memref_squeeze %dma_wait3A_170 : memref<1x128xi32, #tpu.memory_space<vmem>> -> memref<128xi32, #tpu.memory_space<vmem>>
        %dma_wait3A_172 = arith.constant 0 : i32
        %dma_wait3A_173 = arith.constant 0 : i32
        %dma_wait3A_174 = tpu.memref_slice %arg2[%dma_wait3A_172, %dma_wait3A_173] : memref<10000x128xf32, #tpu.memory_space<hbm>> -> memref<10000x128xf32, #tpu.memory_space<hbm>>
        tpu.wait_indirect_dma semaphore(%arg11 : memref<!tpu.dma_semaphore, #tpu.memory_space<semaphore_mem>>) src(%dma_wait3A_174 : memref<10000x128xf32, #tpu.memory_space<hbm>>) dst(%dma_wait3A_168 : memref<128x128xf32, #tpu.memory_space<vmem>>)
        %dma_start3A_175 = arith.constant 5 : i32
        %dma_start3A_176 = arith.constant 1 : i32
        %dma_start3A_177 = arith.constant 0 : i32
        %dma_start3A_178 = arith.constant 0 : i32
        %dma_start3A_179 = tpu.memref_slice %arg9[%dma_start3A_176, %dma_start3A_177, %dma_start3A_178] : memref<2x128x128xf32, #tpu.memory_space<vmem>> -> memref<1x128x128xf32, #tpu.memory_space<vmem>>
        %dma_start3A_180 = tpu.memref_squeeze %dma_start3A_179 : memref<1x128x128xf32, #tpu.memory_space<vmem>> -> memref<128x128xf32, #tpu.memory_space<vmem>>
        %dma_start3A_181 = arith.constant 0 : i32
        %dma_start3A_182 = tpu.memref_slice %arg7[%dma_start3A_175, %dma_start3A_181] : memref<8x128xi32, #tpu.memory_space<vmem>> -> memref<1x128xi32, #tpu.memory_space<vmem>>
        %dma_start3A_183 = tpu.memref_squeeze %dma_start3A_182 : memref<1x128xi32, #tpu.memory_space<vmem>> -> memref<128xi32, #tpu.memory_space<vmem>>
        %dma_start3A_184 = arith.constant 0 : i32
        %dma_start3A_185 = arith.constant 0 : i32
        %dma_start3A_186 = tpu.memref_slice %arg2[%dma_start3A_184, %dma_start3A_185] : memref<10000x128xf32, #tpu.memory_space<hbm>> -> memref<10000x128xf32, #tpu.memory_space<hbm>>
        tpu.enqueue_indirect_dma source(%dma_start3A_186 : memref<10000x128xf32, #tpu.memory_space<hbm>>) target(%dma_start3A_180 : memref<128x128xf32, #tpu.memory_space<vmem>>) offsets(%dma_start3A_183 : memref<128xi32, #tpu.memory_space<vmem>>) semaphore(%arg12 : memref<!tpu.dma_semaphore, #tpu.memory_space<semaphore_mem>>)
        %run_scoped3A_187 = arith.constant 0 : i32
        %run_scoped3A_188 = arith.constant 4 : i32
        "tpu.region"() ({
          %run_scoped3A_255 = tpu.sem_alloc : memref<!tpu.dma_semaphore, #tpu.memory_space<semaphore_mem>>
          %dma_start3A_256 = arith.constant 0 : i32
          %dma_start3A_257 = arith.constant 0 : i32
          %dma_start3A_258 = tpu.memref_slice %arg9[%run_scoped3A_187, %dma_start3A_256, %dma_start3A_257] : memref<2x128x128xf32, #tpu.memory_space<vmem>> -> memref<1x128x128xf32, #tpu.memory_space<vmem>>
          %dma_start3A_259 = tpu.memref_squeeze %dma_start3A_258 : memref<1x128x128xf32, #tpu.memory_space<vmem>> -> memref<128x128xf32, #tpu.memory_space<vmem>>
          %dma_start3A_260 = arith.constant 0 : i32
          %dma_start3A_261 = tpu.memref_slice %arg8[%run_scoped3A_188, %dma_start3A_260] : memref<8x128xi32, #tpu.memory_space<vmem>> -> memref<1x128xi32, #tpu.memory_space<vmem>>
          %dma_start3A_262 = tpu.memref_squeeze %dma_start3A_261 : memref<1x128xi32, #tpu.memory_space<vmem>> -> memref<128xi32, #tpu.memory_space<vmem>>
          %dma_start3A_263 = arith.constant 0 : i32
          %dma_start3A_264 = arith.constant 0 : i32
          %dma_start3A_265 = tpu.memref_slice %arg10[%dma_start3A_263, %dma_start3A_264] : memref<10240x128xf32, #tpu.memory_space<vmem_shared>> -> memref<10240x128xf32, #tpu.memory_space<vmem_shared>>
          tpu.enqueue_indirect_dma source(%dma_start3A_259 : memref<128x128xf32, #tpu.memory_space<vmem>>) target(%dma_start3A_265 : memref<10240x128xf32, #tpu.memory_space<vmem_shared>>) offsets(%dma_start3A_262 : memref<128xi32, #tpu.memory_space<vmem>>) semaphore(%run_scoped3A_255 : memref<!tpu.dma_semaphore, #tpu.memory_space<semaphore_mem>>) {add = true}
          %dma_wait3A_266 = arith.constant 0 : i32
          %dma_wait3A_267 = arith.constant 0 : i32
          %dma_wait3A_268 = tpu.memref_slice %arg9[%run_scoped3A_187, %dma_wait3A_266, %dma_wait3A_267] : memref<2x128x128xf32, #tpu.memory_space<vmem>> -> memref<1x128x128xf32, #tpu.memory_space<vmem>>
          %dma_wait3A_269 = tpu.memref_squeeze %dma_wait3A_268 : memref<1x128x128xf32, #tpu.memory_space<vmem>> -> memref<128x128xf32, #tpu.memory_space<vmem>>
          %dma_wait3A_270 = arith.constant 0 : i32
          %dma_wait3A_271 = tpu.memref_slice %arg8[%run_scoped3A_188, %dma_wait3A_270] : memref<8x128xi32, #tpu.memory_space<vmem>> -> memref<1x128xi32, #tpu.memory_space<vmem>>
          %dma_wait3A_272 = tpu.memref_squeeze %dma_wait3A_271 : memref<1x128xi32, #tpu.memory_space<vmem>> -> memref<128xi32, #tpu.memory_space<vmem>>
          %dma_wait3A_273 = arith.constant 0 : i32
          %dma_wait3A_274 = arith.constant 0 : i32
          %dma_wait3A_275 = tpu.memref_slice %arg10[%dma_wait3A_273, %dma_wait3A_274] : memref<10240x128xf32, #tpu.memory_space<vmem_shared>> -> memref<10240x128xf32, #tpu.memory_space<vmem_shared>>
          tpu.wait_indirect_dma semaphore(%run_scoped3A_255 : memref<!tpu.dma_semaphore, #tpu.memory_space<semaphore_mem>>) src(%dma_wait3A_269 : memref<128x128xf32, #tpu.memory_space<vmem>>) dst(%dma_wait3A_275 : memref<10240x128xf32, #tpu.memory_space<vmem_shared>>)
          tpu.yield
        }) : () -> ()
        %dma_wait3A_189 = arith.constant 5 : i32
        %dma_wait3A_190 = arith.constant 1 : i32
        %dma_wait3A_191 = arith.constant 0 : i32
        %dma_wait3A_192 = arith.constant 0 : i32
        %dma_wait3A_193 = tpu.memref_slice %arg9[%dma_wait3A_190, %dma_wait3A_191, %dma_wait3A_192] : memref<2x128x128xf32, #tpu.memory_space<vmem>> -> memref<1x128x128xf32, #tpu.memory_space<vmem>>
        %dma_wait3A_194 = tpu.memref_squeeze %dma_wait3A_193 : memref<1x128x128xf32, #tpu.memory_space<vmem>> -> memref<128x128xf32, #tpu.memory_space<vmem>>
        %dma_wait3A_195 = arith.constant 0 : i32
        %dma_wait3A_196 = tpu.memref_slice %arg7[%dma_wait3A_189, %dma_wait3A_195] : memref<8x128xi32, #tpu.memory_space<vmem>> -> memref<1x128xi32, #tpu.memory_space<vmem>>
        %dma_wait3A_197 = tpu.memref_squeeze %dma_wait3A_196 : memref<1x128xi32, #tpu.memory_space<vmem>> -> memref<128xi32, #tpu.memory_space<vmem>>
        %dma_wait3A_198 = arith.constant 0 : i32
        %dma_wait3A_199 = arith.constant 0 : i32
        %dma_wait3A_200 = tpu.memref_slice %arg2[%dma_wait3A_198, %dma_wait3A_199] : memref<10000x128xf32, #tpu.memory_space<hbm>> -> memref<10000x128xf32, #tpu.memory_space<hbm>>
        tpu.wait_indirect_dma semaphore(%arg12 : memref<!tpu.dma_semaphore, #tpu.memory_space<semaphore_mem>>) src(%dma_wait3A_200 : memref<10000x128xf32, #tpu.memory_space<hbm>>) dst(%dma_wait3A_194 : memref<128x128xf32, #tpu.memory_space<vmem>>)
        %dma_start3A_201 = arith.constant 6 : i32
        %dma_start3A_202 = arith.constant 0 : i32
        %dma_start3A_203 = arith.constant 0 : i32
        %dma_start3A_204 = arith.constant 0 : i32
        %dma_start3A_205 = tpu.memref_slice %arg9[%dma_start3A_202, %dma_start3A_203, %dma_start3A_204] : memref<2x128x128xf32, #tpu.memory_space<vmem>> -> memref<1x128x128xf32, #tpu.memory_space<vmem>>
        %dma_start3A_206 = tpu.memref_squeeze %dma_start3A_205 : memref<1x128x128xf32, #tpu.memory_space<vmem>> -> memref<128x128xf32, #tpu.memory_space<vmem>>
        %dma_start3A_207 = arith.constant 0 : i32
        %dma_start3A_208 = tpu.memref_slice %arg7[%dma_start3A_201, %dma_start3A_207] : memref<8x128xi32, #tpu.memory_space<vmem>> -> memref<1x128xi32, #tpu.memory_space<vmem>>
        %dma_start3A_209 = tpu.memref_squeeze %dma_start3A_208 : memref<1x128xi32, #tpu.memory_space<vmem>> -> memref<128xi32, #tpu.memory_space<vmem>>
        %dma_start3A_210 = arith.constant 0 : i32
        %dma_start3A_211 = arith.constant 0 : i32
        %dma_start3A_212 = tpu.memref_slice %arg2[%dma_start3A_210, %dma_start3A_211] : memref<10000x128xf32, #tpu.memory_space<hbm>> -> memref<10000x128xf32, #tpu.memory_space<hbm>>
        tpu.enqueue_indirect_dma source(%dma_start3A_212 : memref<10000x128xf32, #tpu.memory_space<hbm>>) target(%dma_start3A_206 : memref<128x128xf32, #tpu.memory_space<vmem>>) offsets(%dma_start3A_209 : memref<128xi32, #tpu.memory_space<vmem>>) semaphore(%arg11 : memref<!tpu.dma_semaphore, #tpu.memory_space<semaphore_mem>>)
        %run_scoped3A_213 = arith.constant 1 : i32
        %run_scoped3A_214 = arith.constant 5 : i32
        "tpu.region"() ({
          %run_scoped3A_255 = tpu.sem_alloc : memref<!tpu.dma_semaphore, #tpu.memory_space<semaphore_mem>>
          %dma_start3A_256 = arith.constant 0 : i32
          %dma_start3A_257 = arith.constant 0 : i32
          %dma_start3A_258 = tpu.memref_slice %arg9[%run_scoped3A_213, %dma_start3A_256, %dma_start3A_257] : memref<2x128x128xf32, #tpu.memory_space<vmem>> -> memref<1x128x128xf32, #tpu.memory_space<vmem>>
          %dma_start3A_259 = tpu.memref_squeeze %dma_start3A_258 : memref<1x128x128xf32, #tpu.memory_space<vmem>> -> memref<128x128xf32, #tpu.memory_space<vmem>>
          %dma_start3A_260 = arith.constant 0 : i32
          %dma_start3A_261 = tpu.memref_slice %arg8[%run_scoped3A_214, %dma_start3A_260] : memref<8x128xi32, #tpu.memory_space<vmem>> -> memref<1x128xi32, #tpu.memory_space<vmem>>
          %dma_start3A_262 = tpu.memref_squeeze %dma_start3A_261 : memref<1x128xi32, #tpu.memory_space<vmem>> -> memref<128xi32, #tpu.memory_space<vmem>>
          %dma_start3A_263 = arith.constant 0 : i32
          %dma_start3A_264 = arith.constant 0 : i32
          %dma_start3A_265 = tpu.memref_slice %arg10[%dma_start3A_263, %dma_start3A_264] : memref<10240x128xf32, #tpu.memory_space<vmem_shared>> -> memref<10240x128xf32, #tpu.memory_space<vmem_shared>>
          tpu.enqueue_indirect_dma source(%dma_start3A_259 : memref<128x128xf32, #tpu.memory_space<vmem>>) target(%dma_start3A_265 : memref<10240x128xf32, #tpu.memory_space<vmem_shared>>) offsets(%dma_start3A_262 : memref<128xi32, #tpu.memory_space<vmem>>) semaphore(%run_scoped3A_255 : memref<!tpu.dma_semaphore, #tpu.memory_space<semaphore_mem>>) {add = true}
          %dma_wait3A_266 = arith.constant 0 : i32
          %dma_wait3A_267 = arith.constant 0 : i32
          %dma_wait3A_268 = tpu.memref_slice %arg9[%run_scoped3A_213, %dma_wait3A_266, %dma_wait3A_267] : memref<2x128x128xf32, #tpu.memory_space<vmem>> -> memref<1x128x128xf32, #tpu.memory_space<vmem>>
          %dma_wait3A_269 = tpu.memref_squeeze %dma_wait3A_268 : memref<1x128x128xf32, #tpu.memory_space<vmem>> -> memref<128x128xf32, #tpu.memory_space<vmem>>
          %dma_wait3A_270 = arith.constant 0 : i32
          %dma_wait3A_271 = tpu.memref_slice %arg8[%run_scoped3A_214, %dma_wait3A_270] : memref<8x128xi32, #tpu.memory_space<vmem>> -> memref<1x128xi32, #tpu.memory_space<vmem>>
          %dma_wait3A_272 = tpu.memref_squeeze %dma_wait3A_271 : memref<1x128xi32, #tpu.memory_space<vmem>> -> memref<128xi32, #tpu.memory_space<vmem>>
          %dma_wait3A_273 = arith.constant 0 : i32
          %dma_wait3A_274 = arith.constant 0 : i32
          %dma_wait3A_275 = tpu.memref_slice %arg10[%dma_wait3A_273, %dma_wait3A_274] : memref<10240x128xf32, #tpu.memory_space<vmem_shared>> -> memref<10240x128xf32, #tpu.memory_space<vmem_shared>>
          tpu.wait_indirect_dma semaphore(%run_scoped3A_255 : memref<!tpu.dma_semaphore, #tpu.memory_space<semaphore_mem>>) src(%dma_wait3A_269 : memref<128x128xf32, #tpu.memory_space<vmem>>) dst(%dma_wait3A_275 : memref<10240x128xf32, #tpu.memory_space<vmem_shared>>)
          tpu.yield
        }) : () -> ()
        %dma_wait3A_215 = arith.constant 6 : i32
        %dma_wait3A_216 = arith.constant 0 : i32
        %dma_wait3A_217 = arith.constant 0 : i32
        %dma_wait3A_218 = arith.constant 0 : i32
        %dma_wait3A_219 = tpu.memref_slice %arg9[%dma_wait3A_216, %dma_wait3A_217, %dma_wait3A_218] : memref<2x128x128xf32, #tpu.memory_space<vmem>> -> memref<1x128x128xf32, #tpu.memory_space<vmem>>
        %dma_wait3A_220 = tpu.memref_squeeze %dma_wait3A_219 : memref<1x128x128xf32, #tpu.memory_space<vmem>> -> memref<128x128xf32, #tpu.memory_space<vmem>>
        %dma_wait3A_221 = arith.constant 0 : i32
        %dma_wait3A_222 = tpu.memref_slice %arg7[%dma_wait3A_215, %dma_wait3A_221] : memref<8x128xi32, #tpu.memory_space<vmem>> -> memref<1x128xi32, #tpu.memory_space<vmem>>
        %dma_wait3A_223 = tpu.memref_squeeze %dma_wait3A_222 : memref<1x128xi32, #tpu.memory_space<vmem>> -> memref<128xi32, #tpu.memory_space<vmem>>
        %dma_wait3A_224 = arith.constant 0 : i32
        %dma_wait3A_225 = arith.constant 0 : i32
        %dma_wait3A_226 = tpu.memref_slice %arg2[%dma_wait3A_224, %dma_wait3A_225] : memref<10000x128xf32, #tpu.memory_space<hbm>> -> memref<10000x128xf32, #tpu.memory_space<hbm>>
        tpu.wait_indirect_dma semaphore(%arg11 : memref<!tpu.dma_semaphore, #tpu.memory_space<semaphore_mem>>) src(%dma_wait3A_226 : memref<10000x128xf32, #tpu.memory_space<hbm>>) dst(%dma_wait3A_220 : memref<128x128xf32, #tpu.memory_space<vmem>>)
        %dma_start3A_227 = arith.constant 7 : i32
        %dma_start3A_228 = arith.constant 1 : i32
        %dma_start3A_229 = arith.constant 0 : i32
        %dma_start3A_230 = arith.constant 0 : i32
        %dma_start3A_231 = tpu.memref_slice %arg9[%dma_start3A_228, %dma_start3A_229, %dma_start3A_230] : memref<2x128x128xf32, #tpu.memory_space<vmem>> -> memref<1x128x128xf32, #tpu.memory_space<vmem>>
        %dma_start3A_232 = tpu.memref_squeeze %dma_start3A_231 : memref<1x128x128xf32, #tpu.memory_space<vmem>> -> memref<128x128xf32, #tpu.memory_space<vmem>>
        %dma_start3A_233 = arith.constant 0 : i32
        %dma_start3A_234 = tpu.memref_slice %arg7[%dma_start3A_227, %dma_start3A_233] : memref<8x128xi32, #tpu.memory_space<vmem>> -> memref<1x128xi32, #tpu.memory_space<vmem>>
        %dma_start3A_235 = tpu.memref_squeeze %dma_start3A_234 : memref<1x128xi32, #tpu.memory_space<vmem>> -> memref<128xi32, #tpu.memory_space<vmem>>
        %dma_start3A_236 = arith.constant 0 : i32
        %dma_start3A_237 = arith.constant 0 : i32
        %dma_start3A_238 = tpu.memref_slice %arg2[%dma_start3A_236, %dma_start3A_237] : memref<10000x128xf32, #tpu.memory_space<hbm>> -> memref<10000x128xf32, #tpu.memory_space<hbm>>
        tpu.enqueue_indirect_dma source(%dma_start3A_238 : memref<10000x128xf32, #tpu.memory_space<hbm>>) target(%dma_start3A_232 : memref<128x128xf32, #tpu.memory_space<vmem>>) offsets(%dma_start3A_235 : memref<128xi32, #tpu.memory_space<vmem>>) semaphore(%arg12 : memref<!tpu.dma_semaphore, #tpu.memory_space<semaphore_mem>>)
        %run_scoped3A_239 = arith.constant 0 : i32
        %run_scoped3A_240 = arith.constant 6 : i32
        "tpu.region"() ({
          %run_scoped3A_255 = tpu.sem_alloc : memref<!tpu.dma_semaphore, #tpu.memory_space<semaphore_mem>>
          %dma_start3A_256 = arith.constant 0 : i32
          %dma_start3A_257 = arith.constant 0 : i32
          %dma_start3A_258 = tpu.memref_slice %arg9[%run_scoped3A_239, %dma_start3A_256, %dma_start3A_257] : memref<2x128x128xf32, #tpu.memory_space<vmem>> -> memref<1x128x128xf32, #tpu.memory_space<vmem>>
          %dma_start3A_259 = tpu.memref_squeeze %dma_start3A_258 : memref<1x128x128xf32, #tpu.memory_space<vmem>> -> memref<128x128xf32, #tpu.memory_space<vmem>>
          %dma_start3A_260 = arith.constant 0 : i32
          %dma_start3A_261 = tpu.memref_slice %arg8[%run_scoped3A_240, %dma_start3A_260] : memref<8x128xi32, #tpu.memory_space<vmem>> -> memref<1x128xi32, #tpu.memory_space<vmem>>
          %dma_start3A_262 = tpu.memref_squeeze %dma_start3A_261 : memref<1x128xi32, #tpu.memory_space<vmem>> -> memref<128xi32, #tpu.memory_space<vmem>>
          %dma_start3A_263 = arith.constant 0 : i32
          %dma_start3A_264 = arith.constant 0 : i32
          %dma_start3A_265 = tpu.memref_slice %arg10[%dma_start3A_263, %dma_start3A_264] : memref<10240x128xf32, #tpu.memory_space<vmem_shared>> -> memref<10240x128xf32, #tpu.memory_space<vmem_shared>>
          tpu.enqueue_indirect_dma source(%dma_start3A_259 : memref<128x128xf32, #tpu.memory_space<vmem>>) target(%dma_start3A_265 : memref<10240x128xf32, #tpu.memory_space<vmem_shared>>) offsets(%dma_start3A_262 : memref<128xi32, #tpu.memory_space<vmem>>) semaphore(%run_scoped3A_255 : memref<!tpu.dma_semaphore, #tpu.memory_space<semaphore_mem>>) {add = true}
          %dma_wait3A_266 = arith.constant 0 : i32
          %dma_wait3A_267 = arith.constant 0 : i32
          %dma_wait3A_268 = tpu.memref_slice %arg9[%run_scoped3A_239, %dma_wait3A_266, %dma_wait3A_267] : memref<2x128x128xf32, #tpu.memory_space<vmem>> -> memref<1x128x128xf32, #tpu.memory_space<vmem>>
          %dma_wait3A_269 = tpu.memref_squeeze %dma_wait3A_268 : memref<1x128x128xf32, #tpu.memory_space<vmem>> -> memref<128x128xf32, #tpu.memory_space<vmem>>
          %dma_wait3A_270 = arith.constant 0 : i32
          %dma_wait3A_271 = tpu.memref_slice %arg8[%run_scoped3A_240, %dma_wait3A_270] : memref<8x128xi32, #tpu.memory_space<vmem>> -> memref<1x128xi32, #tpu.memory_space<vmem>>
          %dma_wait3A_272 = tpu.memref_squeeze %dma_wait3A_271 : memref<1x128xi32, #tpu.memory_space<vmem>> -> memref<128xi32, #tpu.memory_space<vmem>>
          %dma_wait3A_273 = arith.constant 0 : i32
          %dma_wait3A_274 = arith.constant 0 : i32
          %dma_wait3A_275 = tpu.memref_slice %arg10[%dma_wait3A_273, %dma_wait3A_274] : memref<10240x128xf32, #tpu.memory_space<vmem_shared>> -> memref<10240x128xf32, #tpu.memory_space<vmem_shared>>
          tpu.wait_indirect_dma semaphore(%run_scoped3A_255 : memref<!tpu.dma_semaphore, #tpu.memory_space<semaphore_mem>>) src(%dma_wait3A_269 : memref<128x128xf32, #tpu.memory_space<vmem>>) dst(%dma_wait3A_275 : memref<10240x128xf32, #tpu.memory_space<vmem_shared>>)
          tpu.yield
        }) : () -> ()
        %dma_wait3A_241 = arith.constant 7 : i32
        %dma_wait3A_242 = arith.constant 1 : i32
        %dma_wait3A_243 = arith.constant 0 : i32
        %dma_wait3A_244 = arith.constant 0 : i32
        %dma_wait3A_245 = tpu.memref_slice %arg9[%dma_wait3A_242, %dma_wait3A_243, %dma_wait3A_244] : memref<2x128x128xf32, #tpu.memory_space<vmem>> -> memref<1x128x128xf32, #tpu.memory_space<vmem>>
        %dma_wait3A_246 = tpu.memref_squeeze %dma_wait3A_245 : memref<1x128x128xf32, #tpu.memory_space<vmem>> -> memref<128x128xf32, #tpu.memory_space<vmem>>
        %dma_wait3A_247 = arith.constant 0 : i32
        %dma_wait3A_248 = tpu.memref_slice %arg7[%dma_wait3A_241, %dma_wait3A_247] : memref<8x128xi32, #tpu.memory_space<vmem>> -> memref<1x128xi32, #tpu.memory_space<vmem>>
        %dma_wait3A_249 = tpu.memref_squeeze %dma_wait3A_248 : memref<1x128xi32, #tpu.memory_space<vmem>> -> memref<128xi32, #tpu.memory_space<vmem>>
        %dma_wait3A_250 = arith.constant 0 : i32
        %dma_wait3A_251 = arith.constant 0 : i32
        %dma_wait3A_252 = tpu.memref_slice %arg2[%dma_wait3A_250, %dma_wait3A_251] : memref<10000x128xf32, #tpu.memory_space<hbm>> -> memref<10000x128xf32, #tpu.memory_space<hbm>>
        tpu.wait_indirect_dma semaphore(%arg12 : memref<!tpu.dma_semaphore, #tpu.memory_space<semaphore_mem>>) src(%dma_wait3A_252 : memref<10000x128xf32, #tpu.memory_space<hbm>>) dst(%dma_wait3A_246 : memref<128x128xf32, #tpu.memory_space<vmem>>)
        %run_scoped3A_253 = arith.constant 1 : i32
        %run_scoped3A_254 = arith.constant 7 : i32
        "tpu.region"() ({
          %run_scoped3A_255 = tpu.sem_alloc : memref<!tpu.dma_semaphore, #tpu.memory_space<semaphore_mem>>
          %dma_start3A_256 = arith.constant 0 : i32
          %dma_start3A_257 = arith.constant 0 : i32
          %dma_start3A_258 = tpu.memref_slice %arg9[%run_scoped3A_253, %dma_start3A_256, %dma_start3A_257] : memref<2x128x128xf32, #tpu.memory_space<vmem>> -> memref<1x128x128xf32, #tpu.memory_space<vmem>>
          %dma_start3A_259 = tpu.memref_squeeze %dma_start3A_258 : memref<1x128x128xf32, #tpu.memory_space<vmem>> -> memref<128x128xf32, #tpu.memory_space<vmem>>
          %dma_start3A_260 = arith.constant 0 : i32
          %dma_start3A_261 = tpu.memref_slice %arg8[%run_scoped3A_254, %dma_start3A_260] : memref<8x128xi32, #tpu.memory_space<vmem>> -> memref<1x128xi32, #tpu.memory_space<vmem>>
          %dma_start3A_262 = tpu.memref_squeeze %dma_start3A_261 : memref<1x128xi32, #tpu.memory_space<vmem>> -> memref<128xi32, #tpu.memory_space<vmem>>
          %dma_start3A_263 = arith.constant 0 : i32
          %dma_start3A_264 = arith.constant 0 : i32
          %dma_start3A_265 = tpu.memref_slice %arg10[%dma_start3A_263, %dma_start3A_264] : memref<10240x128xf32, #tpu.memory_space<vmem_shared>> -> memref<10240x128xf32, #tpu.memory_space<vmem_shared>>
          tpu.enqueue_indirect_dma source(%dma_start3A_259 : memref<128x128xf32, #tpu.memory_space<vmem>>) target(%dma_start3A_265 : memref<10240x128xf32, #tpu.memory_space<vmem_shared>>) offsets(%dma_start3A_262 : memref<128xi32, #tpu.memory_space<vmem>>) semaphore(%run_scoped3A_255 : memref<!tpu.dma_semaphore, #tpu.memory_space<semaphore_mem>>) {add = true}
          %dma_wait3A_266 = arith.constant 0 : i32
          %dma_wait3A_267 = arith.constant 0 : i32
          %dma_wait3A_268 = tpu.memref_slice %arg9[%run_scoped3A_253, %dma_wait3A_266, %dma_wait3A_267] : memref<2x128x128xf32, #tpu.memory_space<vmem>> -> memref<1x128x128xf32, #tpu.memory_space<vmem>>
          %dma_wait3A_269 = tpu.memref_squeeze %dma_wait3A_268 : memref<1x128x128xf32, #tpu.memory_space<vmem>> -> memref<128x128xf32, #tpu.memory_space<vmem>>
          %dma_wait3A_270 = arith.constant 0 : i32
          %dma_wait3A_271 = tpu.memref_slice %arg8[%run_scoped3A_254, %dma_wait3A_270] : memref<8x128xi32, #tpu.memory_space<vmem>> -> memref<1x128xi32, #tpu.memory_space<vmem>>
          %dma_wait3A_272 = tpu.memref_squeeze %dma_wait3A_271 : memref<1x128xi32, #tpu.memory_space<vmem>> -> memref<128xi32, #tpu.memory_space<vmem>>
          %dma_wait3A_273 = arith.constant 0 : i32
          %dma_wait3A_274 = arith.constant 0 : i32
          %dma_wait3A_275 = tpu.memref_slice %arg10[%dma_wait3A_273, %dma_wait3A_274] : memref<10240x128xf32, #tpu.memory_space<vmem_shared>> -> memref<10240x128xf32, #tpu.memory_space<vmem_shared>>
          tpu.wait_indirect_dma semaphore(%run_scoped3A_255 : memref<!tpu.dma_semaphore, #tpu.memory_space<semaphore_mem>>) src(%dma_wait3A_269 : memref<128x128xf32, #tpu.memory_space<vmem>>) dst(%dma_wait3A_275 : memref<10240x128xf32, #tpu.memory_space<vmem_shared>>)
          tpu.yield
        }) : () -> ()
      } else {
      }
    }
    %scan3A_33 = arith.constant 16 : i32
    %barrier3A_34 = arith.constant 0 : index
    tpu.barrier barrier_id(%barrier3A_34)
    %mul3A_35 = arith.constant 640 : i32
    %mul3A_36 = arith.muli %arg1, %mul3A_35 : i32
    %mul3A_37 = arith.constant 640 : i32
    %mul3A_38 = arith.muli %arg1, %mul3A_37 : i32
    "tpu.region"() ({
      %run_scoped3A = tpu.sem_alloc : memref<!tpu.dma_semaphore, #tpu.memory_space<semaphore_mem>>
      %dma_start3A = arith.constant 0 : i32
      %dma_start3A_39 = tpu.memref_slice %arg5[%arg0, %mul3A_38, %dma_start3A] : memref<2x10240x128xf32, #tpu.memory_space<hbm>> -> memref<1x640x128xf32, #tpu.memory_space<hbm>>
      %dma_start3A_40 = tpu.memref_squeeze %dma_start3A_39 : memref<1x640x128xf32, #tpu.memory_space<hbm>> -> memref<640x128xf32, #tpu.memory_space<hbm>>
      %dma_start3A_41 = arith.constant 0 : i32
      %dma_start3A_42 = tpu.memref_slice %arg10[%mul3A_36, %dma_start3A_41] : memref<10240x128xf32, #tpu.memory_space<vmem_shared>> -> memref<640x128xf32, #tpu.memory_space<vmem_shared>>
      tpu.enqueue_dma source(%dma_start3A_42 : memref<640x128xf32, #tpu.memory_space<vmem_shared>>) target(%dma_start3A_40 : memref<640x128xf32, #tpu.memory_space<hbm>>) target_semaphore(%run_scoped3A : memref<!tpu.dma_semaphore, #tpu.memory_space<semaphore_mem>>)
      %dma_wait3A = arith.constant 0 : i32
      %dma_wait3A_43 = tpu.memref_slice %arg5[%arg0, %mul3A_38, %dma_wait3A] : memref<2x10240x128xf32, #tpu.memory_space<hbm>> -> memref<1x640x128xf32, #tpu.memory_space<hbm>>
      %dma_wait3A_44 = tpu.memref_squeeze %dma_wait3A_43 : memref<1x640x128xf32, #tpu.memory_space<hbm>> -> memref<640x128xf32, #tpu.memory_space<hbm>>
      %dma_wait3A_45 = arith.constant 0 : i32
      %dma_wait3A_46 = tpu.memref_slice %arg10[%mul3A_36, %dma_wait3A_45] : memref<10240x128xf32, #tpu.memory_space<vmem_shared>> -> memref<640x128xf32, #tpu.memory_space<vmem_shared>>
      tpu.wait_dma2 semaphore(%run_scoped3A : memref<!tpu.dma_semaphore, #tpu.memory_space<semaphore_mem>>) src(%dma_wait3A_46 : memref<640x128xf32, #tpu.memory_space<vmem_shared>>) dst(%dma_wait3A_44 : memref<640x128xf32, #tpu.memory_space<hbm>>)
      tpu.yield
    }) : () -> ()
    return
  }
}

#map = affine_map<(d0, d1) -> (0, 0)>
#map1 = affine_map<(d0, d1) -> (0, 0, 0)>
module attributes {stable_mosaic.version = 14 : i64} {
  func.func @_deg_body(%arg0: i32, %arg1: i32, %arg2: memref<2560x128xi32, #tpu.memory_space<hbm>>, %arg3: memref<128x128xf32, #tpu.memory_space<hbm>>, %arg4: memref<128x128xf32, #tpu.memory_space<hbm>>, %arg5: memref<2x10240x128xf32, #tpu.memory_space<hbm>>, %arg6: memref<8x128xi32, #tpu.memory_space<vmem>>, %arg7: memref<128x128xf32, #tpu.memory_space<vmem>>, %arg8: memref<10240x128xf32, #tpu.memory_space<vmem_shared>>) attributes {dimension_semantics = [#tpu.dimension_semantics<core_parallel>, #tpu.dimension_semantics<subcore_parallel>], iteration_bounds = array<i64: 2, 16>, scalar_prefetch = 0 : i64, scratch_operands = 3 : i64, tpu.core_type = #tpu.core_type<sc_vector_subcore>, window_params = [{transform_indices = #map}, {transform_indices = #map}, {transform_indices = #map}, {transform_indices = #map1}]} {
    %mul3A = arith.constant 2 : i32
    %mul3A_0 = arith.muli %arg1, %mul3A : i32
    %add3A = arith.addi %mul3A_0, %arg0 : i32
    %mul3A_1 = arith.constant 80 : i32
    %mul3A_2 = arith.muli %add3A, %mul3A_1 : i32
    %mul3A_3 = arith.constant 640 : i32
    %mul3A_4 = arith.muli %arg1, %mul3A_3 : i32
    %add3A_5 = arith.constant 0 : i32
    %add3A_6 = arith.addi %mul3A_4, %add3A_5 : i32
    "tpu.region"() ({
      %run_scoped3A = tpu.sem_alloc : memref<!tpu.dma_semaphore, #tpu.memory_space<semaphore_mem>>
      %dma_start3A = arith.constant 0 : i32
      %dma_start3A_33 = tpu.memref_slice %arg8[%add3A_6, %dma_start3A] : memref<10240x128xf32, #tpu.memory_space<vmem_shared>> -> memref<128x128xf32, #tpu.memory_space<vmem_shared>>
      tpu.enqueue_dma source(%arg4 : memref<128x128xf32, #tpu.memory_space<hbm>>) target(%dma_start3A_33 : memref<128x128xf32, #tpu.memory_space<vmem_shared>>) target_semaphore(%run_scoped3A : memref<!tpu.dma_semaphore, #tpu.memory_space<semaphore_mem>>)
      %dma_wait3A = arith.constant 0 : i32
      %dma_wait3A_34 = tpu.memref_slice %arg8[%add3A_6, %dma_wait3A] : memref<10240x128xf32, #tpu.memory_space<vmem_shared>> -> memref<128x128xf32, #tpu.memory_space<vmem_shared>>
      tpu.wait_dma2 semaphore(%run_scoped3A : memref<!tpu.dma_semaphore, #tpu.memory_space<semaphore_mem>>) src(%arg4 : memref<128x128xf32, #tpu.memory_space<hbm>>) dst(%dma_wait3A_34 : memref<128x128xf32, #tpu.memory_space<vmem_shared>>)
      tpu.yield
    }) : () -> ()
    %mul3A_7 = arith.constant 640 : i32
    %mul3A_8 = arith.muli %arg1, %mul3A_7 : i32
    %add3A_9 = arith.constant 128 : i32
    %add3A_10 = arith.addi %mul3A_8, %add3A_9 : i32
    "tpu.region"() ({
      %run_scoped3A = tpu.sem_alloc : memref<!tpu.dma_semaphore, #tpu.memory_space<semaphore_mem>>
      %dma_start3A = arith.constant 0 : i32
      %dma_start3A_33 = tpu.memref_slice %arg8[%add3A_10, %dma_start3A] : memref<10240x128xf32, #tpu.memory_space<vmem_shared>> -> memref<128x128xf32, #tpu.memory_space<vmem_shared>>
      tpu.enqueue_dma source(%arg4 : memref<128x128xf32, #tpu.memory_space<hbm>>) target(%dma_start3A_33 : memref<128x128xf32, #tpu.memory_space<vmem_shared>>) target_semaphore(%run_scoped3A : memref<!tpu.dma_semaphore, #tpu.memory_space<semaphore_mem>>)
      %dma_wait3A = arith.constant 0 : i32
      %dma_wait3A_34 = tpu.memref_slice %arg8[%add3A_10, %dma_wait3A] : memref<10240x128xf32, #tpu.memory_space<vmem_shared>> -> memref<128x128xf32, #tpu.memory_space<vmem_shared>>
      tpu.wait_dma2 semaphore(%run_scoped3A : memref<!tpu.dma_semaphore, #tpu.memory_space<semaphore_mem>>) src(%arg4 : memref<128x128xf32, #tpu.memory_space<hbm>>) dst(%dma_wait3A_34 : memref<128x128xf32, #tpu.memory_space<vmem_shared>>)
      tpu.yield
    }) : () -> ()
    %mul3A_11 = arith.constant 640 : i32
    %mul3A_12 = arith.muli %arg1, %mul3A_11 : i32
    %add3A_13 = arith.constant 256 : i32
    %add3A_14 = arith.addi %mul3A_12, %add3A_13 : i32
    "tpu.region"() ({
      %run_scoped3A = tpu.sem_alloc : memref<!tpu.dma_semaphore, #tpu.memory_space<semaphore_mem>>
      %dma_start3A = arith.constant 0 : i32
      %dma_start3A_33 = tpu.memref_slice %arg8[%add3A_14, %dma_start3A] : memref<10240x128xf32, #tpu.memory_space<vmem_shared>> -> memref<128x128xf32, #tpu.memory_space<vmem_shared>>
      tpu.enqueue_dma source(%arg4 : memref<128x128xf32, #tpu.memory_space<hbm>>) target(%dma_start3A_33 : memref<128x128xf32, #tpu.memory_space<vmem_shared>>) target_semaphore(%run_scoped3A : memref<!tpu.dma_semaphore, #tpu.memory_space<semaphore_mem>>)
      %dma_wait3A = arith.constant 0 : i32
      %dma_wait3A_34 = tpu.memref_slice %arg8[%add3A_14, %dma_wait3A] : memref<10240x128xf32, #tpu.memory_space<vmem_shared>> -> memref<128x128xf32, #tpu.memory_space<vmem_shared>>
      tpu.wait_dma2 semaphore(%run_scoped3A : memref<!tpu.dma_semaphore, #tpu.memory_space<semaphore_mem>>) src(%arg4 : memref<128x128xf32, #tpu.memory_space<hbm>>) dst(%dma_wait3A_34 : memref<128x128xf32, #tpu.memory_space<vmem_shared>>)
      tpu.yield
    }) : () -> ()
    %mul3A_15 = arith.constant 640 : i32
    %mul3A_16 = arith.muli %arg1, %mul3A_15 : i32
    %add3A_17 = arith.constant 384 : i32
    %add3A_18 = arith.addi %mul3A_16, %add3A_17 : i32
    "tpu.region"() ({
      %run_scoped3A = tpu.sem_alloc : memref<!tpu.dma_semaphore, #tpu.memory_space<semaphore_mem>>
      %dma_start3A = arith.constant 0 : i32
      %dma_start3A_33 = tpu.memref_slice %arg8[%add3A_18, %dma_start3A] : memref<10240x128xf32, #tpu.memory_space<vmem_shared>> -> memref<128x128xf32, #tpu.memory_space<vmem_shared>>
      tpu.enqueue_dma source(%arg4 : memref<128x128xf32, #tpu.memory_space<hbm>>) target(%dma_start3A_33 : memref<128x128xf32, #tpu.memory_space<vmem_shared>>) target_semaphore(%run_scoped3A : memref<!tpu.dma_semaphore, #tpu.memory_space<semaphore_mem>>)
      %dma_wait3A = arith.constant 0 : i32
      %dma_wait3A_34 = tpu.memref_slice %arg8[%add3A_18, %dma_wait3A] : memref<10240x128xf32, #tpu.memory_space<vmem_shared>> -> memref<128x128xf32, #tpu.memory_space<vmem_shared>>
      tpu.wait_dma2 semaphore(%run_scoped3A : memref<!tpu.dma_semaphore, #tpu.memory_space<semaphore_mem>>) src(%arg4 : memref<128x128xf32, #tpu.memory_space<hbm>>) dst(%dma_wait3A_34 : memref<128x128xf32, #tpu.memory_space<vmem_shared>>)
      tpu.yield
    }) : () -> ()
    %mul3A_19 = arith.constant 640 : i32
    %mul3A_20 = arith.muli %arg1, %mul3A_19 : i32
    %add3A_21 = arith.constant 512 : i32
    %add3A_22 = arith.addi %mul3A_20, %add3A_21 : i32
    "tpu.region"() ({
      %run_scoped3A = tpu.sem_alloc : memref<!tpu.dma_semaphore, #tpu.memory_space<semaphore_mem>>
      %dma_start3A = arith.constant 0 : i32
      %dma_start3A_33 = tpu.memref_slice %arg8[%add3A_22, %dma_start3A] : memref<10240x128xf32, #tpu.memory_space<vmem_shared>> -> memref<128x128xf32, #tpu.memory_space<vmem_shared>>
      tpu.enqueue_dma source(%arg4 : memref<128x128xf32, #tpu.memory_space<hbm>>) target(%dma_start3A_33 : memref<128x128xf32, #tpu.memory_space<vmem_shared>>) target_semaphore(%run_scoped3A : memref<!tpu.dma_semaphore, #tpu.memory_space<semaphore_mem>>)
      %dma_wait3A = arith.constant 0 : i32
      %dma_wait3A_34 = tpu.memref_slice %arg8[%add3A_22, %dma_wait3A] : memref<10240x128xf32, #tpu.memory_space<vmem_shared>> -> memref<128x128xf32, #tpu.memory_space<vmem_shared>>
      tpu.wait_dma2 semaphore(%run_scoped3A : memref<!tpu.dma_semaphore, #tpu.memory_space<semaphore_mem>>) src(%arg4 : memref<128x128xf32, #tpu.memory_space<hbm>>) dst(%dma_wait3A_34 : memref<128x128xf32, #tpu.memory_space<vmem_shared>>)
      tpu.yield
    }) : () -> ()
    "tpu.region"() ({
      %run_scoped3A = tpu.sem_alloc : memref<!tpu.dma_semaphore, #tpu.memory_space<semaphore_mem>>
      tpu.enqueue_dma source(%arg3 : memref<128x128xf32, #tpu.memory_space<hbm>>) target(%arg7 : memref<128x128xf32, #tpu.memory_space<vmem>>) target_semaphore(%run_scoped3A : memref<!tpu.dma_semaphore, #tpu.memory_space<semaphore_mem>>)
      tpu.wait_dma2 semaphore(%run_scoped3A : memref<!tpu.dma_semaphore, #tpu.memory_space<semaphore_mem>>) src(%arg3 : memref<128x128xf32, #tpu.memory_space<hbm>>) dst(%arg7 : memref<128x128xf32, #tpu.memory_space<vmem>>)
      tpu.yield
    }) : () -> ()
    %barrier3A = arith.constant 0 : index
    tpu.barrier barrier_id(%barrier3A)
    %scan3A = arith.constant 0 : i32
    %scan3A_23 = arith.constant 0 : i32
    %scan3A_24 = arith.constant 10 : i32
    %scan3A_25 = arith.addi %scan3A_23, %scan3A_24 : i32
    %scan3A_26 = arith.constant 1 : i32
    scf.for %scan3A_33 = %scan3A_23 to %scan3A_25 step %scan3A_26  : i32 {
      %mul3A_34 = arith.constant 8 : i32
      %mul3A_35 = arith.muli %scan3A_33, %mul3A_34 : i32
      %add3A_36 = arith.addi %mul3A_2, %mul3A_35 : i32
      "tpu.region"() ({
        %run_scoped3A = tpu.sem_alloc : memref<!tpu.dma_semaphore, #tpu.memory_space<semaphore_mem>>
        %dma_start3A = arith.constant 0 : i32
        %dma_start3A_42 = tpu.memref_slice %arg2[%add3A_36, %dma_start3A] : memref<2560x128xi32, #tpu.memory_space<hbm>> -> memref<8x128xi32, #tpu.memory_space<hbm>>
        %dma_start3A_43 = arith.constant 0 : i32
        %dma_start3A_44 = tpu.memref_slice %arg2[%add3A_36, %dma_start3A_43] : memref<2560x128xi32, #tpu.memory_space<hbm>> -> memref<8x128xi32, #tpu.memory_space<hbm>>
        tpu.enqueue_dma source(%dma_start3A_44 : memref<8x128xi32, #tpu.memory_space<hbm>>) target(%arg6 : memref<8x128xi32, #tpu.memory_space<vmem>>) target_semaphore(%run_scoped3A : memref<!tpu.dma_semaphore, #tpu.memory_space<semaphore_mem>>)
        %dma_wait3A = arith.constant 0 : i32
        %dma_wait3A_45 = tpu.memref_slice %arg2[%add3A_36, %dma_wait3A] : memref<2560x128xi32, #tpu.memory_space<hbm>> -> memref<8x128xi32, #tpu.memory_space<hbm>>
        %dma_wait3A_46 = arith.constant 0 : i32
        %dma_wait3A_47 = tpu.memref_slice %arg2[%add3A_36, %dma_wait3A_46] : memref<2560x128xi32, #tpu.memory_space<hbm>> -> memref<8x128xi32, #tpu.memory_space<hbm>>
        tpu.wait_dma2 semaphore(%run_scoped3A : memref<!tpu.dma_semaphore, #tpu.memory_space<semaphore_mem>>) src(%dma_wait3A_47 : memref<8x128xi32, #tpu.memory_space<hbm>>) dst(%arg6 : memref<8x128xi32, #tpu.memory_space<vmem>>)
        tpu.yield
      }) : () -> ()
      %scan3A_37 = arith.constant 0 : i32
      %scan3A_38 = arith.constant 8 : i32
      %scan3A_39 = arith.addi %scan3A_37, %scan3A_38 : i32
      %scan3A_40 = arith.constant 1 : i32
      scf.for %scan3A_42 = %scan3A_37 to %scan3A_39 step %scan3A_40  : i32 {
        "tpu.region"() ({
          %run_scoped3A = tpu.sem_alloc : memref<!tpu.dma_semaphore, #tpu.memory_space<semaphore_mem>>
          %dma_start3A = arith.constant 0 : i32
          %dma_start3A_43 = tpu.memref_slice %arg6[%scan3A_42, %dma_start3A] : memref<8x128xi32, #tpu.memory_space<vmem>> -> memref<1x128xi32, #tpu.memory_space<vmem>>
          %dma_start3A_44 = tpu.memref_squeeze %dma_start3A_43 : memref<1x128xi32, #tpu.memory_space<vmem>> -> memref<128xi32, #tpu.memory_space<vmem>>
          %dma_start3A_45 = arith.constant 0 : i32
          %dma_start3A_46 = arith.constant 0 : i32
          %dma_start3A_47 = tpu.memref_slice %arg8[%dma_start3A_45, %dma_start3A_46] : memref<10240x128xf32, #tpu.memory_space<vmem_shared>> -> memref<10240x128xf32, #tpu.memory_space<vmem_shared>>
          tpu.enqueue_indirect_dma source(%arg7 : memref<128x128xf32, #tpu.memory_space<vmem>>) target(%dma_start3A_47 : memref<10240x128xf32, #tpu.memory_space<vmem_shared>>) offsets(%dma_start3A_44 : memref<128xi32, #tpu.memory_space<vmem>>) semaphore(%run_scoped3A : memref<!tpu.dma_semaphore, #tpu.memory_space<semaphore_mem>>) {add = true}
          %dma_wait3A = arith.constant 0 : i32
          %dma_wait3A_48 = tpu.memref_slice %arg6[%scan3A_42, %dma_wait3A] : memref<8x128xi32, #tpu.memory_space<vmem>> -> memref<1x128xi32, #tpu.memory_space<vmem>>
          %dma_wait3A_49 = tpu.memref_squeeze %dma_wait3A_48 : memref<1x128xi32, #tpu.memory_space<vmem>> -> memref<128xi32, #tpu.memory_space<vmem>>
          %dma_wait3A_50 = arith.constant 0 : i32
          %dma_wait3A_51 = arith.constant 0 : i32
          %dma_wait3A_52 = tpu.memref_slice %arg8[%dma_wait3A_50, %dma_wait3A_51] : memref<10240x128xf32, #tpu.memory_space<vmem_shared>> -> memref<10240x128xf32, #tpu.memory_space<vmem_shared>>
          tpu.wait_indirect_dma semaphore(%run_scoped3A : memref<!tpu.dma_semaphore, #tpu.memory_space<semaphore_mem>>) src(%arg7 : memref<128x128xf32, #tpu.memory_space<vmem>>) dst(%dma_wait3A_52 : memref<10240x128xf32, #tpu.memory_space<vmem_shared>>)
          tpu.yield
        }) : () -> ()
      }
      %scan3A_41 = arith.constant 8 : i32
    }
    %scan3A_27 = arith.constant 10 : i32
    %barrier3A_28 = arith.constant 0 : index
    tpu.barrier barrier_id(%barrier3A_28)
    %mul3A_29 = arith.constant 640 : i32
    %mul3A_30 = arith.muli %arg1, %mul3A_29 : i32
    %mul3A_31 = arith.constant 640 : i32
    %mul3A_32 = arith.muli %arg1, %mul3A_31 : i32
    "tpu.region"() ({
      %run_scoped3A = tpu.sem_alloc : memref<!tpu.dma_semaphore, #tpu.memory_space<semaphore_mem>>
      %dma_start3A = arith.constant 0 : i32
      %dma_start3A_33 = tpu.memref_slice %arg5[%arg0, %mul3A_32, %dma_start3A] : memref<2x10240x128xf32, #tpu.memory_space<hbm>> -> memref<1x640x128xf32, #tpu.memory_space<hbm>>
      %dma_start3A_34 = tpu.memref_squeeze %dma_start3A_33 : memref<1x640x128xf32, #tpu.memory_space<hbm>> -> memref<640x128xf32, #tpu.memory_space<hbm>>
      %dma_start3A_35 = arith.constant 0 : i32
      %dma_start3A_36 = tpu.memref_slice %arg8[%mul3A_30, %dma_start3A_35] : memref<10240x128xf32, #tpu.memory_space<vmem_shared>> -> memref<640x128xf32, #tpu.memory_space<vmem_shared>>
      tpu.enqueue_dma source(%dma_start3A_36 : memref<640x128xf32, #tpu.memory_space<vmem_shared>>) target(%dma_start3A_34 : memref<640x128xf32, #tpu.memory_space<hbm>>) target_semaphore(%run_scoped3A : memref<!tpu.dma_semaphore, #tpu.memory_space<semaphore_mem>>)
      %dma_wait3A = arith.constant 0 : i32
      %dma_wait3A_37 = tpu.memref_slice %arg5[%arg0, %mul3A_32, %dma_wait3A] : memref<2x10240x128xf32, #tpu.memory_space<hbm>> -> memref<1x640x128xf32, #tpu.memory_space<hbm>>
      %dma_wait3A_38 = tpu.memref_squeeze %dma_wait3A_37 : memref<1x640x128xf32, #tpu.memory_space<hbm>> -> memref<640x128xf32, #tpu.memory_space<hbm>>
      %dma_wait3A_39 = arith.constant 0 : i32
      %dma_wait3A_40 = tpu.memref_slice %arg8[%mul3A_30, %dma_wait3A_39] : memref<10240x128xf32, #tpu.memory_space<vmem_shared>> -> memref<640x128xf32, #tpu.memory_space<vmem_shared>>
      tpu.wait_dma2 semaphore(%run_scoped3A : memref<!tpu.dma_semaphore, #tpu.memory_space<semaphore_mem>>) src(%dma_wait3A_40 : memref<640x128xf32, #tpu.memory_space<vmem_shared>>) dst(%dma_wait3A_38 : memref<640x128xf32, #tpu.memory_space<hbm>>)
      tpu.yield
    }) : () -> ()
    return
  }
}

module attributes {stable_mosaic.version = 14 : i64} {
  func.func @_proj_body(%arg0: i32, %arg1: memref<1000x256xf32, #tpu.memory_space<vmem>>, %arg2: memref<256x128xf32, #tpu.memory_space<vmem>>, %arg3: memref<256x128xf32, #tpu.memory_space<vmem>>, %arg4: memref<1x128xf32, #tpu.memory_space<vmem>>, %arg5: memref<1000x128xf32, #tpu.memory_space<vmem>>, %arg6: memref<1000x128xf32, #tpu.memory_space<vmem>>) attributes {dimension_semantics = [#tpu.dimension_semantics<arbitrary>], iteration_bounds = array<i64: 10>, scalar_prefetch = 0 : i64, scratch_operands = 0 : i64, tpu.core_type = #tpu.core_type<tc>, window_params = [{transform_indices = @transform_0, window_bounds = array<i64: 1000, 256>}, {pipeline_mode = #tpu.pipeline_mode<synchronous>, transform_indices = @transform_1, window_bounds = array<i64: 256, 128>}, {pipeline_mode = #tpu.pipeline_mode<synchronous>, transform_indices = @transform_2, window_bounds = array<i64: 256, 128>}, {pipeline_mode = #tpu.pipeline_mode<synchronous>, transform_indices = @transform_3, window_bounds = array<i64: 1, 128>}, {transform_indices = @transform_4, window_bounds = array<i64: 1000, 128>}, {transform_indices = @transform_5, window_bounds = array<i64: 1000, 128>}]} {
    %get3A = arith.constant 0 : index
    %get3A_0 = arith.constant 0 : index
    %get3A_1 = vector.load %arg1[%get3A, %get3A_0] : memref<1000x256xf32, #tpu.memory_space<vmem>>, vector<1000x256xf32>
    %get3A_2 = arith.constant 0 : index
    %get3A_3 = arith.constant 0 : index
    %get3A_4 = vector.load %arg2[%get3A_2, %get3A_3] : memref<256x128xf32, #tpu.memory_space<vmem>>, vector<256x128xf32>
    %dot_general3A = arith.constant dense<0.000000e+00> : vector<1000x128xf32>
    %dot_general3A_5 = tpu.matmul %get3A_1, %get3A_4, %dot_general3A {dimension_numbers = #tpu.dot_dimension_numbers<[1], [0], [0], [1], [0, 0, 1, 1], [], []>, transpose_lhs_hint = false} : vector<1000x256xf32>, vector<256x128xf32>, vector<1000x128xf32> -> vector<1000x128xf32>
    %get3A_6 = arith.constant 0 : index
    %get3A_7 = arith.constant 0 : index
    %get3A_8 = vector.load %arg4[%get3A_6, %get3A_7] : memref<1x128xf32, #tpu.memory_space<vmem>>, vector<1x128xf32>
    %add3A = vector.broadcast %get3A_8 : vector<1x128xf32> to vector<1000x128xf32>
    %add3A_9 = arith.addf %dot_general3A_5, %add3A : vector<1000x128xf32>
    %swap3A = arith.constant 0 : index
    %swap3A_10 = arith.constant 0 : index
    %swap3A_11 = vector.load %arg5[%swap3A, %swap3A_10] : memref<1000x128xf32, #tpu.memory_space<vmem>>, vector<1000x128xf32>
    tpu.vector_store %arg5[%swap3A, %swap3A_10], %add3A_9 {strides = array<i32>} : memref<1000x128xf32, #tpu.memory_space<vmem>>, vector<1000x128xf32>,
    %get3A_12 = arith.constant 0 : index
    %get3A_13 = arith.constant 0 : index
    %get3A_14 = vector.load %arg3[%get3A_12, %get3A_13] : memref<256x128xf32, #tpu.memory_space<vmem>>, vector<256x128xf32>
    %dot_general3A_15 = arith.constant dense<0.000000e+00> : vector<1000x128xf32>
    %dot_general3A_16 = tpu.matmul %get3A_1, %get3A_14, %dot_general3A_15 {dimension_numbers = #tpu.dot_dimension_numbers<[1], [0], [0], [1], [0, 0, 1, 1], [], []>, transpose_lhs_hint = false} : vector<1000x256xf32>, vector<256x128xf32>, vector<1000x128xf32> -> vector<1000x128xf32>
    %swap3A_17 = arith.constant 0 : index
    %swap3A_18 = arith.constant 0 : index
    %swap3A_19 = vector.load %arg6[%swap3A_17, %swap3A_18] : memref<1000x128xf32, #tpu.memory_space<vmem>>, vector<1000x128xf32>
    tpu.vector_store %arg6[%swap3A_17, %swap3A_18], %dot_general3A_16 {strides = array<i32>} : memref<1000x128xf32, #tpu.memory_space<vmem>>, vector<1000x128xf32>,
    return
  }
  func.func @transform_0(%arg0: i32) -> (i32, i32) {
    %c0_i32 = arith.constant 0 : i32
    %c0_i32_0 = arith.constant 0 : i32
    return %arg0, %c0_i32 : i32, i32
  }
  func.func @transform_1(%arg0: i32) -> (i32, i32) {
    %c0_i32 = arith.constant 0 : i32
    %c0_i32_0 = arith.constant 0 : i32
    %c0_i32_1 = arith.constant 0 : i32
    return %c0_i32, %c0_i32_0 : i32, i32
  }
  func.func @transform_2(%arg0: i32) -> (i32, i32) {
    %c0_i32 = arith.constant 0 : i32
    %c0_i32_0 = arith.constant 0 : i32
    %c0_i32_1 = arith.constant 0 : i32
    return %c0_i32, %c0_i32_0 : i32, i32
  }
  func.func @transform_3(%arg0: i32) -> (i32, i32) {
    %c0_i32 = arith.constant 0 : i32
    %c0_i32_0 = arith.constant 0 : i32
    %c0_i32_1 = arith.constant 0 : i32
    return %c0_i32, %c0_i32_0 : i32, i32
  }
  func.func @transform_4(%arg0: i32) -> (i32, i32) {
    %c0_i32 = arith.constant 0 : i32
    %c0_i32_0 = arith.constant 0 : i32
    return %arg0, %c0_i32 : i32, i32
  }
  func.func @transform_5(%arg0: i32) -> (i32, i32) {
    %c0_i32 = arith.constant 0 : i32
    %c0_i32_0 = arith.constant 0 : i32
    return %arg0, %c0_i32 : i32, i32
  }
}

module attributes {stable_mosaic.version = 14 : i64} {
  func.func @_h_body(%arg0: i32, %arg1: memref<1000x128xf32, #tpu.memory_space<vmem>>, %arg2: memref<2x1000x128xf32, #tpu.memory_space<vmem>>, %arg3: memref<2x1000x128xf32, #tpu.memory_space<vmem>>, %arg4: memref<128x64xf32, #tpu.memory_space<vmem>>, %arg5: memref<1x64xf32, #tpu.memory_space<vmem>>, %arg6: memref<128x64xf32, #tpu.memory_space<vmem>>, %arg7: memref<1x64xf32, #tpu.memory_space<vmem>>, %arg8: memref<1000x128xf32, #tpu.memory_space<vmem>>, %arg9: memref<1000x64xf32, #tpu.memory_space<vmem>>, %arg10: memref<1000x64xf32, #tpu.memory_space<vmem>>) attributes {dimension_semantics = [#tpu.dimension_semantics<arbitrary>], iteration_bounds = array<i64: 10>, scalar_prefetch = 0 : i64, scratch_operands = 0 : i64, tpu.core_type = #tpu.core_type<tc>, window_params = [{transform_indices = @transform_0, window_bounds = array<i64: 1000, 128>}, {transform_indices = @transform_1, window_bounds = array<i64: 2, 1000, 128>}, {transform_indices = @transform_2, window_bounds = array<i64: 2, 1000, 128>}, {pipeline_mode = #tpu.pipeline_mode<synchronous>, transform_indices = @transform_3, window_bounds = array<i64: 128, 64>}, {pipeline_mode = #tpu.pipeline_mode<synchronous>, transform_indices = @transform_4, window_bounds = array<i64: 1, 64>}, {pipeline_mode = #tpu.pipeline_mode<synchronous>, transform_indices = @transform_5, window_bounds = array<i64: 128, 64>}, {pipeline_mode = #tpu.pipeline_mode<synchronous>, transform_indices = @transform_6, window_bounds = array<i64: 1, 64>}, {transform_indices = @transform_7, window_bounds = array<i64: 1000, 128>}, {transform_indices = @transform_8, window_bounds = array<i64: 1000, 64>}, {transform_indices = @transform_9, window_bounds = array<i64: 1000, 64>}]} {
    %get3A = arith.constant 0 : index
    %get3A_0 = arith.constant 0 : index
    %get3A_1 = arith.constant 0 : index
    %get3A_2 = vector.load %arg2[%get3A, %get3A_0, %get3A_1] : memref<2x1000x128xf32, #tpu.memory_space<vmem>>, vector<1x1000x128xf32>
    %get3A_3 = vector.shape_cast %get3A_2 : vector<1x1000x128xf32> to vector<1000x128xf32>
    %get3A_4 = arith.constant 1 : index
    %get3A_5 = arith.constant 0 : index
    %get3A_6 = arith.constant 0 : index
    %get3A_7 = vector.load %arg2[%get3A_4, %get3A_5, %get3A_6] : memref<2x1000x128xf32, #tpu.memory_space<vmem>>, vector<1x1000x128xf32>
    %get3A_8 = vector.shape_cast %get3A_7 : vector<1x1000x128xf32> to vector<1000x128xf32>
    %add3A = arith.addf %get3A_3, %get3A_8 : vector<1000x128xf32>
    %get3A_9 = arith.constant 0 : index
    %get3A_10 = arith.constant 0 : index
    %get3A_11 = arith.constant 0 : index
    %get3A_12 = vector.load %arg3[%get3A_9, %get3A_10, %get3A_11] : memref<2x1000x128xf32, #tpu.memory_space<vmem>>, vector<1x1000x1xf32>
    %get3A_13 = vector.shape_cast %get3A_12 : vector<1x1000x1xf32> to vector<1000x1xf32>
    %get3A_14 = arith.constant 1 : index
    %get3A_15 = arith.constant 0 : index
    %get3A_16 = arith.constant 0 : index
    %get3A_17 = vector.load %arg3[%get3A_14, %get3A_15, %get3A_16] : memref<2x1000x128xf32, #tpu.memory_space<vmem>>, vector<1x1000x1xf32>
    %get3A_18 = vector.shape_cast %get3A_17 : vector<1x1000x1xf32> to vector<1000x1xf32>
    %add3A_19 = arith.addf %get3A_13, %get3A_18 : vector<1000x1xf32>
    %max3A = arith.constant 1.000000e+00 : f32
    %max3A_20 = vector.broadcast %max3A : f32 to vector<1000x1xf32>
    %max3A_21 = arith.maximumf %add3A_19, %max3A_20 : vector<1000x1xf32>
    %div3A = arith.constant 1.000000e+00 : f32
    %div3A_22 = vector.broadcast %div3A : f32 to vector<1000x1xf32>
    %div3A_23 = arith.divf %div3A_22, %max3A_21 : vector<1000x1xf32>
    %get3A_24 = arith.constant 0 : index
    %get3A_25 = arith.constant 0 : index
    %get3A_26 = vector.load %arg1[%get3A_24, %get3A_25] : memref<1000x128xf32, #tpu.memory_space<vmem>>, vector<1000x128xf32>
    %mul3A = vector.broadcast %div3A_23 : vector<1000x1xf32> to vector<1000x128xf32>
    %mul3A_27 = arith.mulf %add3A, %mul3A : vector<1000x128xf32>
    %add3A_28 = arith.addf %get3A_26, %mul3A_27 : vector<1000x128xf32>
    %max3A_29 = arith.constant 0.000000e+00 : f32
    %max3A_30 = vector.broadcast %max3A_29 : f32 to vector<1000x128xf32>
    %max3A_31 = arith.maximumf %add3A_28, %max3A_30 : vector<1000x128xf32>
    %swap3A = arith.constant 0 : index
    %swap3A_32 = arith.constant 0 : index
    %swap3A_33 = vector.load %arg8[%swap3A, %swap3A_32] : memref<1000x128xf32, #tpu.memory_space<vmem>>, vector<1000x128xf32>
    tpu.vector_store %arg8[%swap3A, %swap3A_32], %max3A_31 {strides = array<i32>} : memref<1000x128xf32, #tpu.memory_space<vmem>>, vector<1000x128xf32>,
    %get3A_34 = arith.constant 0 : index
    %get3A_35 = arith.constant 0 : index
    %get3A_36 = vector.load %arg4[%get3A_34, %get3A_35] : memref<128x64xf32, #tpu.memory_space<vmem>>, vector<128x64xf32>
    %dot_general3A = arith.constant dense<0.000000e+00> : vector<1000x64xf32>
    %dot_general3A_37 = tpu.matmul %max3A_31, %get3A_36, %dot_general3A {dimension_numbers = #tpu.dot_dimension_numbers<[1], [0], [0], [1], [0, 0, 1, 1], [], []>, transpose_lhs_hint = false} : vector<1000x128xf32>, vector<128x64xf32>, vector<1000x64xf32> -> vector<1000x64xf32>
    %get3A_38 = arith.constant 0 : index
    %get3A_39 = arith.constant 0 : index
    %get3A_40 = vector.load %arg5[%get3A_38, %get3A_39] : memref<1x64xf32, #tpu.memory_space<vmem>>, vector<1x64xf32>
    %add3A_41 = vector.broadcast %get3A_40 : vector<1x64xf32> to vector<1000x64xf32>
    %add3A_42 = arith.addf %dot_general3A_37, %add3A_41 : vector<1000x64xf32>
    %swap3A_43 = arith.constant 0 : index
    %swap3A_44 = arith.constant 0 : index
    %swap3A_45 = vector.load %arg9[%swap3A_43, %swap3A_44] : memref<1000x64xf32, #tpu.memory_space<vmem>>, vector<1000x64xf32>
    tpu.vector_store %arg9[%swap3A_43, %swap3A_44], %add3A_42 {strides = array<i32>} : memref<1000x64xf32, #tpu.memory_space<vmem>>, vector<1000x64xf32>,
    %get3A_46 = arith.constant 0 : index
    %get3A_47 = arith.constant 0 : index
    %get3A_48 = vector.load %arg6[%get3A_46, %get3A_47] : memref<128x64xf32, #tpu.memory_space<vmem>>, vector<128x64xf32>
    %dot_general3A_49 = arith.constant dense<0.000000e+00> : vector<1000x64xf32>
    %dot_general3A_50 = tpu.matmul %max3A_31, %get3A_48, %dot_general3A_49 {dimension_numbers = #tpu.dot_dimension_numbers<[1], [0], [0], [1], [0, 0, 1, 1], [], []>, transpose_lhs_hint = false} : vector<1000x128xf32>, vector<128x64xf32>, vector<1000x64xf32> -> vector<1000x64xf32>
    %get3A_51 = arith.constant 0 : index
    %get3A_52 = arith.constant 0 : index
    %get3A_53 = vector.load %arg7[%get3A_51, %get3A_52] : memref<1x64xf32, #tpu.memory_space<vmem>>, vector<1x64xf32>
    %add3A_54 = vector.broadcast %get3A_53 : vector<1x64xf32> to vector<1000x64xf32>
    %add3A_55 = arith.addf %dot_general3A_50, %add3A_54 : vector<1000x64xf32>
    %swap3A_56 = arith.constant 0 : index
    %swap3A_57 = arith.constant 0 : index
    %swap3A_58 = vector.load %arg10[%swap3A_56, %swap3A_57] : memref<1000x64xf32, #tpu.memory_space<vmem>>, vector<1000x64xf32>
    tpu.vector_store %arg10[%swap3A_56, %swap3A_57], %add3A_55 {strides = array<i32>} : memref<1000x64xf32, #tpu.memory_space<vmem>>, vector<1000x64xf32>,
    return
  }
  func.func @transform_0(%arg0: i32) -> (i32, i32) {
    %c0_i32 = arith.constant 0 : i32
    %c0_i32_0 = arith.constant 0 : i32
    return %arg0, %c0_i32 : i32, i32
  }
  func.func @transform_1(%arg0: i32) -> (i32, i32, i32) {
    %c0_i32 = arith.constant 0 : i32
    %c0_i32_0 = arith.constant 0 : i32
    %c0_i32_1 = arith.constant 0 : i32
    return %c0_i32, %arg0, %c0_i32_0 : i32, i32, i32
  }
  func.func @transform_2(%arg0: i32) -> (i32, i32, i32) {
    %c0_i32 = arith.constant 0 : i32
    %c0_i32_0 = arith.constant 0 : i32
    %c0_i32_1 = arith.constant 0 : i32
    return %c0_i32, %arg0, %c0_i32_0 : i32, i32, i32
  }
  func.func @transform_3(%arg0: i32) -> (i32, i32) {
    %c0_i32 = arith.constant 0 : i32
    %c0_i32_0 = arith.constant 0 : i32
    %c0_i32_1 = arith.constant 0 : i32
    return %c0_i32, %c0_i32_0 : i32, i32
  }
  func.func @transform_4(%arg0: i32) -> (i32, i32) {
    %c0_i32 = arith.constant 0 : i32
    %c0_i32_0 = arith.constant 0 : i32
    %c0_i32_1 = arith.constant 0 : i32
    return %c0_i32, %c0_i32_0 : i32, i32
  }
  func.func @transform_5(%arg0: i32) -> (i32, i32) {
    %c0_i32 = arith.constant 0 : i32
    %c0_i32_0 = arith.constant 0 : i32
    %c0_i32_1 = arith.constant 0 : i32
    return %c0_i32, %c0_i32_0 : i32, i32
  }
  func.func @transform_6(%arg0: i32) -> (i32, i32) {
    %c0_i32 = arith.constant 0 : i32
    %c0_i32_0 = arith.constant 0 : i32
    %c0_i32_1 = arith.constant 0 : i32
    return %c0_i32, %c0_i32_0 : i32, i32
  }
  func.func @transform_7(%arg0: i32) -> (i32, i32) {
    %c0_i32 = arith.constant 0 : i32
    %c0_i32_0 = arith.constant 0 : i32
    return %arg0, %c0_i32 : i32, i32
  }
  func.func @transform_8(%arg0: i32) -> (i32, i32) {
    %c0_i32 = arith.constant 0 : i32
    %c0_i32_0 = arith.constant 0 : i32
    return %arg0, %c0_i32 : i32, i32
  }
  func.func @transform_9(%arg0: i32) -> (i32, i32) {
    %c0_i32 = arith.constant 0 : i32
    %c0_i32_0 = arith.constant 0 : i32
    return %arg0, %c0_i32 : i32, i32
  }
}

module attributes {stable_mosaic.version = 14 : i64} {
  func.func @_z_body(%arg0: i32, %arg1: memref<1000x64xf32, #tpu.memory_space<vmem>>, %arg2: memref<1000x64xf32, #tpu.memory_space<vmem>>, %arg3: memref<2x1000x128xf32, #tpu.memory_space<vmem>>, %arg4: memref<2x1000x128xf32, #tpu.memory_space<vmem>>, %arg5: memref<128x64xf32, #tpu.memory_space<vmem>>, %arg6: memref<128x64xf32, #tpu.memory_space<vmem>>, %arg7: memref<1000x64xf32, #tpu.memory_space<vmem>>, %arg8: memref<1000x64xf32, #tpu.memory_space<vmem>>) attributes {dimension_semantics = [#tpu.dimension_semantics<arbitrary>], iteration_bounds = array<i64: 10>, scalar_prefetch = 0 : i64, scratch_operands = 0 : i64, tpu.core_type = #tpu.core_type<tc>, window_params = [{transform_indices = @transform_0, window_bounds = array<i64: 1000, 64>}, {transform_indices = @transform_1, window_bounds = array<i64: 1000, 64>}, {transform_indices = @transform_2, window_bounds = array<i64: 2, 1000, 128>}, {transform_indices = @transform_3, window_bounds = array<i64: 2, 1000, 128>}, {pipeline_mode = #tpu.pipeline_mode<synchronous>, transform_indices = @transform_4, window_bounds = array<i64: 128, 64>}, {pipeline_mode = #tpu.pipeline_mode<synchronous>, transform_indices = @transform_5, window_bounds = array<i64: 128, 64>}, {transform_indices = @transform_6, window_bounds = array<i64: 1000, 64>}, {transform_indices = @transform_7, window_bounds = array<i64: 1000, 64>}]} {
    %get3A = arith.constant 0 : index
    %get3A_0 = arith.constant 0 : index
    %get3A_1 = arith.constant 0 : index
    %get3A_2 = vector.load %arg3[%get3A, %get3A_0, %get3A_1] : memref<2x1000x128xf32, #tpu.memory_space<vmem>>, vector<1x1000x128xf32>
    %get3A_3 = vector.shape_cast %get3A_2 : vector<1x1000x128xf32> to vector<1000x128xf32>
    %get3A_4 = arith.constant 1 : index
    %get3A_5 = arith.constant 0 : index
    %get3A_6 = arith.constant 0 : index
    %get3A_7 = vector.load %arg3[%get3A_4, %get3A_5, %get3A_6] : memref<2x1000x128xf32, #tpu.memory_space<vmem>>, vector<1x1000x128xf32>
    %get3A_8 = vector.shape_cast %get3A_7 : vector<1x1000x128xf32> to vector<1000x128xf32>
    %add3A = arith.addf %get3A_3, %get3A_8 : vector<1000x128xf32>
    %get3A_9 = arith.constant 0 : index
    %get3A_10 = arith.constant 0 : index
    %get3A_11 = arith.constant 0 : index
    %get3A_12 = vector.load %arg4[%get3A_9, %get3A_10, %get3A_11] : memref<2x1000x128xf32, #tpu.memory_space<vmem>>, vector<1x1000x1xf32>
    %get3A_13 = vector.shape_cast %get3A_12 : vector<1x1000x1xf32> to vector<1000x1xf32>
    %get3A_14 = arith.constant 1 : index
    %get3A_15 = arith.constant 0 : index
    %get3A_16 = arith.constant 0 : index
    %get3A_17 = vector.load %arg4[%get3A_14, %get3A_15, %get3A_16] : memref<2x1000x128xf32, #tpu.memory_space<vmem>>, vector<1x1000x1xf32>
    %get3A_18 = vector.shape_cast %get3A_17 : vector<1x1000x1xf32> to vector<1000x1xf32>
    %add3A_19 = arith.addf %get3A_13, %get3A_18 : vector<1000x1xf32>
    %max3A = arith.constant 1.000000e+00 : f32
    %max3A_20 = vector.broadcast %max3A : f32 to vector<1000x1xf32>
    %max3A_21 = arith.maximumf %add3A_19, %max3A_20 : vector<1000x1xf32>
    %div3A = arith.constant 1.000000e+00 : f32
    %div3A_22 = vector.broadcast %div3A : f32 to vector<1000x1xf32>
    %div3A_23 = arith.divf %div3A_22, %max3A_21 : vector<1000x1xf32>
    %mul3A = vector.broadcast %div3A_23 : vector<1000x1xf32> to vector<1000x128xf32>
    %mul3A_24 = arith.mulf %add3A, %mul3A : vector<1000x128xf32>
    %get3A_25 = arith.constant 0 : index
    %get3A_26 = arith.constant 0 : index
    %get3A_27 = vector.load %arg1[%get3A_25, %get3A_26] : memref<1000x64xf32, #tpu.memory_space<vmem>>, vector<1000x64xf32>
    %get3A_28 = arith.constant 0 : index
    %get3A_29 = arith.constant 0 : index
    %get3A_30 = vector.load %arg5[%get3A_28, %get3A_29] : memref<128x64xf32, #tpu.memory_space<vmem>>, vector<128x64xf32>
    %dot_general3A = arith.constant dense<0.000000e+00> : vector<1000x64xf32>
    %dot_general3A_31 = tpu.matmul %mul3A_24, %get3A_30, %dot_general3A {dimension_numbers = #tpu.dot_dimension_numbers<[1], [0], [0], [1], [0, 0, 1, 1], [], []>, transpose_lhs_hint = false} : vector<1000x128xf32>, vector<128x64xf32>, vector<1000x64xf32> -> vector<1000x64xf32>
    %add3A_32 = arith.addf %get3A_27, %dot_general3A_31 : vector<1000x64xf32>
    %get3A_33 = arith.constant 0 : index
    %get3A_34 = arith.constant 0 : index
    %get3A_35 = vector.load %arg2[%get3A_33, %get3A_34] : memref<1000x64xf32, #tpu.memory_space<vmem>>, vector<1000x64xf32>
    %get3A_36 = arith.constant 0 : index
    %get3A_37 = arith.constant 0 : index
    %get3A_38 = vector.load %arg6[%get3A_36, %get3A_37] : memref<128x64xf32, #tpu.memory_space<vmem>>, vector<128x64xf32>
    %dot_general3A_39 = arith.constant dense<0.000000e+00> : vector<1000x64xf32>
    %dot_general3A_40 = tpu.matmul %mul3A_24, %get3A_38, %dot_general3A_39 {dimension_numbers = #tpu.dot_dimension_numbers<[1], [0], [0], [1], [0, 0, 1, 1], [], []>, transpose_lhs_hint = false} : vector<1000x128xf32>, vector<128x64xf32>, vector<1000x64xf32> -> vector<1000x64xf32>
    %add3A_41 = arith.addf %get3A_35, %dot_general3A_40 : vector<1000x64xf32>
    %exp3A = math.exp %add3A_41 : vector<1000x64xf32>
    %get3A_42 = arith.constant 0 : index
    %get3A_43 = arith.constant 0 : index
    %get3A_44 = vector.load %arg7[%get3A_42, %get3A_43] : memref<1000x64xf32, #tpu.memory_space<vmem>>, vector<1000x64xf32>
    %mul3A_45 = arith.mulf %exp3A, %get3A_44 : vector<1000x64xf32>
    %add3A_46 = arith.addf %add3A_32, %mul3A_45 : vector<1000x64xf32>
    %swap3A = arith.constant 0 : index
    %swap3A_47 = arith.constant 0 : index
    %swap3A_48 = vector.load %arg8[%swap3A, %swap3A_47] : memref<1000x64xf32, #tpu.memory_space<vmem>>, vector<1000x64xf32>
    tpu.vector_store %arg8[%swap3A, %swap3A_47], %add3A_46 {strides = array<i32>} : memref<1000x64xf32, #tpu.memory_space<vmem>>, vector<1000x64xf32>,
    return
  }
  func.func @transform_0(%arg0: i32) -> (i32, i32) {
    %c0_i32 = arith.constant 0 : i32
    %c0_i32_0 = arith.constant 0 : i32
    return %arg0, %c0_i32 : i32, i32
  }
  func.func @transform_1(%arg0: i32) -> (i32, i32) {
    %c0_i32 = arith.constant 0 : i32
    %c0_i32_0 = arith.constant 0 : i32
    return %arg0, %c0_i32 : i32, i32
  }
  func.func @transform_2(%arg0: i32) -> (i32, i32, i32) {
    %c0_i32 = arith.constant 0 : i32
    %c0_i32_0 = arith.constant 0 : i32
    %c0_i32_1 = arith.constant 0 : i32
    return %c0_i32, %arg0, %c0_i32_0 : i32, i32, i32
  }
  func.func @transform_3(%arg0: i32) -> (i32, i32, i32) {
    %c0_i32 = arith.constant 0 : i32
    %c0_i32_0 = arith.constant 0 : i32
    %c0_i32_1 = arith.constant 0 : i32
    return %c0_i32, %arg0, %c0_i32_0 : i32, i32, i32
  }
  func.func @transform_4(%arg0: i32) -> (i32, i32) {
    %c0_i32 = arith.constant 0 : i32
    %c0_i32_0 = arith.constant 0 : i32
    %c0_i32_1 = arith.constant 0 : i32
    return %c0_i32, %c0_i32_0 : i32, i32
  }
  func.func @transform_5(%arg0: i32) -> (i32, i32) {
    %c0_i32 = arith.constant 0 : i32
    %c0_i32_0 = arith.constant 0 : i32
    %c0_i32_1 = arith.constant 0 : i32
    return %c0_i32, %c0_i32_0 : i32, i32
  }
  func.func @transform_6(%arg0: i32) -> (i32, i32) {
    %c0_i32 = arith.constant 0 : i32
    %c0_i32_0 = arith.constant 0 : i32
    return %arg0, %c0_i32 : i32, i32
  }
  func.func @transform_7(%arg0: i32) -> (i32, i32) {
    %c0_i32 = arith.constant 0 : i32
    %c0_i32_0 = arith.constant 0 : i32
    return %arg0, %c0_i32 : i32, i32
  }
}

module attributes {stable_mosaic.version = 14 : i64} {
  func.func @_dec_body(%arg0: i32, %arg1: i32, %arg2: memref<512x64xf32, #tpu.memory_space<vmem>>, %arg3: memref<2048x64xf32, #tpu.memory_space<vmem>>, %arg4: memref<512x2048xf32, #tpu.memory_space<vmem>>) attributes {dimension_semantics = [#tpu.dimension_semantics<parallel>, #tpu.dimension_semantics<parallel>], iteration_bounds = array<i64: 20, 5>, scalar_prefetch = 0 : i64, scratch_operands = 0 : i64, tpu.core_type = #tpu.core_type<tc>, window_params = [{transform_indices = @transform_0, window_bounds = array<i64: 512, 64>}, {transform_indices = @transform_1, window_bounds = array<i64: 2048, 64>}, {transform_indices = @transform_2, window_bounds = array<i64: 512, 2048>}]} {
    %get3A = arith.constant 0 : index
    %get3A_0 = arith.constant 0 : index
    %get3A_1 = vector.load %arg2[%get3A, %get3A_0] : memref<512x64xf32, #tpu.memory_space<vmem>>, vector<512x64xf32>
    %get3A_2 = arith.constant 0 : index
    %get3A_3 = arith.constant 0 : index
    %get3A_4 = vector.load %arg3[%get3A_2, %get3A_3] : memref<2048x64xf32, #tpu.memory_space<vmem>>, vector<2048x64xf32>
    %dot_general3A = arith.constant dense<0.000000e+00> : vector<512x2048xf32>
    %dot_general3A_5 = tpu.matmul %get3A_1, %get3A_4, %dot_general3A {dimension_numbers = #tpu.dot_dimension_numbers<[1], [1], [0], [0], [0, 0, 1, 0], [], []>, transpose_lhs_hint = false} : vector<512x64xf32>, vector<2048x64xf32>, vector<512x2048xf32> -> vector<512x2048xf32>
    %logistic3A = arith.negf %dot_general3A_5 : vector<512x2048xf32>
    %logistic3A_6 = math.exp %logistic3A : vector<512x2048xf32>
    %logistic3A_7 = arith.constant 1.000000e+00 : f32
    %logistic3A_8 = vector.broadcast %logistic3A_7 : f32 to vector<512x2048xf32>
    %logistic3A_9 = arith.addf %logistic3A_8, %logistic3A_6 : vector<512x2048xf32>
    %logistic3A_10 = arith.divf %logistic3A_8, %logistic3A_9 : vector<512x2048xf32>
    %swap3A = arith.constant 0 : index
    %swap3A_11 = arith.constant 0 : index
    %swap3A_12 = vector.load %arg4[%swap3A, %swap3A_11] : memref<512x2048xf32, #tpu.memory_space<vmem>>, vector<512x2048xf32>
    tpu.vector_store %arg4[%swap3A, %swap3A_11], %logistic3A_10 {strides = array<i32>} : memref<512x2048xf32, #tpu.memory_space<vmem>>, vector<512x2048xf32>,
    return
  }
  func.func @transform_0(%arg0: i32, %arg1: i32) -> (i32, i32) {
    %c0_i32 = arith.constant 0 : i32
    %c0_i32_0 = arith.constant 0 : i32
    return %arg0, %c0_i32 : i32, i32
  }
  func.func @transform_1(%arg0: i32, %arg1: i32) -> (i32, i32) {
    %c0_i32 = arith.constant 0 : i32
    %c0_i32_0 = arith.constant 0 : i32
    return %arg1, %c0_i32 : i32, i32
  }
  func.func @transform_2(%arg0: i32, %arg1: i32) -> (i32, i32) {
    %c0_i32 = arith.constant 0 : i32
    return %arg0, %arg1 : i32, i32
  }
}

</mosaic_0001>

<sc_bundles>
// kernel: kernel.12.cloned.1.call-start
scs
__scs_entry_jumppad:
0x0: {  	(pc) =	sbr.rel $0x88, $3  }
0x1: {  	(tag) =	ssettag $0x0;
	lr =	simm.s32 $0x1  }
0x2: {  	[smem:$0x3F96] =	sst lr;
	_ =	strace $0xD0000000  }
0x3: {  	_ = 	snop  }
0x4: {  	_ = 	snop  }
0x5: {  	_ = 	snop  }
0x6: {  	_ = 	snop  }
0x7: {  	_ = 	snop  }
__scs_overlays_trampoline_lowered:
0x8: {  	[smem:$0x3FA5] =	sst s0  }
0x9: {  	[smem:$0x3FA6] =	sst s1  }
0xa: {  	[smem:$0x3FA7] =	sst s2  }
0xb: {  	[smem:$0x3FA8] =	sst s3  }
0xc: {  	[smem:$0x3FA9] =	sst s4  }
0xd: {  	[smem:$0x3FAA] =	sst s5  }
0xe: {  	[smem:$0x3FAB] =	sst s6  }
0xf: {  	[smem:$0x3FAC] =	sst s7  }
0x10: {  	[smem:$0x3FAD] =	sst s8  }
0x11: {  	[smem:$0x3FAE] =	sst s9;
	s0 =	simm.s32 @!p0 $0x0  }
0x12: {  	s1 =	sld [smem:$0x3F94];
	s0 =	simm.s32 @p0 $0x1  }
0x13: {  	[smem:$0x3FAF] =	sst s0;
	s0 =	simm.s32 @!p1 $0x0  }
0x14: {  	s2 =	sld [smem:$0x3F93];
	s0 =	simm.s32 @p1 $0x1  }
0x15: {  	[smem:$0x3FB0] =	sst s0;
	s0 =	simm.s32 @!p2 $0x0  }
0x16: {  	s3 =	sld [smem:$0x3FDB];
	s0 =	simm.s32 @p2 $0x1  }
0x17: {  	s4 =	simm.s32 $0x1BF5;
	[smem:$0x3FB2] =	sst s0  }
0x18: {  	s0 =	sld [smem:$0x3F95];
	_ =	swait.ge [sflag:s4], $0x0  }
0x19: {  	s7 =	sld [smem:$0x3F96]  }
0x1a: {  	s8 =	sadd.s32 $0xFFFFE003, lr  }
0x1b: {  	s9 =	sadd.s32 $0xFFFFFEF7, lr;
	s5 =	simm.s32 $0xFFFFFFFF;
	p2 =	slt.u32 s8, $0xFFFFF086  }
0x1c: {  	p1 =	slt.u32 s9, $0xF7A;
	s5 =	simm.s32 @!p2 $0x0  }
0x1d: {  	s5 =	simm.s32 @p1 $0x1;
	p0 =	seq.s32 s7, s2  }
0x1e: {  	s7 =	smul.u32 @!p0 $0xF7A, s2;
	p2 =	seq.s32 @!p0 s5, $0x0  }
0x1f: {  	s9 =	smul.u32 $0xF7A, s1;
	s8 =	simm.s32 @!p0 $0x1BF5;
	p2 =	por !p2, p0  }
0x20: {  	[sflag:s8] =	ssyncset.s32 @!p0 $0xFFFFF086;
	s6 =	sadd.s32 @!p0 s3, s7;
	s7 =	simm.s32 @!p0 $0x108  }
0x21: {  	s3 =	sadd.s32 s3, s9;
	s6 =	sadd.s32 @!p0 $0x88, s6;
	s7 =	simm.s32 @p2 $0x1082  }
0x22: {  	[simem:s7], [sflag:s8] =	dma.local @!p0 [hbm:s6], $0xF7A  }
0x23: {  	s9 =	sor.u32 $0xD0000000, s2;
	s6 =	simm.s32 $0x108;
	_ =	swait.ge @!p0 [sflag:s8], $0x0  }
0x24: {  	s3 =	sadd.s32 $0x88, s3;
	s6 =	simm.s32 @!p1 $0x1082;
	[sflag:s4] =	ssyncset.s32 $0xFFFFF086  }
0x25: {  	[simem:s6], [sflag:s4] =	dma.local [hbm:s3], $0xF7A  }
0x26: {  	[smem:$0x3F96] =	sst s1;
	(tag) =	ssettag s2;
	_ =	strace s9  }
0x27: {  	s1 =	sld [smem:$0x3FA6]  }
0x28: {  	s2 =	sld [smem:$0x3FA7]  }
0x29: {  	s4 =	sld [smem:$0x3FA9]  }
0x2a: {  	p0 =	seq.s32 s5, $0x0;
	s5 =	sld [smem:$0x3FAA]  }
0x2b: {  	s6 =	sld [smem:$0x3FAB]  }
0x2c: {  	s7 =	sld [smem:$0x3FAC]  }
0x2d: {  	s3 =	simm.s32 $0x108;
	s8 =	sld [smem:$0x3FAD]  }
0x2e: {  	s3 =	simm.s32 @!p0 $0x1082;
	s9 =	sld [smem:$0x3FAE]  }
0x2f: {  	lr =	sadd.s32 s0, s3;
	s0 =	sld [smem:$0x3FA5]  }
0x30: {  	s3 =	sld [smem:$0x3FA8]  }
0x31: {  	[smem:$0x3FB1] =	sst s10  }
0x32: {  	s10 =	sld [smem:$0x3FAF];
	_ =	sdelay $0x3  }
0x33: {  	p0 =	seq.s32 s10, $0x1;
	s10 =	sld [smem:$0x3FB1];
	_ =	sdelay $0x3  }
0x34: {  	[smem:$0x3FB1] =	sst s10  }
0x35: {  	s10 =	sld [smem:$0x3FB0];
	_ =	sdelay $0x3  }
0x36: {  	p1 =	seq.s32 s10, $0x1;
	s10 =	sld [smem:$0x3FB1];
	_ =	sdelay $0x3  }
0x37: {  	[smem:$0x3FB1] =	sst s10  }
0x38: {  	s10 =	sld [smem:$0x3FB2]  }
0x39: {  	_ = 	snop;
	(pc) =	sbr.ind lr, $3  }
0x3a: {  	_ = 	snop  }
0x3b: {  	_ = 	snop  }
0x3c: {  	p2 =	seq.s32 s10, $0x1;
	s10 =	sld [smem:$0x3FB1]  }
0x3d: {  	_ =	shalt  }
0x3e: {  	_ =	shalt  }
0x3f: {  	_ =	shalt  }
0x40: {  	_ =	shalt  }
0x41: {  	_ =	shalt  }
0x42: {  	_ =	shalt  }
0x43: {  	_ =	shalt  }
0x44: {  	_ =	shalt  }
0x45: {  	_ =	shalt  }
0x46: {  	_ =	shalt  }
0x47: {  	_ =	shalt  }
0x48: {  	_ =	shalt  }
0x49: {  	_ =	shalt  }
0x4a: {  	_ =	shalt  }
0x4b: {  	_ =	shalt  }
0x4c: {  	_ =	shalt  }
0x4d: {  	_ =	shalt  }
0x4e: {  	_ =	shalt  }
0x4f: {  	_ =	shalt  }
0x50: {  	_ =	shalt  }
0x51: {  	_ =	shalt  }
0x52: {  	_ =	shalt  }
0x53: {  	_ =	shalt  }
0x54: {  	_ =	shalt  }
0x55: {  	_ =	shalt  }
0x56: {  	_ =	shalt  }
0x57: {  	_ =	shalt  }
0x58: {  	_ =	shalt  }
0x59: {  	_ =	shalt  }
0x5a: {  	_ =	shalt  }
0x5b: {  	_ =	shalt  }
0x5c: {  	_ =	shalt  }
0x5d: {  	_ =	shalt  }
0x5e: {  	_ =	shalt  }
0x5f: {  	_ =	shalt  }
0x60: {  	_ =	shalt  }
0x61: {  	_ =	shalt  }
0x62: {  	_ =	shalt  }
0x63: {  	_ =	shalt  }
0x64: {  	_ =	shalt  }
0x65: {  	_ =	shalt  }
0x66: {  	_ =	shalt  }
0x67: {  	_ =	shalt  }
0x68: {  	_ =	shalt  }
0x69: {  	_ =	shalt  }
0x6a: {  	_ =	shalt  }
0x6b: {  	_ =	shalt  }
0x6c: {  	_ =	shalt  }
0x6d: {  	_ =	shalt  }
0x6e: {  	_ =	shalt  }
0x6f: {  	_ =	shalt  }
0x70: {  	_ =	shalt  }
0x71: {  	_ =	shalt  }
0x72: {  	_ =	shalt  }
0x73: {  	_ =	shalt  }
0x74: {  	_ =	shalt  }
0x75: {  	_ =	shalt  }
0x76: {  	_ =	shalt  }
0x77: {  	_ =	shalt  }
0x78: {  	_ =	shalt  }
0x79: {  	_ =	shalt  }
0x7a: {  	_ =	shalt  }
0x7b: {  	_ =	shalt  }
0x7c: {  	_ =	shalt  }
0x7d: {  	_ =	shalt  }
0x7e: {  	_ =	shalt  }
0x7f: {  	_ =	shalt  }
0x80: {  	_ =	shalt  }
0x81: {  	_ =	shalt  }
0x82: {  	_ =	shalt  }
0x83: {  	_ =	shalt  }
0x84: {  	_ =	shalt  }
0x85: {  	_ =	shalt  }
0x86: {  	_ =	shalt  }
0x87: {  	_ =	shalt  }
.Lfunc_end0:
.L_simem_size_0:
called_computation.1_lowered:
.L_overlay_start_0:
0x88: {  	s2 =	sld [smem:$0x3FD9]  }
0x89: {  	s3 =	sld [smem:$0x3FFE];
	_ =	sdelay $0x1  }
0x8a: {  	s1 =	srdreg.scid  }
0x8b: {  	s0 =	sand.u32 $0x1, s1  }
0x8c: {  	s17 =	sshll.u32 s0, $0xA;
	s2 =	sadd.s32 s3, s2  }
0x8d: {  	s2 =	sadd.s32 s2, s17  }
0x8e: {  	[smem:$0x3FBD] =	sst s2  }
0x8f: {  	_ = 	snop  }
0x90: {  	(tm) =	ssettm $0x1  }
0x91: {  	s18 =	sld [smem:$0x3FFB];
	_ =	sdelay $0x3  }
0x92: {  	_ =	strace s18  }
0x93: {  	s2 =	sld [smem:$0x3FFC];
	_ =	sdelay $0x3  }
0x94: {  	_ =	strace s2  }
0x95: {  	s2 =	sld [smem:$0x3FFD];
	_ =	sdelay $0x3  }
0x96: {  	_ =	strace s2  }
0x97: {  	_ =	strace $0x8FFFFFFF  }
0x98: {  	s19 =	sld [smem:$0x3FDB];
	_ =	sdelay $0x1  }
0x99: {  	s20 =	simm.s32 $_scs_section_size  }
0x9a: {  	s4 =	simm.s32 $_size__tile_overlayer_lowered;
	s5 =	simm.s32 $_tile_overlayer_lowered  }
0x9b: {  	s6 =	simm.s32 $0x1BFF;
	s21 =	sshll.u32 s5, $0x1;
	s3 =	sadd.s32 s20, s19  }
0x9c: {  	s22 =	simm.s32 $0x0;
	s4 =	sshll.u32 s4, $0x1;
	s5 =	sadd.s32 s21, s3  }
0x9d: {  	[timem:s22], [sflag:s6] =	dma.local [hbm:s5], s4  }
0x9e: {  	_ =	swait.ge [sflag:s6], s4  }
0x9f: {  	s4 =	ssub.s32 $0x0, s4;
	[sflag:s6] =	ssyncset.done $0x0  }
0xa0: {  	[sflag:s6] =	ssyncadd.s32 s4;
	_ =	sdelay $0x1  }
0xa1: {  	s23 =	simm.s32 $0x1B8B  }
0xa2: {  	_ =	swait.ge [sflag:s23], $0x1  }
0xa3: {  	[sflag:s23] =	ssyncset.done $0x0  }
0xa4: {  	[sflag:s23] =	ssyncadd.s32 $0xFFFFFFFF  }
0xa5: {  	s4 =	sld [smem:$0x0]  }
0xa6: {  	s5 =	sand.u32 $0xFFFFFFFE, s1  }
0xa7: {  	p0 =	sne.s32 s1, s5  }
0xa8: {  	s5 =	sshll.u32 @p0 s5, $0xE  }
0xa9: {  	s5 =	sadd.s32 @p0 $0x11B8D, s5;
	s6 =	sshll.u32 @p0 s4, $0x11  }
0xaa: {  	s5 =	sor.u32 @p0 s6, s5  }
0xab: {  	[sflag:s5] =	ssyncadd.remote.s32 @p0 $0x1;
	_ =	sdelay $0x1  }
0xac: {  	s5 =	simm.s32 @p0 $0x1B8D  }
0xad: {  	_ =	swait.eq @p0 [sflag:s5], $0x1  }
0xae: {  	[sflag:s5] =	ssyncadd.s32 @p0 $0xFFFFFFFF  }
0xaf: {  	s6 =	sshll.u32 @!p0 s1, $0xE  }
0xb0: {  	s6 =	sor.u32 @!p0 $0x4000, s6;
	s5 =	simm.s32 @!p0 $0x1B8D  }
0xb1: {  	s4 =	sshll.u32 @!p0 s4, $0x11;
	s6 =	sadd.s32 @!p0 $0x11B8D, s6;
	_ =	swait.eq @!p0 [sflag:s5], $0x1  }
0xb2: {  	s4 =	sor.u32 @!p0 s4, s6;
	[sflag:s5] =	ssyncadd.s32 @!p0 $0xFFFFFFFF  }
0xb3: {  	s25 =	simm.s32 $0x1B8E;
	s24 =	sld [smem:$0x3FFE];
	[sflag:s4] =	ssyncadd.remote.s32 @!p0 $0x1  }
0xb4: {  	s26 =	simm.s32 $execute0_lowered;
	[smem:$0x3FD2] =	sst s25  }
0xb5: {  	s5 =	sshll.u32 s26, $0x1;
	_ =	strace $0x80000049;
	[dreg:$0x1] =	wrdreg $0xFFFFFFFF  }
0xb6: {  	s28 =	simm.s32 $_size_execute0_lowered;
	s3 =	sadd.s32 s3, s5;
	[dreg:$0x0] =	wrdreg $0x0  }
0xb7: {  	s5 =	sshll.u32 s28, $0x1;
	[dreg:$0x2] =	wrdreg s3  }
0xb8: {  	[dreg:$0x3] =	wrdreg s5  }
0xb9: {  	[dreg:$0x4] =	wrdreg $0xC0  }
0xba: {  	_ =	task [dreg:s22], $0x5FFFF  }
0xbb: {  	[dreg:$0x1] =	wrdreg $0xFFFFFFFF  }
0xbc: {  	[dreg:$0x0] =	wrdreg $0x60  }
0xbd: {  	[dreg:$0x2] =	wrdreg s24  }
0xbe: {  	[dreg:$0x3] =	wrdreg $0x44000  }
0xbf: {  	[dreg:$0x4] =	wrdreg $0xA  }
0xc0: {  	_ =	task.clear_ibuf [dreg:s22], $0x5FFFF;
	_ =	strace $0x90000049  }
0xc1: {  	s29 =	simm.s32 $0xA;
	_ =	strace $0x8000004B  }
0xc2: {  	_ =	swait.ge [sflag:s29], $0x1  }
0xc3: {  	[sflag:s29] =	ssyncadd.s32 $0xFFFFFFFF  }
0xc4: {  	_ =	strace $0x9000004B  }
0xc5: {  	_ =	sfence  }
0xc6: {  	s30 =	sld [smem:$0x0];
	_ =	sdelay $0x2  }
0xc7: {  	s31 =	sshll.u32 s1, $0xD;
	s1 =	sshrl.u32 s1, $0x2  }
0xc8: {  	s4 =	sand.u32 $0x4000, s31;
	s1 =	sadd.s32 s1, s30  }
0xc9: {  	s0 =	sor.u32 s4, s0;
	s1 =	sshll.u32 s1, $0x11  }
0xca: {  	s0 =	sor.u32 s1, s0  }
0xcb: {  	s0 =	sadd.s32 $0x8F2B, s0  }
0xcc: {  	[sflag:s0] =	ssyncadd.remote.s32 $0x1  }
0xcd: {  	_ =	sfence.sel $0xFFFF  }
0xce: {  	[dreg:$0x0] =	wrdreg $0xFFFFFFFF;
	(pc) =	sbr.abs _section_cstart, $3  }
0xcf: {  	[dreg:$0x1] =	wrdreg $0xFFFFFFFF  }
0xd0: {  	_ =	task.clear_ibuf [dreg:s22], $0x2FFFF;
	_ =	strace $0x9FFFFFFF  }
0xd1: {  	(tm) =	ssettm $0x7FFFFFFF  }
tec
execute0_lowered:
.L_overlay_start_1:
0x0: {  	(tag) =	ssettag $0x1  }
0x1: {  	s6 =	rddreg [dreg:$0x0];
	s0 =	stileid.u32  }
0x2: {  	s1 =	srdreg.scid;
	s2 =	rddreg [dreg:$0x1];
	s3 =	simm.s32 $0x0  }
0x3: {  	s16 =	simm.s32 $0x400;
	s17 =	simm.s32 $0x80;
	s18 =	simm.s32 $0x100  }
0x4: {  	s19 =	simm.s32 $0x180;
	s20 =	simm.s32 $0x200;
	s21 =	simm.s32 $0x280  }
0x5: {  	s22 =	simm.s32 $0x300;
	s23 =	simm.s32 $0x380;
	s4 =	smul.u32 $0xA00, s0  }
0x6: {  	s7 =	sand.u32 $0x1, s1;
	s1 =	rddreg [dreg:$0x2];
	s8 =	smul.u32 $0x14000, s0  }
0x7: {  	s24 =	simm.s32 $0x0;
	[smem:$0x7FF] =	sst s3;
	s11 =	smul.u32 $0x50000, s0  }
0x8: {  	s30 =	sshll.u32 s0, $0x6;
	s5 =	smul.u32 $0x140000, s7;
	_ =	strace $0x8000004A  }
0x9: {  	s10 =	ssub.s32 $0x2, s7;
	s7 =	smul.u32 $0x500, s7;
	s9 =	sadd.s32 s4, s6  }
0xa: {  	s4 =	sadd.s32 $0x3DC00, s6;
	s12 =	sshrl.u32 s10, $0x1;
	s29 =	sshrl.u32 s11, $0x2  }
0xb: {  	s8 =	sadd.s32 s8, s5;
	s5 =	sadd.s32 $0x33400, s6;
	s10 =	ssub.s32 s10, s12  }
0xc: {  	s11 =	sadd.s32 s29, s2;
	s9 =	sadd.s32 s7, s9;
	s8 =	sshrl.u32 s8, $0x3  }
0xd: {  	s31 =	sadd.s32 $0x4000, s11;
	s13 =	sadd.s32 $0x8000, s11;
	s14 =	sadd.s32 $0xC000, s11  }
0xe: {  	s15 =	sadd.s32 $0x10000, s11;
	s9 =	sadd.s32 $0x33C00, s9;
	s8 =	sadd.s32 s8, s6  }
0xf: {  	s6 =	sor.u32 $0x1C01, s30;
	s12 =	sshrl.u32 s31, $0x3;
	s13 =	sshrl.u32 s13, $0x3  }
0x10: {  	s14 =	sshrl.u32 s14, $0x3;
	s15 =	sshrl.u32 s15, $0x3;
	s7 =	sadd.s32 $0x3E400, s8  }
0x11: {  	s8 =	smax.u32 s10, $0x1;
	s10 =	sshrl.u32 s11, $0x3;
	s11 =	simm.s32 $0x1  }
.LBB2_1:
0x12: {  	[spmem:s10], [sflag:s6] =	dma.local [hbm:s5], $0x800  }
0x13: {  	_ =	swait.ge [sflag:s11], $0x800  }
0x14: {  	[sflag:s11] =	ssyncset.done $0x0  }
0x15: {  	[sflag:s11] =	ssyncadd.s32 $0xFFFFF800  }
0x16: {  	[spmem:s12], [sflag:s6] =	dma.local [hbm:s5], $0x800  }
0x17: {  	_ =	swait.ge [sflag:s11], $0x800  }
0x18: {  	[sflag:s11] =	ssyncset.done $0x0  }
0x19: {  	[sflag:s11] =	ssyncadd.s32 $0xFFFFF800  }
0x1a: {  	[spmem:s13], [sflag:s6] =	dma.local [hbm:s5], $0x800  }
0x1b: {  	_ =	swait.ge [sflag:s11], $0x800  }
0x1c: {  	[sflag:s11] =	ssyncset.done $0x0  }
0x1d: {  	[sflag:s11] =	ssyncadd.s32 $0xFFFFF800  }
0x1e: {  	[spmem:s14], [sflag:s6] =	dma.local [hbm:s5], $0x800  }
0x1f: {  	_ =	swait.ge [sflag:s11], $0x800  }
0x20: {  	[sflag:s11] =	ssyncset.done $0x0  }
0x21: {  	[sflag:s11] =	ssyncadd.s32 $0xFFFFF800  }
0x22: {  	[spmem:s15], [sflag:s6] =	dma.local [hbm:s5], $0x800  }
0x23: {  	_ =	swait.ge [sflag:s11], $0x800  }
0x24: {  	[sflag:s11] =	ssyncset.done $0x0  }
0x25: {  	[sflag:s11] =	ssyncadd.s32 $0xFFFFF800  }
0x26: {  	[tilespmem:s16], [sflag:$0x1] =	stream.linear.gather [hbm4b:s4+s3], $0x4000, $0x38;
	[tilespmem:$0x18400] =	vst v63  }
0x27: {  	_ =	swait.ge [sflag:s11], $0x4000  }
0x28: {  	[sflag:s11] =	ssyncset.done $0x0  }
0x29: {  	[sflag:s11] =	ssyncadd.s32 $0xFFFFC000  }
0x2a: {  	s25 =	sadd.s32 $0x0, s9;
	[bflag:$0x0] =	sbarrier.arrive $0xFFFF  }
0x2b: {  	[tilespmem:s3], [sflag:$0x1] =	stream.linear.gather [hbm4b:s25+s3], $0x400, $0x38;
	[tilespmem:$0x18400] =	vst v63  }
0x2c: {  	_ =	swait.ge [sflag:s11], $0x400  }
0x2d: {  	[sflag:s11] =	ssyncset.done $0x0  }
0x2e: {  	[sflag:s11] =	ssyncadd.s32 $0xFFFFFC00  }
0x2f: {  	[spmem:s2] =	stream.indirect.scatter.add.f32 [tilespmem:s16], [sflag:$0x1], $0x80, s3, s17, $0xb8;
	[tilespmem:$0x18400] =	vst v63  }
0x30: {  	_ =	swait.ge [sflag:s11], $0x4000  }
0x31: {  	[sflag:s11] =	ssyncset.done $0x0  }
0x32: {  	[sflag:s11] =	ssyncadd.s32 $0xFFFFC000  }
0x33: {  	[spmem:s2] =	stream.indirect.scatter.add.f32 [tilespmem:s16], [sflag:$0x1], $0x80, s17, s17, $0xb8;
	[tilespmem:$0x18400] =	vst v63  }
0x34: {  	_ =	swait.ge [sflag:s11], $0x4000  }
0x35: {  	[sflag:s11] =	ssyncset.done $0x0  }
0x36: {  	[sflag:s11] =	ssyncadd.s32 $0xFFFFC000  }
0x37: {  	[spmem:s2] =	stream.indirect.scatter.add.f32 [tilespmem:s16], [sflag:$0x1], $0x80, s18, s17, $0xb8;
	[tilespmem:$0x18400] =	vst v63  }
0x38: {  	_ =	swait.ge [sflag:s11], $0x4000  }
0x39: {  	[sflag:s11] =	ssyncset.done $0x0  }
0x3a: {  	[sflag:s11] =	ssyncadd.s32 $0xFFFFC000  }
0x3b: {  	[spmem:s2] =	stream.indirect.scatter.add.f32 [tilespmem:s16], [sflag:$0x1], $0x80, s19, s17, $0xb8;
	[tilespmem:$0x18400] =	vst v63  }
0x3c: {  	_ =	swait.ge [sflag:s11], $0x4000  }
0x3d: {  	[sflag:s11] =	ssyncset.done $0x0  }
0x3e: {  	[sflag:s11] =	ssyncadd.s32 $0xFFFFC000  }
0x3f: {  	[spmem:s2] =	stream.indirect.scatter.add.f32 [tilespmem:s16], [sflag:$0x1], $0x80, s20, s17, $0xb8;
	[tilespmem:$0x18400] =	vst v63  }
0x40: {  	_ =	swait.ge [sflag:s11], $0x4000  }
0x41: {  	[sflag:s11] =	ssyncset.done $0x0  }
0x42: {  	[sflag:s11] =	ssyncadd.s32 $0xFFFFC000  }
0x43: {  	[spmem:s2] =	stream.indirect.scatter.add.f32 [tilespmem:s16], [sflag:$0x1], $0x80, s21, s17, $0xb8;
	[tilespmem:$0x18400] =	vst v63  }
0x44: {  	_ =	swait.ge [sflag:s11], $0x4000  }
0x45: {  	[sflag:s11] =	ssyncset.done $0x0  }
0x46: {  	[sflag:s11] =	ssyncadd.s32 $0xFFFFC000  }
0x47: {  	[spmem:s2] =	stream.indirect.scatter.add.f32 [tilespmem:s16], [sflag:$0x1], $0x80, s22, s17, $0xb8;
	[tilespmem:$0x18400] =	vst v63  }
0x48: {  	_ =	swait.ge [sflag:s11], $0x4000  }
0x49: {  	[sflag:s11] =	ssyncset.done $0x0  }
0x4a: {  	[sflag:s11] =	ssyncadd.s32 $0xFFFFC000  }
0x4b: {  	[spmem:s2] =	stream.indirect.scatter.add.f32 [tilespmem:s16], [sflag:$0x1], $0x80, s23, s17, $0xb8;
	[tilespmem:$0x18400] =	vst v63  }
0x4c: {  	_ =	swait.ge [sflag:s11], $0x4000  }
0x4d: {  	s28 =	simm.s32 $0x100;
	s25 =	simm.s32 $0x80;
	[sflag:s11] =	ssyncset.done $0x0  }
.LBB2_2:
0x4e: {  	s29 =	sadd.s32 s25, s9  }
0x4f: {  	[sflag:s11] =	ssyncadd.s32 $0xFFFFC000;
	s25 =	smov.u32 s28;
	s26 =	sadd.s32 $0x80, s28  }
0x50: {  	[tilespmem:s3], [sflag:$0x1] =	stream.linear.gather [hbm4b:s29+s3], $0x400, $0x38;
	[tilespmem:$0x18400] =	vst v63  }
0x51: {  	p0 =	sne.s32 s28, $0x480;
	_ =	swait.ge [sflag:s11], $0x400  }
0x52: {  	[sflag:s11] =	ssyncset.done $0x0  }
0x53: {  	[sflag:s11] =	ssyncadd.s32 $0xFFFFFC00  }
0x54: {  	[spmem:s2] =	stream.indirect.scatter.add.f32 [tilespmem:s16], [sflag:$0x1], $0x80, s3, s17, $0xb8;
	[tilespmem:$0x18400] =	vst v63  }
0x55: {  	_ =	swait.ge [sflag:s11], $0x4000  }
0x56: {  	[sflag:s11] =	ssyncset.done $0x0  }
0x57: {  	[sflag:s11] =	ssyncadd.s32 $0xFFFFC000  }
0x58: {  	[spmem:s2] =	stream.indirect.scatter.add.f32 [tilespmem:s16], [sflag:$0x1], $0x80, s17, s17, $0xb8;
	[tilespmem:$0x18400] =	vst v63  }
0x59: {  	_ =	swait.ge [sflag:s11], $0x4000  }
0x5a: {  	[sflag:s11] =	ssyncset.done $0x0  }
0x5b: {  	[sflag:s11] =	ssyncadd.s32 $0xFFFFC000  }
0x5c: {  	[spmem:s2] =	stream.indirect.scatter.add.f32 [tilespmem:s16], [sflag:$0x1], $0x80, s18, s17, $0xb8;
	[tilespmem:$0x18400] =	vst v63  }
0x5d: {  	_ =	swait.ge [sflag:s11], $0x4000  }
0x5e: {  	[sflag:s11] =	ssyncset.done $0x0  }
0x5f: {  	[sflag:s11] =	ssyncadd.s32 $0xFFFFC000  }
0x60: {  	[spmem:s2] =	stream.indirect.scatter.add.f32 [tilespmem:s16], [sflag:$0x1], $0x80, s19, s17, $0xb8;
	[tilespmem:$0x18400] =	vst v63  }
0x61: {  	_ =	swait.ge [sflag:s11], $0x4000  }
0x62: {  	[sflag:s11] =	ssyncset.done $0x0  }
0x63: {  	[sflag:s11] =	ssyncadd.s32 $0xFFFFC000  }
0x64: {  	[spmem:s2] =	stream.indirect.scatter.add.f32 [tilespmem:s16], [sflag:$0x1], $0x80, s20, s17, $0xb8;
	[tilespmem:$0x18400] =	vst v63  }
0x65: {  	_ =	swait.ge [sflag:s11], $0x4000  }
0x66: {  	[sflag:s11] =	ssyncset.done $0x0  }
0x67: {  	[sflag:s11] =	ssyncadd.s32 $0xFFFFC000  }
0x68: {  	[spmem:s2] =	stream.indirect.scatter.add.f32 [tilespmem:s16], [sflag:$0x1], $0x80, s21, s17, $0xb8;
	[tilespmem:$0x18400] =	vst v63  }
0x69: {  	_ =	swait.ge [sflag:s11], $0x4000  }
0x6a: {  	[sflag:s11] =	ssyncset.done $0x0  }
0x6b: {  	[sflag:s11] =	ssyncadd.s32 $0xFFFFC000  }
0x6c: {  	[spmem:s2] =	stream.indirect.scatter.add.f32 [tilespmem:s16], [sflag:$0x1], $0x80, s22, s17, $0xb8;
	[tilespmem:$0x18400] =	vst v63  }
0x6d: {  	_ =	swait.ge [sflag:s11], $0x4000  }
.Ltmp0:
0x6e: {  	[sflag:s11] =	ssyncset.done $0x0;
	(pc) =	sbr.rel @p0 .LBB2_2-.Ltmp0, $4  }
0x6f: {  	[sflag:s11] =	ssyncadd.s32 $0xFFFFC000  }
0x70: {  	[spmem:s2] =	stream.indirect.scatter.add.f32 [tilespmem:s16], [sflag:$0x1], $0x80, s23, s17, $0xb8;
	[tilespmem:$0x18400] =	vst v63  }
0x71: {  	_ =	swait.ge [sflag:s11], $0x4000  }
0x72: {  	s28 =	smov.u32 s26;
	[sflag:s11] =	ssyncset.done $0x0  }
0x73: {  	s25 =	sadd.s32 s25, s9;
	[sflag:s11] =	ssyncadd.s32 $0xFFFFC000  }
0x74: {  	[tilespmem:s3], [sflag:$0x1] =	stream.linear.gather [hbm4b:s25+s3], $0x400, $0x38;
	[tilespmem:$0x18400] =	vst v63  }
0x75: {  	_ =	swait.ge [sflag:s11], $0x400  }
0x76: {  	[sflag:s11] =	ssyncset.done $0x0  }
0x77: {  	[sflag:s11] =	ssyncadd.s32 $0xFFFFFC00  }
0x78: {  	[spmem:s2] =	stream.indirect.scatter.add.f32 [tilespmem:s16], [sflag:$0x1], $0x80, s3, s17, $0xb8;
	[tilespmem:$0x18400] =	vst v63  }
0x79: {  	_ =	swait.ge [sflag:s11], $0x4000  }
0x7a: {  	[sflag:s11] =	ssyncset.done $0x0  }
0x7b: {  	[sflag:s11] =	ssyncadd.s32 $0xFFFFC000  }
0x7c: {  	[spmem:s2] =	stream.indirect.scatter.add.f32 [tilespmem:s16], [sflag:$0x1], $0x80, s17, s17, $0xb8;
	[tilespmem:$0x18400] =	vst v63  }
0x7d: {  	_ =	swait.ge [sflag:s11], $0x4000  }
0x7e: {  	[sflag:s11] =	ssyncset.done $0x0  }
0x7f: {  	[sflag:s11] =	ssyncadd.s32 $0xFFFFC000  }
0x80: {  	[spmem:s2] =	stream.indirect.scatter.add.f32 [tilespmem:s16], [sflag:$0x1], $0x80, s18, s17, $0xb8;
	[tilespmem:$0x18400] =	vst v63  }
0x81: {  	_ =	swait.ge [sflag:s11], $0x4000  }
0x82: {  	[sflag:s11] =	ssyncset.done $0x0  }
0x83: {  	[sflag:s11] =	ssyncadd.s32 $0xFFFFC000  }
0x84: {  	[spmem:s2] =	stream.indirect.scatter.add.f32 [tilespmem:s16], [sflag:$0x1], $0x80, s19, s17, $0xb8;
	[tilespmem:$0x18400] =	vst v63  }
0x85: {  	_ =	swait.ge [sflag:s11], $0x4000  }
0x86: {  	[sflag:s11] =	ssyncset.done $0x0  }
0x87: {  	[sflag:s11] =	ssyncadd.s32 $0xFFFFC000  }
0x88: {  	[spmem:s2] =	stream.indirect.scatter.add.f32 [tilespmem:s16], [sflag:$0x1], $0x80, s20, s17, $0xb8;
	[tilespmem:$0x18400] =	vst v63  }
0x89: {  	_ =	swait.ge [sflag:s11], $0x4000  }
0x8a: {  	[sflag:s11] =	ssyncset.done $0x0  }
0x8b: {  	[sflag:s11] =	ssyncadd.s32 $0xFFFFC000  }
0x8c: {  	[spmem:s2] =	stream.indirect.scatter.add.f32 [tilespmem:s16], [sflag:$0x1], $0x80, s21, s17, $0xb8;
	[tilespmem:$0x18400] =	vst v63  }
0x8d: {  	_ =	swait.ge [sflag:s11], $0x4000  }
0x8e: {  	[sflag:s11] =	ssyncset.done $0x0  }
0x8f: {  	[sflag:s11] =	ssyncadd.s32 $0xFFFFC000  }
0x90: {  	[spmem:s2] =	stream.indirect.scatter.add.f32 [tilespmem:s16], [sflag:$0x1], $0x80, s22, s17, $0xb8;
	[tilespmem:$0x18400] =	vst v63  }
0x91: {  	_ =	swait.ge [sflag:s11], $0x4000  }
0x92: {  	[sflag:s11] =	ssyncset.done $0x0  }
0x93: {  	[sflag:s11] =	ssyncadd.s32 $0xFFFFC000  }
0x94: {  	[spmem:s2] =	stream.indirect.scatter.add.f32 [tilespmem:s16], [sflag:$0x1], $0x80, s23, s17, $0xb8;
	[tilespmem:$0x18400] =	vst v63  }
0x95: {  	_ =	swait.ge [sflag:s11], $0x4000  }
0x96: {  	s24 =	sadd.s32 $0x1, s24;
	[sflag:s11] =	ssyncset.done $0x0  }
0x97: {  	p0 =	sne.s32 s24, s8;
	[sflag:s11] =	ssyncadd.s32 $0xFFFFC000  }
.Ltmp1:
0x98: {  	[bflag:$0x0] =	sbarrier.arrive $0xFFFF;
	(pc) =	sbr.rel @p0 .LBB2_1-.Ltmp1, $4  }
0x99: {  	[hbm:s7], [sflag:s6] =	dma.local [spmem:s10], $0x2800  }
0x9a: {  	_ =	swait.ge [sflag:s11], $0x2800  }
0x9b: {  	[sflag:s11] =	ssyncset.done $0x0  }
0x9c: {  	[sflag:s11] =	ssyncadd.s32 $0xFFFFD800  }
0x9d: {  	_ =	sfence.sel $0x180000  }
0x9e: {  	[bflag:$0x0] =	sbarrier.arrive $0xFFFF  }
0x9f: {  	p0 =	sne.s32 s0, $0x0;
	_ =	strace $0x9000004A  }
0xa0: {  	s0 =	sadd.s32 @!p0 $0x100000, s1;
	[bflag:$0x2] =	sbarrier.arrive $0xFFFF  }
0xa1: {  	[sflag:s0] =	ssyncadd.tile.s32 @!p0 $0x1;
	_ =	shalt  }
.Lfunc_end2:
_tile_overlayer_lowered:
.L_overlay_start_2:
0xa2: {  	(tag) =	ssettag $0x2  }
0xa3: {  	s0 =	rddreg [dreg:$0x0];
	s2 =	stileid.u32  }
0xa4: {  	s1 =	rddreg [dreg:$0x1];
	p0 =	sne.s32 s2, $0x0  }
0xa5: {  	s3 =	rddreg [dreg:$0x2];
	[bflag:$0x3] =	sbarrier.arrive $0xFFFF;
	s2 =	simm.s32 @!p0 $0x1C01  }
0xa6: {  	[timem:s3], [sflag:s2] =	dma.local @!p0 [hbm:s0], s1  }
0xa7: {  	s0 =	simm.s32 @!p0 $0x1  }
0xa8: {  	_ =	swait.ge @!p0 [sflag:s0], s1  }
0xa9: {  	s1 =	ssub.s32 @!p0 $0x0, s1;
	[sflag:s0] =	ssyncset.done @!p0 $0x0  }
0xaa: {  	[sflag:s0] =	ssyncadd.s32 @!p0 s1  }
0xab: {  	[bflag:$0x3] =	sbarrier.arrive $0xFFFF  }
0xac: {  	_ =	shalt  }

// kernel: kernel.15.cloned.1.call-start
scs
__scs_entry_jumppad:
0x0: {  	(pc) =	sbr.rel $0x88, $3  }
0x1: {  	(tag) =	ssettag $0x0;
	lr =	simm.s32 $0x1  }
0x2: {  	[smem:$0x3F96] =	sst lr;
	_ =	strace $0xD0000000  }
0x3: {  	_ = 	snop  }
0x4: {  	_ = 	snop  }
0x5: {  	_ = 	snop  }
0x6: {  	_ = 	snop  }
0x7: {  	_ = 	snop  }
__scs_overlays_trampoline_lowered:
0x8: {  	[smem:$0x3FA5] =	sst s0  }
0x9: {  	[smem:$0x3FA6] =	sst s1  }
0xa: {  	[smem:$0x3FA7] =	sst s2  }
0xb: {  	[smem:$0x3FA8] =	sst s3  }
0xc: {  	[smem:$0x3FA9] =	sst s4  }
0xd: {  	[smem:$0x3FAA] =	sst s5  }
0xe: {  	[smem:$0x3FAB] =	sst s6  }
0xf: {  	[smem:$0x3FAC] =	sst s7  }
0x10: {  	[smem:$0x3FAD] =	sst s8  }
0x11: {  	[smem:$0x3FAE] =	sst s9;
	s0 =	simm.s32 @!p0 $0x0  }
0x12: {  	s1 =	sld [smem:$0x3F94];
	s0 =	simm.s32 @p0 $0x1  }
0x13: {  	[smem:$0x3FAF] =	sst s0;
	s0 =	simm.s32 @!p1 $0x0  }
0x14: {  	s2 =	sld [smem:$0x3F93];
	s0 =	simm.s32 @p1 $0x1  }
0x15: {  	[smem:$0x3FB0] =	sst s0;
	s0 =	simm.s32 @!p2 $0x0  }
0x16: {  	s3 =	sld [smem:$0x3FDB];
	s0 =	simm.s32 @p2 $0x1  }
0x17: {  	s4 =	simm.s32 $0x1BF5;
	[smem:$0x3FB2] =	sst s0  }
0x18: {  	s0 =	sld [smem:$0x3F95];
	_ =	swait.ge [sflag:s4], $0x0  }
0x19: {  	s7 =	sld [smem:$0x3F96]  }
0x1a: {  	s8 =	sadd.s32 $0xFFFFE003, lr  }
0x1b: {  	s9 =	sadd.s32 $0xFFFFFEF7, lr;
	s5 =	simm.s32 $0xFFFFFFFF;
	p2 =	slt.u32 s8, $0xFFFFF086  }
0x1c: {  	p1 =	slt.u32 s9, $0xF7A;
	s5 =	simm.s32 @!p2 $0x0  }
0x1d: {  	s5 =	simm.s32 @p1 $0x1;
	p0 =	seq.s32 s7, s2  }
0x1e: {  	s7 =	smul.u32 @!p0 $0xF7A, s2;
	p2 =	seq.s32 @!p0 s5, $0x0  }
0x1f: {  	s9 =	smul.u32 $0xF7A, s1;
	s8 =	simm.s32 @!p0 $0x1BF5;
	p2 =	por !p2, p0  }
0x20: {  	[sflag:s8] =	ssyncset.s32 @!p0 $0xFFFFF086;
	s6 =	sadd.s32 @!p0 s3, s7;
	s7 =	simm.s32 @!p0 $0x108  }
0x21: {  	s3 =	sadd.s32 s3, s9;
	s6 =	sadd.s32 @!p0 $0x88, s6;
	s7 =	simm.s32 @p2 $0x1082  }
0x22: {  	[simem:s7], [sflag:s8] =	dma.local @!p0 [hbm:s6], $0xF7A  }
0x23: {  	s9 =	sor.u32 $0xD0000000, s2;
	s6 =	simm.s32 $0x108;
	_ =	swait.ge @!p0 [sflag:s8], $0x0  }
0x24: {  	s3 =	sadd.s32 $0x88, s3;
	s6 =	simm.s32 @!p1 $0x1082;
	[sflag:s4] =	ssyncset.s32 $0xFFFFF086  }
0x25: {  	[simem:s6], [sflag:s4] =	dma.local [hbm:s3], $0xF7A  }
0x26: {  	[smem:$0x3F96] =	sst s1;
	(tag) =	ssettag s2;
	_ =	strace s9  }
0x27: {  	s1 =	sld [smem:$0x3FA6]  }
0x28: {  	s2 =	sld [smem:$0x3FA7]  }
0x29: {  	s4 =	sld [smem:$0x3FA9]  }
0x2a: {  	p0 =	seq.s32 s5, $0x0;
	s5 =	sld [smem:$0x3FAA]  }
0x2b: {  	s6 =	sld [smem:$0x3FAB]  }
0x2c: {  	s7 =	sld [smem:$0x3FAC]  }
0x2d: {  	s3 =	simm.s32 $0x108;
	s8 =	sld [smem:$0x3FAD]  }
0x2e: {  	s3 =	simm.s32 @!p0 $0x1082;
	s9 =	sld [smem:$0x3FAE]  }
0x2f: {  	lr =	sadd.s32 s0, s3;
	s0 =	sld [smem:$0x3FA5]  }
0x30: {  	s3 =	sld [smem:$0x3FA8]  }
0x31: {  	[smem:$0x3FB1] =	sst s10  }
0x32: {  	s10 =	sld [smem:$0x3FAF];
	_ =	sdelay $0x3  }
0x33: {  	p0 =	seq.s32 s10, $0x1;
	s10 =	sld [smem:$0x3FB1];
	_ =	sdelay $0x3  }
0x34: {  	[smem:$0x3FB1] =	sst s10  }
0x35: {  	s10 =	sld [smem:$0x3FB0];
	_ =	sdelay $0x3  }
0x36: {  	p1 =	seq.s32 s10, $0x1;
	s10 =	sld [smem:$0x3FB1];
	_ =	sdelay $0x3  }
0x37: {  	[smem:$0x3FB1] =	sst s10  }
0x38: {  	s10 =	sld [smem:$0x3FB2]  }
0x39: {  	_ = 	snop;
	(pc) =	sbr.ind lr, $3  }
0x3a: {  	_ = 	snop  }
0x3b: {  	_ = 	snop  }
0x3c: {  	p2 =	seq.s32 s10, $0x1;
	s10 =	sld [smem:$0x3FB1]  }
0x3d: {  	_ =	shalt  }
0x3e: {  	_ =	shalt  }
0x3f: {  	_ =	shalt  }
0x40: {  	_ =	shalt  }
0x41: {  	_ =	shalt  }
0x42: {  	_ =	shalt  }
0x43: {  	_ =	shalt  }
0x44: {  	_ =	shalt  }
0x45: {  	_ =	shalt  }
0x46: {  	_ =	shalt  }
0x47: {  	_ =	shalt  }
0x48: {  	_ =	shalt  }
0x49: {  	_ =	shalt  }
0x4a: {  	_ =	shalt  }
0x4b: {  	_ =	shalt  }
0x4c: {  	_ =	shalt  }
0x4d: {  	_ =	shalt  }
0x4e: {  	_ =	shalt  }
0x4f: {  	_ =	shalt  }
0x50: {  	_ =	shalt  }
0x51: {  	_ =	shalt  }
0x52: {  	_ =	shalt  }
0x53: {  	_ =	shalt  }
0x54: {  	_ =	shalt  }
0x55: {  	_ =	shalt  }
0x56: {  	_ =	shalt  }
0x57: {  	_ =	shalt  }
0x58: {  	_ =	shalt  }
0x59: {  	_ =	shalt  }
0x5a: {  	_ =	shalt  }
0x5b: {  	_ =	shalt  }
0x5c: {  	_ =	shalt  }
0x5d: {  	_ =	shalt  }
0x5e: {  	_ =	shalt  }
0x5f: {  	_ =	shalt  }
0x60: {  	_ =	shalt  }
0x61: {  	_ =	shalt  }
0x62: {  	_ =	shalt  }
0x63: {  	_ =	shalt  }
0x64: {  	_ =	shalt  }
0x65: {  	_ =	shalt  }
0x66: {  	_ =	shalt  }
0x67: {  	_ =	shalt  }
0x68: {  	_ =	shalt  }
0x69: {  	_ =	shalt  }
0x6a: {  	_ =	shalt  }
0x6b: {  	_ =	shalt  }
0x6c: {  	_ =	shalt  }
0x6d: {  	_ =	shalt  }
0x6e: {  	_ =	shalt  }
0x6f: {  	_ =	shalt  }
0x70: {  	_ =	shalt  }
0x71: {  	_ =	shalt  }
0x72: {  	_ =	shalt  }
0x73: {  	_ =	shalt  }
0x74: {  	_ =	shalt  }
0x75: {  	_ =	shalt  }
0x76: {  	_ =	shalt  }
0x77: {  	_ =	shalt  }
0x78: {  	_ =	shalt  }
0x79: {  	_ =	shalt  }
0x7a: {  	_ =	shalt  }
0x7b: {  	_ =	shalt  }
0x7c: {  	_ =	shalt  }
0x7d: {  	_ =	shalt  }
0x7e: {  	_ =	shalt  }
0x7f: {  	_ =	shalt  }
0x80: {  	_ =	shalt  }
0x81: {  	_ =	shalt  }
0x82: {  	_ =	shalt  }
0x83: {  	_ =	shalt  }
0x84: {  	_ =	shalt  }
0x85: {  	_ =	shalt  }
0x86: {  	_ =	shalt  }
0x87: {  	_ =	shalt  }
.Lfunc_end0:
.L_simem_size_0:
called_computation.2_lowered:
.L_overlay_start_0:
0x88: {  	s2 =	sld [smem:$0x3FD9]  }
0x89: {  	s3 =	sld [smem:$0x3FFE];
	_ =	sdelay $0x1  }
0x8a: {  	s1 =	srdreg.scid  }
0x8b: {  	s0 =	sand.u32 $0x1, s1  }
0x8c: {  	s17 =	sshll.u32 s0, $0xA;
	s2 =	sadd.s32 s3, s2  }
0x8d: {  	s2 =	sadd.s32 s2, s17  }
0x8e: {  	[smem:$0x3FBD] =	sst s2  }
0x8f: {  	_ = 	snop  }
0x90: {  	s2 =	sld [smem:$0x3FD0];
	(tm) =	ssettm $0x1  }
0x91: {  	s18 =	sld [smem:$0x3FFB];
	_ =	sdelay $0x3  }
0x92: {  	_ =	strace s18  }
0x93: {  	s3 =	sld [smem:$0x3FFC];
	_ =	sdelay $0x3  }
0x94: {  	_ =	strace s3  }
0x95: {  	s3 =	sld [smem:$0x3FFD];
	_ =	sdelay $0x3  }
0x96: {  	_ =	strace s3  }
0x97: {  	_ =	strace $0x8FFFFFFF  }
0x98: {  	s19 =	sld [smem:$0x3FDB];
	_ =	sdelay $0x1  }
0x99: {  	s4 =	simm.s32 $_scs_section_size  }
0x9a: {  	s5 =	simm.s32 $_size__tile_overlayer_lowered;
	s6 =	simm.s32 $_tile_overlayer_lowered  }
0x9b: {  	s22 =	simm.s32 $0x1BFF;
	s21 =	sshll.u32 s6, $0x1;
	s3 =	sadd.s32 s4, s19  }
0x9c: {  	s7 =	simm.s32 $0x0;
	s20 =	sshll.u32 s5, $0x1;
	s5 =	sadd.s32 s21, s3  }
0x9d: {  	[timem:s7], [sflag:s22] =	dma.local [hbm:s5], s20  }
0x9e: {  	_ =	swait.ge [sflag:s22], s20  }
0x9f: {  	s4 =	ssub.s32 $0x0, s20;
	[sflag:s22] =	ssyncset.done $0x0  }
0xa0: {  	[sflag:s22] =	ssyncadd.s32 s4;
	_ =	sdelay $0x1  }
0xa1: {  	s23 =	simm.s32 $0x1B8B  }
0xa2: {  	_ =	swait.ge [sflag:s23], $0x1  }
0xa3: {  	[sflag:s23] =	ssyncset.done $0x0  }
0xa4: {  	s25 =	simm.s32 $0x1B8E;
	s24 =	sld [smem:$0x3FFE];
	[sflag:s23] =	ssyncadd.s32 $0xFFFFFFFF  }
0xa5: {  	s26 =	simm.s32 $execute0_lowered;
	[smem:$0x3FD2] =	sst s25  }
0xa6: {  	s5 =	sshll.u32 s26, $0x1;
	_ =	strace $0x8000004C;
	[dreg:$0x1] =	wrdreg $0xFFFFFFFF  }
0xa7: {  	s28 =	simm.s32 $_size_execute0_lowered;
	s3 =	sadd.s32 s3, s5;
	[dreg:$0x0] =	wrdreg $0x0  }
0xa8: {  	s5 =	sshll.u32 s28, $0x1;
	[dreg:$0x2] =	wrdreg s3  }
0xa9: {  	[dreg:$0x3] =	wrdreg s5  }
0xaa: {  	[dreg:$0x4] =	wrdreg $0xC0  }
0xab: {  	_ =	task [dreg:s7], $0x5FFFF  }
0xac: {  	[dreg:$0x1] =	wrdreg $0xFFFFFFFF  }
0xad: {  	[dreg:$0x0] =	wrdreg $0x60  }
0xae: {  	[dreg:$0x2] =	wrdreg s24  }
0xaf: {  	[dreg:$0x3] =	wrdreg s2  }
0xb0: {  	[dreg:$0x4] =	wrdreg $0x8C000  }
0xb1: {  	[dreg:$0x5] =	wrdreg $0x9  }
0xb2: {  	_ =	task.clear_ibuf [dreg:s7], $0x6FFFF;
	_ =	strace $0x9000004C  }
0xb3: {  	s29 =	simm.s32 $0x9;
	_ =	strace $0x8000004E  }
0xb4: {  	_ =	swait.ge [sflag:s29], $0x1  }
0xb5: {  	[sflag:s29] =	ssyncadd.s32 $0xFFFFFFFF  }
0xb6: {  	_ =	strace $0x9000004E  }
0xb7: {  	_ =	sfence  }
0xb8: {  	s30 =	sld [smem:$0x0];
	_ =	sdelay $0x2  }
0xb9: {  	s31 =	sshll.u32 s1, $0xD;
	s1 =	sshrl.u32 s1, $0x2  }
0xba: {  	s3 =	sand.u32 $0x4000, s31;
	s1 =	sadd.s32 s1, s30  }
0xbb: {  	s0 =	sor.u32 s3, s0;
	s1 =	sshll.u32 s1, $0x11  }
0xbc: {  	s0 =	sor.u32 s1, s0  }
0xbd: {  	s0 =	sadd.s32 $0x8F2B, s0  }
0xbe: {  	[sflag:s0] =	ssyncadd.remote.s32 $0x1  }
0xbf: {  	_ =	sfence.sel $0xFFFF  }
0xc0: {  	[dreg:$0x0] =	wrdreg $0xFFFFFFFF;
	(pc) =	sbr.abs _section_cstart, $3  }
0xc1: {  	[dreg:$0x1] =	wrdreg $0xFFFFFFFF  }
0xc2: {  	_ =	task.clear_ibuf [dreg:s7], $0x2FFFF;
	_ =	strace $0x9FFFFFFF  }
0xc3: {  	(tm) =	ssettm $0x7FFFFFFF  }
tec
execute0_lowered:
.L_overlay_start_1:
0x0: {  	(tag) =	ssettag $0x1  }
0x1: {  	s0 =	rddreg [dreg:$0x0]  }
0x2: {  	s2 =	rddreg [dreg:$0x1]  }
0x3: {  	s1 =	rddreg [dreg:$0x2]  }
0x4: {  	s4 =	simm.s32 $0x0;
	s3 =	simm.s32 $0x0;
	s17 =	srdreg.scid  }
0x5: {  	s9 =	stileid.u32;
	s28 =	simm.s32 $0x500;
	s29 =	simm.s32 $0x880  }
0x6: {  	s30 =	simm.s32 $0x580;
	s31 =	simm.s32 $0x900;
	[dreg:$0x4] =	wrdreg s3  }
0x7: {  	[smem:$0x7FF] =	sst s4;
	s4 =	sadd.s32 $0xC200, s0;
	s3 =	sand.u32 $0x1, s17  }
0x8: {  	s6 =	smul.u32 $0x50000, s9;
	s5 =	sadd.s32 $0x2200, s0;
	s0 =	sadd.s32 $0x33400, s0  }
0x9: {  	s8 =	sshll.u32 s9, $0x6;
	s13 =	smul.u32 $0x14000, s9;
	s20 =	sshll.u32 s9, $0x2  }
0xa: {  	s15 =	sshll.u32 s9, $0x4;
	s17 =	simm.s32 $0xB00;
	_ =	strace $0x8000004D  }
0xb: {  	[dreg:$0x5] =	wrdreg s0;
	s18 =	ssub.s32 $0x2, s3;
	s16 =	sor.u32 $0x1C03, s8  }
0xc: {  	s11 =	smul.u32 $0x140000, s3;
	p0 =	seq.s32 s3, $0x0;
	s8 =	simm.s32 $0x10  }
0xd: {  	s9 =	sor.u32 $0x100, s20;
	s7 =	sshrl.u32 s18, $0x1;
	s6 =	sshrl.u32 s6, $0x2  }
0xe: {  	s8 =	simm.s32 @!p0 $0x4;
	s9 =	smov.u32 @p0 s15;
	s15 =	simm.s32 $0xA80  }
0xf: {  	s0 =	ssub.s32 s18, s7;
	s6 =	sadd.s32 s6, s1;
	s21 =	sadd.s32 s13, s11  }
0x10: {  	s13 =	simm.s32 $0x3;
	s18 =	simm.s32 $0x4;
	s11 =	simm.s32 $0xA00  }
0x11: {  	s19 =	sadd.s32 $0x4000, s6;
	s10 =	sadd.s32 $0x8000, s6;
	s12 =	sadd.s32 $0xC000, s6  }
0x12: {  	s14 =	sadd.s32 $0x10000, s6;
	s3 =	sshrl.u32 s21, $0x3;
	s0 =	smax.u32 s0, $0x1  }
0x13: {  	s23 =	sshrl.u32 s6, $0x3;
	s6 =	smov.u32 s16;
	s21 =	simm.s32 $0xC00  }
0x14: {  	s16 =	simm.s32 $0x780;
	s2 =	sadd.s32 s2, s3;
	[dreg:$0x8] =	wrdreg s0  }
0x15: {  	s22 =	sshrl.u32 s19, $0x3;
	s24 =	sshrl.u32 s10, $0x3;
	[dreg:$0x6] =	wrdreg s6  }
0x16: {  	s25 =	sshrl.u32 s12, $0x3;
	s26 =	sshrl.u32 s14, $0x3;
	[dreg:$0x7] =	wrdreg s2  }
.Ltmp0:
0x17: {  	s19 =	simm.s32 $0x80;
	[dreg:$0x9] =	wrdreg s22;
	(pc) =	sbr.rel .LBB2_1-.Ltmp0, $4  }
0x18: {  	s0 =	simm.s32 $0x600;
	s10 =	simm.s32 $0x680;
	[dreg:$0xa] =	wrdreg s24  }
0x19: {  	s14 =	simm.s32 $0x700;
	s12 =	simm.s32 $0xB80;
	[dreg:$0xb] =	wrdreg s25  }
0x1a: {  	[dreg:$0xc] =	wrdreg s26;
	s22 =	simm.s32 $0x1;
	s24 =	simm.s32 $0x4C00  }
0x1b: {  	s25 =	simm.s32 $0x800;
	s26 =	simm.s32 $0x2;
	s2 =	simm.s32 $0x980  }
.LBB2_7:
0x1c: {  	[bflag:$0x0] =	sbarrier.arrive $0xFFFF  }
0x1d: {  	s6 =	rddreg [dreg:$0x6]  }
0x1e: {  	s3 =	rddreg [dreg:$0x7]  }
0x1f: {  	[hbm:s3], [sflag:s6] =	dma.local [spmem:s23], $0x2800  }
0x20: {  	_ =	swait.ge [sflag:s13], $0x2800  }
0x21: {  	s20 =	rddreg [dreg:$0x4]  }
0x22: {  	s7 =	rddreg [dreg:$0x8];
	s3 =	sadd.s32 $0x1, s20  }
0x23: {  	p0 =	sne.s32 s3, s7  }
.Ltmp1:
0x24: {  	_ = 	snop;
	(pc) =	sbr.rel @!p0 .LBB2_8-.Ltmp1, $3  }
0x25: {  	_ =	sdelay $0x1  }
0x26: {  	[sflag:s13] =	ssyncset.done $0x0  }
0x27: {  	[sflag:s13] =	ssyncadd.s32 $0xFFFFD800;
	[dreg:$0x4] =	wrdreg s3  }
.LBB2_1:
0x28: {  	s3 =	rddreg [dreg:$0x5]  }
0x29: {  	[spmem:s23], [sflag:s6] =	dma.local [hbm:s3], $0x800  }
0x2a: {  	_ =	swait.ge [sflag:s13], $0x800  }
0x2b: {  	[sflag:s13] =	ssyncset.done $0x0  }
0x2c: {  	s7 =	rddreg [dreg:$0x9];
	[sflag:s13] =	ssyncadd.s32 $0xFFFFF800  }
0x2d: {  	[spmem:s7], [sflag:s6] =	dma.local [hbm:s3], $0x800  }
0x2e: {  	_ =	swait.ge [sflag:s13], $0x800  }
0x2f: {  	[sflag:s13] =	ssyncset.done $0x0  }
0x30: {  	s20 =	rddreg [dreg:$0xa];
	[sflag:s13] =	ssyncadd.s32 $0xFFFFF800  }
0x31: {  	[spmem:s20], [sflag:s6] =	dma.local [hbm:s3], $0x800  }
0x32: {  	_ =	swait.ge [sflag:s13], $0x800  }
0x33: {  	[sflag:s13] =	ssyncset.done $0x0  }
0x34: {  	s20 =	rddreg [dreg:$0xb];
	[sflag:s13] =	ssyncadd.s32 $0xFFFFF800  }
0x35: {  	[spmem:s20], [sflag:s6] =	dma.local [hbm:s3], $0x800  }
0x36: {  	_ =	swait.ge [sflag:s13], $0x800  }
0x37: {  	[sflag:s13] =	ssyncset.done $0x0  }
0x38: {  	s20 =	rddreg [dreg:$0xc];
	[sflag:s13] =	ssyncadd.s32 $0xFFFFF800  }
0x39: {  	[spmem:s20], [sflag:s6] =	dma.local [hbm:s3], $0x800  }
.Ltmp2:
0x3a: {  	_ =	swait.ge [sflag:s13], $0x800;
	(pc) =	sbr.rel .LBB2_2-.Ltmp2, $4  }
0x3b: {  	[sflag:s13] =	ssyncset.done $0x0  }
0x3c: {  	[sflag:s13] =	ssyncadd.s32 $0xFFFFF800  }
0x3d: {  	[bflag:$0x0] =	sbarrier.arrive $0xFFFF  }
0x3e: {  	s6 =	simm.s32 $0x0  }
.LBB2_6:
0x3f: {  	s6 =	sadd.s32 $0x1, s6  }
0x40: {  	p0 =	sne.s32 s6, $0x10  }
.Ltmp3:
0x41: {  	_ = 	snop;
	(pc) =	sbr.rel @!p0 .LBB2_7-.Ltmp3, $1  }
0x42: {  	_ =	sdelay $0x3  }
.LBB2_2:
0x43: {  	p0 =	sge.u32 s6, s8  }
.Ltmp4:
0x44: {  	_ = 	snop;
	(pc) =	sbr.rel @p0 .LBB2_6-.Ltmp4, $1  }
0x45: {  	_ =	sdelay $0x3  }
0x46: {  	s3 =	sadd.s32 s9, s6  }
0x47: {  	s3 =	sshll.u32 s3, $0x7  }
0x48: {  	s7 =	simm.s32 $0x0;
	s3 =	sadd.s32 s5, s3  }
0x49: {  	[tilespmem:s7], [sflag:$0x4] =	stream.linear.gather [hbm4b:s3+s7], $0x400, $0x38;
	[tilespmem:$0x1CC00] =	vst v63  }
0x4a: {  	_ =	swait.ge [sflag:s18], $0x400  }
0x4b: {  	[sflag:s18] =	ssyncset.done $0x0  }
0x4c: {  	s7 =	simm.s32 $0x0;
	[sflag:s18] =	ssyncadd.s32 $0xFFFFFC00  }
0x4d: {  	v0 =	vld [tilespmem:s7+$0x0]  }
0x4e: {  	s3 =	simm.s32 $0x40  }
.LBB2_4:
0x4f: {  	p0 =	sne.s32 s3, $0xFC0  }
.Ltmp5:
0x50: {  	_ = 	snop;
	(pc) =	sbr.rel @p0 .LBB2_4-.Ltmp5, $4  }
0x51: {  	_ = 	snop  }
0x52: {  	s20 =	sshra.s32 s3, $0x2;
	s3 =	sadd.s32 $0x40, s3;
	v1 =	vand.u32 $0x3FFF, v0;
	v2 =	vshrl.u32 v0, $0xE  }
0x53: {  	v0 =	vld [tilespmem:s20+$0x0];
	[tilespmem:s7+$0x800] =	vst v2  }
0x54: {  	[tilespmem:s7+$0x400] =	vst v1;
	s7 =	smov.u32 s20  }
0x55: {  	_ =	sdelay $0x2  }
0x56: {  	v1 =	vshrl.u32 v0, $0xE  }
0x57: {  	v63 =	vand.u32 $0x3FFF, v0;
	[tilespmem:s7+$0x800] =	vst v1  }
0x58: {  	s3 =	simm.s32 $0x400;
	[tilespmem:s7+$0x400] =	vst v63  }
0x59: {  	[tilespmem:s21], [sflag:$0x1] =	stream.indirect.gather [hbm4b:s4+s19], $0x80, s3, s19, $0xb8;
	[tilespmem:$0x1CC00] =	vst v63  }
0x5a: {  	_ =	swait.ge [sflag:s22], $0x4000  }
0x5b: {  	[sflag:s22] =	ssyncset.done $0x0  }
0x5c: {  	s20 =	simm.s32 $0x480;
	[sflag:s22] =	ssyncadd.s32 $0xFFFFC000  }
0x5d: {  	[tilespmem:s24], [sflag:$0x2] =	stream.indirect.gather [hbm4b:s4+s19], $0x80, s20, s19, $0xb8;
	[tilespmem:$0x1CC00] =	vst v63  }
0x5e: {  	_ = 	snop  }
0x5f: {  	[spmem:s1] =	stream.indirect.scatter.add.f32 [tilespmem:s21], [sflag:$0x4], $0x80, s25, s19, $0xb8;
	[tilespmem:$0x1CC00] =	vst v63  }
0x60: {  	_ =	swait.ge [sflag:s18], $0x4000  }
0x61: {  	[sflag:s18] =	ssyncset.done $0x0  }
0x62: {  	[sflag:s18] =	ssyncadd.s32 $0xFFFFC000  }
0x63: {  	_ =	swait.ge [sflag:s26], $0x4000  }
0x64: {  	[sflag:s26] =	ssyncset.done $0x0  }
0x65: {  	[sflag:s26] =	ssyncadd.s32 $0xFFFFC000  }
0x66: {  	[tilespmem:s21], [sflag:$0x1] =	stream.indirect.gather [hbm4b:s4+s19], $0x80, s28, s19, $0xb8;
	[tilespmem:$0x1CC00] =	vst v63  }
0x67: {  	_ = 	snop  }
0x68: {  	[spmem:s1] =	stream.indirect.scatter.add.f32 [tilespmem:s24], [sflag:$0x4], $0x80, s29, s19, $0xb8;
	[tilespmem:$0x1CC00] =	vst v63  }
0x69: {  	_ =	swait.ge [sflag:s18], $0x4000  }
0x6a: {  	[sflag:s18] =	ssyncset.done $0x0  }
0x6b: {  	[sflag:s18] =	ssyncadd.s32 $0xFFFFC000  }
0x6c: {  	_ =	swait.ge [sflag:s22], $0x4000  }
0x6d: {  	[sflag:s22] =	ssyncset.done $0x0  }
0x6e: {  	[sflag:s22] =	ssyncadd.s32 $0xFFFFC000  }
0x6f: {  	[tilespmem:s24], [sflag:$0x2] =	stream.indirect.gather [hbm4b:s4+s19], $0x80, s30, s19, $0xb8;
	[tilespmem:$0x1CC00] =	vst v63  }
0x70: {  	_ = 	snop  }
0x71: {  	[spmem:s1] =	stream.indirect.scatter.add.f32 [tilespmem:s21], [sflag:$0x4], $0x80, s31, s19, $0xb8;
	[tilespmem:$0x1CC00] =	vst v63  }
0x72: {  	_ =	swait.ge [sflag:s18], $0x4000  }
0x73: {  	[sflag:s18] =	ssyncset.done $0x0  }
0x74: {  	[sflag:s18] =	ssyncadd.s32 $0xFFFFC000  }
0x75: {  	_ =	swait.ge [sflag:s26], $0x4000  }
0x76: {  	[sflag:s26] =	ssyncset.done $0x0  }
0x77: {  	[sflag:s26] =	ssyncadd.s32 $0xFFFFC000  }
0x78: {  	[tilespmem:s21], [sflag:$0x1] =	stream.indirect.gather [hbm4b:s4+s19], $0x80, s0, s19, $0xb8;
	[tilespmem:$0x1CC00] =	vst v63  }
0x79: {  	_ = 	snop  }
0x7a: {  	[spmem:s1] =	stream.indirect.scatter.add.f32 [tilespmem:s24], [sflag:$0x4], $0x80, s2, s19, $0xb8;
	[tilespmem:$0x1CC00] =	vst v63  }
0x7b: {  	_ =	swait.ge [sflag:s18], $0x4000  }
0x7c: {  	[sflag:s18] =	ssyncset.done $0x0  }
0x7d: {  	[sflag:s18] =	ssyncadd.s32 $0xFFFFC000  }
0x7e: {  	_ =	swait.ge [sflag:s22], $0x4000  }
0x7f: {  	[sflag:s22] =	ssyncset.done $0x0  }
0x80: {  	[sflag:s22] =	ssyncadd.s32 $0xFFFFC000  }
0x81: {  	[tilespmem:s24], [sflag:$0x2] =	stream.indirect.gather [hbm4b:s4+s19], $0x80, s10, s19, $0xb8;
	[tilespmem:$0x1CC00] =	vst v63  }
0x82: {  	_ = 	snop  }
0x83: {  	[spmem:s1] =	stream.indirect.scatter.add.f32 [tilespmem:s21], [sflag:$0x4], $0x80, s11, s19, $0xb8;
	[tilespmem:$0x1CC00] =	vst v63  }
0x84: {  	_ =	swait.ge [sflag:s18], $0x4000  }
0x85: {  	[sflag:s18] =	ssyncset.done $0x0  }
0x86: {  	[sflag:s18] =	ssyncadd.s32 $0xFFFFC000  }
0x87: {  	_ =	swait.ge [sflag:s26], $0x4000  }
0x88: {  	[sflag:s26] =	ssyncset.done $0x0  }
0x89: {  	[sflag:s26] =	ssyncadd.s32 $0xFFFFC000  }
0x8a: {  	[tilespmem:s21], [sflag:$0x1] =	stream.indirect.gather [hbm4b:s4+s19], $0x80, s14, s19, $0xb8;
	[tilespmem:$0x1CC00] =	vst v63  }
0x8b: {  	_ = 	snop  }
0x8c: {  	[spmem:s1] =	stream.indirect.scatter.add.f32 [tilespmem:s24], [sflag:$0x4], $0x80, s15, s19, $0xb8;
	[tilespmem:$0x1CC00] =	vst v63  }
0x8d: {  	_ =	swait.ge [sflag:s18], $0x4000  }
0x8e: {  	[sflag:s18] =	ssyncset.done $0x0  }
0x8f: {  	[sflag:s18] =	ssyncadd.s32 $0xFFFFC000  }
0x90: {  	_ =	swait.ge [sflag:s22], $0x4000  }
0x91: {  	[sflag:s22] =	ssyncset.done $0x0  }
0x92: {  	[sflag:s22] =	ssyncadd.s32 $0xFFFFC000  }
0x93: {  	[tilespmem:s24], [sflag:$0x2] =	stream.indirect.gather [hbm4b:s4+s19], $0x80, s16, s19, $0xb8;
	[tilespmem:$0x1CC00] =	vst v63  }
0x94: {  	_ = 	snop  }
0x95: {  	[spmem:s1] =	stream.indirect.scatter.add.f32 [tilespmem:s21], [sflag:$0x4], $0x80, s17, s19, $0xb8;
	[tilespmem:$0x1CC00] =	vst v63  }
0x96: {  	_ =	swait.ge [sflag:s18], $0x4000  }
0x97: {  	[sflag:s18] =	ssyncset.done $0x0  }
0x98: {  	[sflag:s18] =	ssyncadd.s32 $0xFFFFC000  }
0x99: {  	_ =	swait.ge [sflag:s26], $0x4000  }
0x9a: {  	[sflag:s26] =	ssyncset.done $0x0  }
.Ltmp6:
0x9b: {  	[sflag:s26] =	ssyncadd.s32 $0xFFFFC000;
	(pc) =	sbr.rel .LBB2_6-.Ltmp6, $4  }
0x9c: {  	[spmem:s1] =	stream.indirect.scatter.add.f32 [tilespmem:s24], [sflag:$0x3], $0x80, s12, s19, $0xb8;
	[tilespmem:$0x1CC00] =	vst v63  }
0x9d: {  	_ =	swait.ge [sflag:s13], $0x4000  }
0x9e: {  	[sflag:s13] =	ssyncset.done $0x0  }
0x9f: {  	[sflag:s13] =	ssyncadd.s32 $0xFFFFC000  }
.LBB2_8:
0xa0: {  	_ =	sfence.sel $0x180000  }
0xa1: {  	[bflag:$0x0] =	sbarrier.arrive $0xFFFF  }
0xa2: {  	_ =	strace $0x9000004D  }
0xa3: {  	s0 =	stileid.u32;
	[bflag:$0x2] =	sbarrier.arrive $0xFFFF  }
0xa4: {  	p0 =	sne.s32 s0, $0x0;
	s0 =	rddreg [dreg:$0x3]  }
0xa5: {  	s0 =	sadd.s32 @!p0 $0x100000, s0  }
0xa6: {  	[sflag:s0] =	ssyncadd.tile.s32 @!p0 $0x1;
	_ =	shalt  }
.Lfunc_end2:
_tile_overlayer_lowered:
.L_overlay_start_2:
0xa7: {  	(tag) =	ssettag $0x2  }
0xa8: {  	s0 =	rddreg [dreg:$0x0];
	s2 =	stileid.u32  }
0xa9: {  	s1 =	rddreg [dreg:$0x1];
	p0 =	sne.s32 s2, $0x0  }
0xaa: {  	s3 =	rddreg [dreg:$0x2];
	[bflag:$0x3] =	sbarrier.arrive $0xFFFF;
	s2 =	simm.s32 @!p0 $0x1C03  }
0xab: {  	[timem:s3], [sflag:s2] =	dma.local @!p0 [hbm:s0], s1  }
0xac: {  	s0 =	simm.s32 @!p0 $0x3  }
0xad: {  	_ =	swait.ge @!p0 [sflag:s0], s1  }
0xae: {  	s1 =	ssub.s32 @!p0 $0x0, s1;
	[sflag:s0] =	ssyncset.done @!p0 $0x0  }
0xaf: {  	[sflag:s0] =	ssyncadd.s32 @!p0 s1  }
0xb0: {  	[bflag:$0x3] =	sbarrier.arrive $0xFFFF  }
0xb1: {  	_ =	shalt  }

// kernel: kernel.9.cloned.1.call-start
scs
__scs_entry_jumppad:
0x0: {  	(pc) =	sbr.rel $0x88, $3  }
0x1: {  	(tag) =	ssettag $0x0;
	lr =	simm.s32 $0x1  }
0x2: {  	[smem:$0x3F96] =	sst lr;
	_ =	strace $0xD0000000  }
0x3: {  	_ = 	snop  }
0x4: {  	_ = 	snop  }
0x5: {  	_ = 	snop  }
0x6: {  	_ = 	snop  }
0x7: {  	_ = 	snop  }
__scs_overlays_trampoline_lowered:
0x8: {  	[smem:$0x3FA5] =	sst s0  }
0x9: {  	[smem:$0x3FA6] =	sst s1  }
0xa: {  	[smem:$0x3FA7] =	sst s2  }
0xb: {  	[smem:$0x3FA8] =	sst s3  }
0xc: {  	[smem:$0x3FA9] =	sst s4  }
0xd: {  	[smem:$0x3FAA] =	sst s5  }
0xe: {  	[smem:$0x3FAB] =	sst s6  }
0xf: {  	[smem:$0x3FAC] =	sst s7  }
0x10: {  	[smem:$0x3FAD] =	sst s8  }
0x11: {  	[smem:$0x3FAE] =	sst s9;
	s0 =	simm.s32 @!p0 $0x0  }
0x12: {  	s1 =	sld [smem:$0x3F94];
	s0 =	simm.s32 @p0 $0x1  }
0x13: {  	[smem:$0x3FAF] =	sst s0;
	s0 =	simm.s32 @!p1 $0x0  }
0x14: {  	s2 =	sld [smem:$0x3F93];
	s0 =	simm.s32 @p1 $0x1  }
0x15: {  	[smem:$0x3FB0] =	sst s0;
	s0 =	simm.s32 @!p2 $0x0  }
0x16: {  	s3 =	sld [smem:$0x3FDB];
	s0 =	simm.s32 @p2 $0x1  }
0x17: {  	s4 =	simm.s32 $0x1BF5;
	[smem:$0x3FB2] =	sst s0  }
0x18: {  	s0 =	sld [smem:$0x3F95];
	_ =	swait.ge [sflag:s4], $0x0  }
0x19: {  	s7 =	sld [smem:$0x3F96]  }
0x1a: {  	s8 =	sadd.s32 $0xFFFFE003, lr  }
0x1b: {  	s9 =	sadd.s32 $0xFFFFFEF7, lr;
	s5 =	simm.s32 $0xFFFFFFFF;
	p2 =	slt.u32 s8, $0xFFFFF086  }
0x1c: {  	p1 =	slt.u32 s9, $0xF7A;
	s5 =	simm.s32 @!p2 $0x0  }
0x1d: {  	s5 =	simm.s32 @p1 $0x1;
	p0 =	seq.s32 s7, s2  }
0x1e: {  	s7 =	smul.u32 @!p0 $0xF7A, s2;
	p2 =	seq.s32 @!p0 s5, $0x0  }
0x1f: {  	s9 =	smul.u32 $0xF7A, s1;
	s8 =	simm.s32 @!p0 $0x1BF5;
	p2 =	por !p2, p0  }
0x20: {  	[sflag:s8] =	ssyncset.s32 @!p0 $0xFFFFF086;
	s6 =	sadd.s32 @!p0 s3, s7;
	s7 =	simm.s32 @!p0 $0x108  }
0x21: {  	s3 =	sadd.s32 s3, s9;
	s6 =	sadd.s32 @!p0 $0x88, s6;
	s7 =	simm.s32 @p2 $0x1082  }
0x22: {  	[simem:s7], [sflag:s8] =	dma.local @!p0 [hbm:s6], $0xF7A  }
0x23: {  	s9 =	sor.u32 $0xD0000000, s2;
	s6 =	simm.s32 $0x108;
	_ =	swait.ge @!p0 [sflag:s8], $0x0  }
0x24: {  	s3 =	sadd.s32 $0x88, s3;
	s6 =	simm.s32 @!p1 $0x1082;
	[sflag:s4] =	ssyncset.s32 $0xFFFFF086  }
0x25: {  	[simem:s6], [sflag:s4] =	dma.local [hbm:s3], $0xF7A  }
0x26: {  	[smem:$0x3F96] =	sst s1;
	(tag) =	ssettag s2;
	_ =	strace s9  }
0x27: {  	s1 =	sld [smem:$0x3FA6]  }
0x28: {  	s2 =	sld [smem:$0x3FA7]  }
0x29: {  	s4 =	sld [smem:$0x3FA9]  }
0x2a: {  	p0 =	seq.s32 s5, $0x0;
	s5 =	sld [smem:$0x3FAA]  }
0x2b: {  	s6 =	sld [smem:$0x3FAB]  }
0x2c: {  	s7 =	sld [smem:$0x3FAC]  }
0x2d: {  	s3 =	simm.s32 $0x108;
	s8 =	sld [smem:$0x3FAD]  }
0x2e: {  	s3 =	simm.s32 @!p0 $0x1082;
	s9 =	sld [smem:$0x3FAE]  }
0x2f: {  	lr =	sadd.s32 s0, s3;
	s0 =	sld [smem:$0x3FA5]  }
0x30: {  	s3 =	sld [smem:$0x3FA8]  }
0x31: {  	[smem:$0x3FB1] =	sst s10  }
0x32: {  	s10 =	sld [smem:$0x3FAF];
	_ =	sdelay $0x3  }
0x33: {  	p0 =	seq.s32 s10, $0x1;
	s10 =	sld [smem:$0x3FB1];
	_ =	sdelay $0x3  }
0x34: {  	[smem:$0x3FB1] =	sst s10  }
0x35: {  	s10 =	sld [smem:$0x3FB0];
	_ =	sdelay $0x3  }
0x36: {  	p1 =	seq.s32 s10, $0x1;
	s10 =	sld [smem:$0x3FB1];
	_ =	sdelay $0x3  }
0x37: {  	[smem:$0x3FB1] =	sst s10  }
0x38: {  	s10 =	sld [smem:$0x3FB2]  }
0x39: {  	_ = 	snop;
	(pc) =	sbr.ind lr, $3  }
0x3a: {  	_ = 	snop  }
0x3b: {  	_ = 	snop  }
0x3c: {  	p2 =	seq.s32 s10, $0x1;
	s10 =	sld [smem:$0x3FB1]  }
0x3d: {  	_ =	shalt  }
0x3e: {  	_ =	shalt  }
0x3f: {  	_ =	shalt  }
0x40: {  	_ =	shalt  }
0x41: {  	_ =	shalt  }
0x42: {  	_ =	shalt  }
0x43: {  	_ =	shalt  }
0x44: {  	_ =	shalt  }
0x45: {  	_ =	shalt  }
0x46: {  	_ =	shalt  }
0x47: {  	_ =	shalt  }
0x48: {  	_ =	shalt  }
0x49: {  	_ =	shalt  }
0x4a: {  	_ =	shalt  }
0x4b: {  	_ =	shalt  }
0x4c: {  	_ =	shalt  }
0x4d: {  	_ =	shalt  }
0x4e: {  	_ =	shalt  }
0x4f: {  	_ =	shalt  }
0x50: {  	_ =	shalt  }
0x51: {  	_ =	shalt  }
0x52: {  	_ =	shalt  }
0x53: {  	_ =	shalt  }
0x54: {  	_ =	shalt  }
0x55: {  	_ =	shalt  }
0x56: {  	_ =	shalt  }
0x57: {  	_ =	shalt  }
0x58: {  	_ =	shalt  }
0x59: {  	_ =	shalt  }
0x5a: {  	_ =	shalt  }
0x5b: {  	_ =	shalt  }
0x5c: {  	_ =	shalt  }
0x5d: {  	_ =	shalt  }
0x5e: {  	_ =	shalt  }
0x5f: {  	_ =	shalt  }
0x60: {  	_ =	shalt  }
0x61: {  	_ =	shalt  }
0x62: {  	_ =	shalt  }
0x63: {  	_ =	shalt  }
0x64: {  	_ =	shalt  }
0x65: {  	_ =	shalt  }
0x66: {  	_ =	shalt  }
0x67: {  	_ =	shalt  }
0x68: {  	_ =	shalt  }
0x69: {  	_ =	shalt  }
0x6a: {  	_ =	shalt  }
0x6b: {  	_ =	shalt  }
0x6c: {  	_ =	shalt  }
0x6d: {  	_ =	shalt  }
0x6e: {  	_ =	shalt  }
0x6f: {  	_ =	shalt  }
0x70: {  	_ =	shalt  }
0x71: {  	_ =	shalt  }
0x72: {  	_ =	shalt  }
0x73: {  	_ =	shalt  }
0x74: {  	_ =	shalt  }
0x75: {  	_ =	shalt  }
0x76: {  	_ =	shalt  }
0x77: {  	_ =	shalt  }
0x78: {  	_ =	shalt  }
0x79: {  	_ =	shalt  }
0x7a: {  	_ =	shalt  }
0x7b: {  	_ =	shalt  }
0x7c: {  	_ =	shalt  }
0x7d: {  	_ =	shalt  }
0x7e: {  	_ =	shalt  }
0x7f: {  	_ =	shalt  }
0x80: {  	_ =	shalt  }
0x81: {  	_ =	shalt  }
0x82: {  	_ =	shalt  }
0x83: {  	_ =	shalt  }
0x84: {  	_ =	shalt  }
0x85: {  	_ =	shalt  }
0x86: {  	_ =	shalt  }
0x87: {  	_ =	shalt  }
.Lfunc_end0:
.L_simem_size_0:
called_computation_lowered:
.L_overlay_start_0:
0x88: {  	s2 =	sld [smem:$0x3FD9]  }
0x89: {  	s3 =	sld [smem:$0x3FFE];
	_ =	sdelay $0x1  }
0x8a: {  	s1 =	srdreg.scid  }
0x8b: {  	s0 =	sand.u32 $0x1, s1  }
0x8c: {  	s17 =	sshll.u32 s0, $0xA;
	s2 =	sadd.s32 s3, s2  }
0x8d: {  	s2 =	sadd.s32 s2, s17  }
0x8e: {  	[smem:$0x3FBD] =	sst s2  }
0x8f: {  	_ = 	snop  }
0x90: {  	s2 =	sld [smem:$0x3FD0];
	(tm) =	ssettm $0x1  }
0x91: {  	s18 =	sld [smem:$0x3FFB];
	_ =	sdelay $0x3  }
0x92: {  	_ =	strace s18  }
0x93: {  	s3 =	sld [smem:$0x3FFC];
	_ =	sdelay $0x3  }
0x94: {  	_ =	strace s3  }
0x95: {  	s3 =	sld [smem:$0x3FFD];
	_ =	sdelay $0x3  }
0x96: {  	_ =	strace s3  }
0x97: {  	_ =	strace $0x8FFFFFFF  }
0x98: {  	s19 =	sld [smem:$0x3FDB];
	_ =	sdelay $0x1  }
0x99: {  	s4 =	simm.s32 $_scs_section_size  }
0x9a: {  	s5 =	simm.s32 $_size__tile_overlayer_lowered;
	s6 =	simm.s32 $_tile_overlayer_lowered  }
0x9b: {  	s22 =	simm.s32 $0x1BFF;
	s21 =	sshll.u32 s6, $0x1;
	s3 =	sadd.s32 s4, s19  }
0x9c: {  	s7 =	simm.s32 $0x0;
	s20 =	sshll.u32 s5, $0x1;
	s5 =	sadd.s32 s21, s3  }
0x9d: {  	[timem:s7], [sflag:s22] =	dma.local [hbm:s5], s20  }
0x9e: {  	_ =	swait.ge [sflag:s22], s20  }
0x9f: {  	s4 =	ssub.s32 $0x0, s20;
	[sflag:s22] =	ssyncset.done $0x0  }
0xa0: {  	[sflag:s22] =	ssyncadd.s32 s4;
	_ =	sdelay $0x1  }
0xa1: {  	s23 =	simm.s32 $0x1B8B  }
0xa2: {  	_ =	swait.ge [sflag:s23], $0x1  }
0xa3: {  	[sflag:s23] =	ssyncset.done $0x0  }
0xa4: {  	s25 =	simm.s32 $0x1B8E;
	s24 =	sld [smem:$0x3FFE];
	[sflag:s23] =	ssyncadd.s32 $0xFFFFFFFF  }
0xa5: {  	s26 =	simm.s32 $execute0_lowered;
	[smem:$0x3FD2] =	sst s25  }
0xa6: {  	s5 =	sshll.u32 s26, $0x1;
	_ =	strace $0x80000046;
	[dreg:$0x1] =	wrdreg $0xFFFFFFFF  }
0xa7: {  	s28 =	simm.s32 $_size_execute0_lowered;
	s3 =	sadd.s32 s3, s5;
	[dreg:$0x0] =	wrdreg $0x0  }
0xa8: {  	s5 =	sshll.u32 s28, $0x1;
	[dreg:$0x2] =	wrdreg s3  }
0xa9: {  	[dreg:$0x3] =	wrdreg s5  }
0xaa: {  	[dreg:$0x4] =	wrdreg $0xC0  }
0xab: {  	_ =	task [dreg:s7], $0x5FFFF  }
0xac: {  	[dreg:$0x1] =	wrdreg $0xFFFFFFFF  }
0xad: {  	[dreg:$0x0] =	wrdreg $0x60  }
0xae: {  	[dreg:$0x2] =	wrdreg s24  }
0xaf: {  	[dreg:$0x3] =	wrdreg s2  }
0xb0: {  	[dreg:$0x4] =	wrdreg $0x8C000  }
0xb1: {  	[dreg:$0x5] =	wrdreg $0x9  }
0xb2: {  	_ =	task.clear_ibuf [dreg:s7], $0x6FFFF;
	_ =	strace $0x90000046  }
0xb3: {  	s29 =	simm.s32 $0x9;
	_ =	strace $0x80000048  }
0xb4: {  	_ =	swait.ge [sflag:s29], $0x1  }
0xb5: {  	[sflag:s29] =	ssyncadd.s32 $0xFFFFFFFF  }
0xb6: {  	_ =	strace $0x90000048  }
0xb7: {  	_ =	sfence  }
0xb8: {  	s30 =	sld [smem:$0x0];
	_ =	sdelay $0x2  }
0xb9: {  	s31 =	sshll.u32 s1, $0xD;
	s1 =	sshrl.u32 s1, $0x2  }
0xba: {  	s3 =	sand.u32 $0x4000, s31;
	s1 =	sadd.s32 s1, s30  }
0xbb: {  	s0 =	sor.u32 s3, s0;
	s1 =	sshll.u32 s1, $0x11  }
0xbc: {  	s0 =	sor.u32 s1, s0  }
0xbd: {  	s0 =	sadd.s32 $0x8F2B, s0  }
0xbe: {  	[sflag:s0] =	ssyncadd.remote.s32 $0x1  }
0xbf: {  	_ =	sfence.sel $0xFFFF  }
0xc0: {  	[dreg:$0x0] =	wrdreg $0xFFFFFFFF;
	(pc) =	sbr.abs _section_cstart, $3  }
0xc1: {  	[dreg:$0x1] =	wrdreg $0xFFFFFFFF  }
0xc2: {  	_ =	task.clear_ibuf [dreg:s7], $0x2FFFF;
	_ =	strace $0x9FFFFFFF  }
0xc3: {  	(tm) =	ssettm $0x7FFFFFFF  }
tec
execute0_lowered:
.L_overlay_start_1:
0x0: {  	(tag) =	ssettag $0x1  }
0x1: {  	s0 =	rddreg [dreg:$0x0]  }
0x2: {  	s2 =	rddreg [dreg:$0x1]  }
0x3: {  	s1 =	rddreg [dreg:$0x2]  }
0x4: {  	s4 =	simm.s32 $0x0;
	s3 =	simm.s32 $0x0;
	s17 =	srdreg.scid  }
0x5: {  	s9 =	stileid.u32;
	s28 =	simm.s32 $0x500;
	s29 =	simm.s32 $0x880  }
0x6: {  	s30 =	simm.s32 $0x580;
	s31 =	simm.s32 $0x900;
	[dreg:$0x4] =	wrdreg s3  }
0x7: {  	[smem:$0x7FF] =	sst s4;
	s4 =	sadd.s32 $0xC200, s0;
	s3 =	sand.u32 $0x1, s17  }
0x8: {  	s6 =	smul.u32 $0x50000, s9;
	s5 =	sadd.s32 $0x2200, s0;
	s0 =	sadd.s32 $0x33400, s0  }
0x9: {  	s8 =	sshll.u32 s9, $0x6;
	s13 =	smul.u32 $0x14000, s9;
	s20 =	sshll.u32 s9, $0x2  }
0xa: {  	s15 =	sshll.u32 s9, $0x4;
	s17 =	simm.s32 $0xB00;
	_ =	strace $0x80000047  }
0xb: {  	[dreg:$0x5] =	wrdreg s0;
	s18 =	ssub.s32 $0x2, s3;
	s16 =	sor.u32 $0x1C03, s8  }
0xc: {  	s11 =	smul.u32 $0x140000, s3;
	p0 =	seq.s32 s3, $0x0;
	s8 =	simm.s32 $0x10  }
0xd: {  	s9 =	sor.u32 $0x100, s20;
	s7 =	sshrl.u32 s18, $0x1;
	s6 =	sshrl.u32 s6, $0x2  }
0xe: {  	s8 =	simm.s32 @!p0 $0x4;
	s9 =	smov.u32 @p0 s15;
	s15 =	simm.s32 $0xA80  }
0xf: {  	s0 =	ssub.s32 s18, s7;
	s6 =	sadd.s32 s6, s1;
	s21 =	sadd.s32 s13, s11  }
0x10: {  	s13 =	simm.s32 $0x3;
	s18 =	simm.s32 $0x4;
	s11 =	simm.s32 $0xA00  }
0x11: {  	s19 =	sadd.s32 $0x4000, s6;
	s10 =	sadd.s32 $0x8000, s6;
	s12 =	sadd.s32 $0xC000, s6  }
0x12: {  	s14 =	sadd.s32 $0x10000, s6;
	s3 =	sshrl.u32 s21, $0x3;
	s0 =	smax.u32 s0, $0x1  }
0x13: {  	s23 =	sshrl.u32 s6, $0x3;
	s6 =	smov.u32 s16;
	s21 =	simm.s32 $0xC00  }
0x14: {  	s16 =	simm.s32 $0x780;
	s2 =	sadd.s32 s2, s3;
	[dreg:$0x8] =	wrdreg s0  }
0x15: {  	s22 =	sshrl.u32 s19, $0x3;
	s24 =	sshrl.u32 s10, $0x3;
	[dreg:$0x6] =	wrdreg s6  }
0x16: {  	s25 =	sshrl.u32 s12, $0x3;
	s26 =	sshrl.u32 s14, $0x3;
	[dreg:$0x7] =	wrdreg s2  }
.Ltmp0:
0x17: {  	s19 =	simm.s32 $0x80;
	[dreg:$0x9] =	wrdreg s22;
	(pc) =	sbr.rel .LBB2_1-.Ltmp0, $4  }
0x18: {  	s0 =	simm.s32 $0x600;
	s10 =	simm.s32 $0x680;
	[dreg:$0xa] =	wrdreg s24  }
0x19: {  	s14 =	simm.s32 $0x700;
	s12 =	simm.s32 $0xB80;
	[dreg:$0xb] =	wrdreg s25  }
0x1a: {  	[dreg:$0xc] =	wrdreg s26;
	s22 =	simm.s32 $0x1;
	s24 =	simm.s32 $0x4C00  }
0x1b: {  	s25 =	simm.s32 $0x800;
	s26 =	simm.s32 $0x2;
	s2 =	simm.s32 $0x980  }
.LBB2_7:
0x1c: {  	[bflag:$0x0] =	sbarrier.arrive $0xFFFF  }
0x1d: {  	s6 =	rddreg [dreg:$0x6]  }
0x1e: {  	s3 =	rddreg [dreg:$0x7]  }
0x1f: {  	[hbm:s3], [sflag:s6] =	dma.local [spmem:s23], $0x2800  }
0x20: {  	_ =	swait.ge [sflag:s13], $0x2800  }
0x21: {  	s20 =	rddreg [dreg:$0x4]  }
0x22: {  	s7 =	rddreg [dreg:$0x8];
	s3 =	sadd.s32 $0x1, s20  }
0x23: {  	p0 =	sne.s32 s3, s7  }
.Ltmp1:
0x24: {  	_ = 	snop;
	(pc) =	sbr.rel @!p0 .LBB2_8-.Ltmp1, $3  }
0x25: {  	_ =	sdelay $0x1  }
0x26: {  	[sflag:s13] =	ssyncset.done $0x0  }
0x27: {  	[sflag:s13] =	ssyncadd.s32 $0xFFFFD800;
	[dreg:$0x4] =	wrdreg s3  }
.LBB2_1:
0x28: {  	s3 =	rddreg [dreg:$0x5]  }
0x29: {  	[spmem:s23], [sflag:s6] =	dma.local [hbm:s3], $0x800  }
0x2a: {  	_ =	swait.ge [sflag:s13], $0x800  }
0x2b: {  	[sflag:s13] =	ssyncset.done $0x0  }
0x2c: {  	s7 =	rddreg [dreg:$0x9];
	[sflag:s13] =	ssyncadd.s32 $0xFFFFF800  }
0x2d: {  	[spmem:s7], [sflag:s6] =	dma.local [hbm:s3], $0x800  }
0x2e: {  	_ =	swait.ge [sflag:s13], $0x800  }
0x2f: {  	[sflag:s13] =	ssyncset.done $0x0  }
0x30: {  	s20 =	rddreg [dreg:$0xa];
	[sflag:s13] =	ssyncadd.s32 $0xFFFFF800  }
0x31: {  	[spmem:s20], [sflag:s6] =	dma.local [hbm:s3], $0x800  }
0x32: {  	_ =	swait.ge [sflag:s13], $0x800  }
0x33: {  	[sflag:s13] =	ssyncset.done $0x0  }
0x34: {  	s20 =	rddreg [dreg:$0xb];
	[sflag:s13] =	ssyncadd.s32 $0xFFFFF800  }
0x35: {  	[spmem:s20], [sflag:s6] =	dma.local [hbm:s3], $0x800  }
0x36: {  	_ =	swait.ge [sflag:s13], $0x800  }
0x37: {  	[sflag:s13] =	ssyncset.done $0x0  }
0x38: {  	s20 =	rddreg [dreg:$0xc];
	[sflag:s13] =	ssyncadd.s32 $0xFFFFF800  }
0x39: {  	[spmem:s20], [sflag:s6] =	dma.local [hbm:s3], $0x800  }
.Ltmp2:
0x3a: {  	_ =	swait.ge [sflag:s13], $0x800;
	(pc) =	sbr.rel .LBB2_2-.Ltmp2, $4  }
0x3b: {  	[sflag:s13] =	ssyncset.done $0x0  }
0x3c: {  	[sflag:s13] =	ssyncadd.s32 $0xFFFFF800  }
0x3d: {  	[bflag:$0x0] =	sbarrier.arrive $0xFFFF  }
0x3e: {  	s6 =	simm.s32 $0x0  }
.LBB2_6:
0x3f: {  	s6 =	sadd.s32 $0x1, s6  }
0x40: {  	p0 =	sne.s32 s6, $0x10  }
.Ltmp3:
0x41: {  	_ = 	snop;
	(pc) =	sbr.rel @!p0 .LBB2_7-.Ltmp3, $1  }
0x42: {  	_ =	sdelay $0x3  }
.LBB2_2:
0x43: {  	p0 =	sge.u32 s6, s8  }
.Ltmp4:
0x44: {  	_ = 	snop;
	(pc) =	sbr.rel @p0 .LBB2_6-.Ltmp4, $1  }
0x45: {  	_ =	sdelay $0x3  }
0x46: {  	s3 =	sadd.s32 s9, s6  }
0x47: {  	s3 =	sshll.u32 s3, $0x7  }
0x48: {  	s7 =	simm.s32 $0x0;
	s3 =	sadd.s32 s5, s3  }
0x49: {  	[tilespmem:s7], [sflag:$0x4] =	stream.linear.gather [hbm4b:s3+s7], $0x400, $0x38;
	[tilespmem:$0x1CC00] =	vst v63  }
0x4a: {  	_ =	swait.ge [sflag:s18], $0x400  }
0x4b: {  	[sflag:s18] =	ssyncset.done $0x0  }
0x4c: {  	s7 =	simm.s32 $0x0;
	[sflag:s18] =	ssyncadd.s32 $0xFFFFFC00  }
0x4d: {  	v0 =	vld [tilespmem:s7+$0x0]  }
0x4e: {  	s3 =	simm.s32 $0x40  }
.LBB2_4:
0x4f: {  	p0 =	sne.s32 s3, $0xFC0  }
.Ltmp5:
0x50: {  	_ = 	snop;
	(pc) =	sbr.rel @p0 .LBB2_4-.Ltmp5, $4  }
0x51: {  	_ = 	snop  }
0x52: {  	s20 =	sshra.s32 s3, $0x2;
	s3 =	sadd.s32 $0x40, s3;
	v1 =	vand.u32 $0x3FFF, v0;
	v2 =	vshrl.u32 v0, $0xE  }
0x53: {  	v0 =	vld [tilespmem:s20+$0x0];
	[tilespmem:s7+$0x800] =	vst v2  }
0x54: {  	[tilespmem:s7+$0x400] =	vst v1;
	s7 =	smov.u32 s20  }
0x55: {  	_ =	sdelay $0x2  }
0x56: {  	v1 =	vshrl.u32 v0, $0xE  }
0x57: {  	v63 =	vand.u32 $0x3FFF, v0;
	[tilespmem:s7+$0x800] =	vst v1  }
0x58: {  	s3 =	simm.s32 $0x400;
	[tilespmem:s7+$0x400] =	vst v63  }
0x59: {  	[tilespmem:s21], [sflag:$0x1] =	stream.indirect.gather [hbm4b:s4+s19], $0x80, s3, s19, $0xb8;
	[tilespmem:$0x1CC00] =	vst v63  }
0x5a: {  	_ =	swait.ge [sflag:s22], $0x4000  }
0x5b: {  	[sflag:s22] =	ssyncset.done $0x0  }
0x5c: {  	s20 =	simm.s32 $0x480;
	[sflag:s22] =	ssyncadd.s32 $0xFFFFC000  }
0x5d: {  	[tilespmem:s24], [sflag:$0x2] =	stream.indirect.gather [hbm4b:s4+s19], $0x80, s20, s19, $0xb8;
	[tilespmem:$0x1CC00] =	vst v63  }
0x5e: {  	_ = 	snop  }
0x5f: {  	[spmem:s1] =	stream.indirect.scatter.add.f32 [tilespmem:s21], [sflag:$0x4], $0x80, s25, s19, $0xb8;
	[tilespmem:$0x1CC00] =	vst v63  }
0x60: {  	_ =	swait.ge [sflag:s18], $0x4000  }
0x61: {  	[sflag:s18] =	ssyncset.done $0x0  }
0x62: {  	[sflag:s18] =	ssyncadd.s32 $0xFFFFC000  }
0x63: {  	_ =	swait.ge [sflag:s26], $0x4000  }
0x64: {  	[sflag:s26] =	ssyncset.done $0x0  }
0x65: {  	[sflag:s26] =	ssyncadd.s32 $0xFFFFC000  }
0x66: {  	[tilespmem:s21], [sflag:$0x1] =	stream.indirect.gather [hbm4b:s4+s19], $0x80, s28, s19, $0xb8;
	[tilespmem:$0x1CC00] =	vst v63  }
0x67: {  	_ = 	snop  }
0x68: {  	[spmem:s1] =	stream.indirect.scatter.add.f32 [tilespmem:s24], [sflag:$0x4], $0x80, s29, s19, $0xb8;
	[tilespmem:$0x1CC00] =	vst v63  }
0x69: {  	_ =	swait.ge [sflag:s18], $0x4000  }
0x6a: {  	[sflag:s18] =	ssyncset.done $0x0  }
0x6b: {  	[sflag:s18] =	ssyncadd.s32 $0xFFFFC000  }
0x6c: {  	_ =	swait.ge [sflag:s22], $0x4000  }
0x6d: {  	[sflag:s22] =	ssyncset.done $0x0  }
0x6e: {  	[sflag:s22] =	ssyncadd.s32 $0xFFFFC000  }
0x6f: {  	[tilespmem:s24], [sflag:$0x2] =	stream.indirect.gather [hbm4b:s4+s19], $0x80, s30, s19, $0xb8;
	[tilespmem:$0x1CC00] =	vst v63  }
0x70: {  	_ = 	snop  }
0x71: {  	[spmem:s1] =	stream.indirect.scatter.add.f32 [tilespmem:s21], [sflag:$0x4], $0x80, s31, s19, $0xb8;
	[tilespmem:$0x1CC00] =	vst v63  }
0x72: {  	_ =	swait.ge [sflag:s18], $0x4000  }
0x73: {  	[sflag:s18] =	ssyncset.done $0x0  }
0x74: {  	[sflag:s18] =	ssyncadd.s32 $0xFFFFC000  }
0x75: {  	_ =	swait.ge [sflag:s26], $0x4000  }
0x76: {  	[sflag:s26] =	ssyncset.done $0x0  }
0x77: {  	[sflag:s26] =	ssyncadd.s32 $0xFFFFC000  }
0x78: {  	[tilespmem:s21], [sflag:$0x1] =	stream.indirect.gather [hbm4b:s4+s19], $0x80, s0, s19, $0xb8;
	[tilespmem:$0x1CC00] =	vst v63  }
0x79: {  	_ = 	snop  }
0x7a: {  	[spmem:s1] =	stream.indirect.scatter.add.f32 [tilespmem:s24], [sflag:$0x4], $0x80, s2, s19, $0xb8;
	[tilespmem:$0x1CC00] =	vst v63  }
0x7b: {  	_ =	swait.ge [sflag:s18], $0x4000  }
0x7c: {  	[sflag:s18] =	ssyncset.done $0x0  }
0x7d: {  	[sflag:s18] =	ssyncadd.s32 $0xFFFFC000  }
0x7e: {  	_ =	swait.ge [sflag:s22], $0x4000  }
0x7f: {  	[sflag:s22] =	ssyncset.done $0x0  }
0x80: {  	[sflag:s22] =	ssyncadd.s32 $0xFFFFC000  }
0x81: {  	[tilespmem:s24], [sflag:$0x2] =	stream.indirect.gather [hbm4b:s4+s19], $0x80, s10, s19, $0xb8;
	[tilespmem:$0x1CC00] =	vst v63  }
0x82: {  	_ = 	snop  }
0x83: {  	[spmem:s1] =	stream.indirect.scatter.add.f32 [tilespmem:s21], [sflag:$0x4], $0x80, s11, s19, $0xb8;
	[tilespmem:$0x1CC00] =	vst v63  }
0x84: {  	_ =	swait.ge [sflag:s18], $0x4000  }
0x85: {  	[sflag:s18] =	ssyncset.done $0x0  }
0x86: {  	[sflag:s18] =	ssyncadd.s32 $0xFFFFC000  }
0x87: {  	_ =	swait.ge [sflag:s26], $0x4000  }
0x88: {  	[sflag:s26] =	ssyncset.done $0x0  }
0x89: {  	[sflag:s26] =	ssyncadd.s32 $0xFFFFC000  }
0x8a: {  	[tilespmem:s21], [sflag:$0x1] =	stream.indirect.gather [hbm4b:s4+s19], $0x80, s14, s19, $0xb8;
	[tilespmem:$0x1CC00] =	vst v63  }
0x8b: {  	_ = 	snop  }
0x8c: {  	[spmem:s1] =	stream.indirect.scatter.add.f32 [tilespmem:s24], [sflag:$0x4], $0x80, s15, s19, $0xb8;
	[tilespmem:$0x1CC00] =	vst v63  }
0x8d: {  	_ =	swait.ge [sflag:s18], $0x4000  }
0x8e: {  	[sflag:s18] =	ssyncset.done $0x0  }
0x8f: {  	[sflag:s18] =	ssyncadd.s32 $0xFFFFC000  }
0x90: {  	_ =	swait.ge [sflag:s22], $0x4000  }
0x91: {  	[sflag:s22] =	ssyncset.done $0x0  }
0x92: {  	[sflag:s22] =	ssyncadd.s32 $0xFFFFC000  }
0x93: {  	[tilespmem:s24], [sflag:$0x2] =	stream.indirect.gather [hbm4b:s4+s19], $0x80, s16, s19, $0xb8;
	[tilespmem:$0x1CC00] =	vst v63  }
0x94: {  	_ = 	snop  }
0x95: {  	[spmem:s1] =	stream.indirect.scatter.add.f32 [tilespmem:s21], [sflag:$0x4], $0x80, s17, s19, $0xb8;
	[tilespmem:$0x1CC00] =	vst v63  }
0x96: {  	_ =	swait.ge [sflag:s18], $0x4000  }
0x97: {  	[sflag:s18] =	ssyncset.done $0x0  }
0x98: {  	[sflag:s18] =	ssyncadd.s32 $0xFFFFC000  }
0x99: {  	_ =	swait.ge [sflag:s26], $0x4000  }
0x9a: {  	[sflag:s26] =	ssyncset.done $0x0  }
.Ltmp6:
0x9b: {  	[sflag:s26] =	ssyncadd.s32 $0xFFFFC000;
	(pc) =	sbr.rel .LBB2_6-.Ltmp6, $4  }
0x9c: {  	[spmem:s1] =	stream.indirect.scatter.add.f32 [tilespmem:s24], [sflag:$0x3], $0x80, s12, s19, $0xb8;
	[tilespmem:$0x1CC00] =	vst v63  }
0x9d: {  	_ =	swait.ge [sflag:s13], $0x4000  }
0x9e: {  	[sflag:s13] =	ssyncset.done $0x0  }
0x9f: {  	[sflag:s13] =	ssyncadd.s32 $0xFFFFC000  }
.LBB2_8:
0xa0: {  	_ =	sfence.sel $0x180000  }
0xa1: {  	[bflag:$0x0] =	sbarrier.arrive $0xFFFF  }
0xa2: {  	_ =	strace $0x90000047  }
0xa3: {  	s0 =	stileid.u32;
	[bflag:$0x2] =	sbarrier.arrive $0xFFFF  }
0xa4: {  	p0 =	sne.s32 s0, $0x0;
	s0 =	rddreg [dreg:$0x3]  }
0xa5: {  	s0 =	sadd.s32 @!p0 $0x100000, s0  }
0xa6: {  	[sflag:s0] =	ssyncadd.tile.s32 @!p0 $0x1;
	_ =	shalt  }
.Lfunc_end2:
_tile_overlayer_lowered:
.L_overlay_start_2:
0xa7: {  	(tag) =	ssettag $0x2  }
0xa8: {  	s0 =	rddreg [dreg:$0x0];
	s2 =	stileid.u32  }
0xa9: {  	s1 =	rddreg [dreg:$0x1];
	p0 =	sne.s32 s2, $0x0  }
0xaa: {  	s3 =	rddreg [dreg:$0x2];
	[bflag:$0x3] =	sbarrier.arrive $0xFFFF;
	s2 =	simm.s32 @!p0 $0x1C03  }
0xab: {  	[timem:s3], [sflag:s2] =	dma.local @!p0 [hbm:s0], s1  }
0xac: {  	s0 =	simm.s32 @!p0 $0x3  }
0xad: {  	_ =	swait.ge @!p0 [sflag:s0], s1  }
0xae: {  	s1 =	ssub.s32 @!p0 $0x0, s1;
	[sflag:s0] =	ssyncset.done @!p0 $0x0  }
0xaf: {  	[sflag:s0] =	ssyncadd.s32 @!p0 s1  }
0xb0: {  	[bflag:$0x3] =	sbarrier.arrive $0xFFFF  }
0xb1: {  	_ =	shalt  }

</sc_bundles>
